<compile_context>
chip_gen: v7x
topology: tpu7x:2x2x1
jax: 0.10.2.dev20260603
libtpu: 0.0.44.dev20260713+nightly
codegen_flags: <defaults>
</compile_context>

<pallas_src>
import functools

import jax
import jax.numpy as jnp
from jax import lax
from jax.experimental import pallas as pl
from jax.experimental.pallas import tpu as pltpu
from jax.experimental.pallas import tpu_sc as plsc

B, N, F = 16, 576, 768
H, M = 12, 1024
D = F // H
BN = B * N
TN = 768
GRID = BN // TN
EXPIRE_THRESHOLD = 0.05

NC, NS = 2, 16
NW = NC * NS
CHUNKS_PER_HEAD = 16
TASK_ROWS = BN // CHUNKS_PER_HEAD
TASKS_PER_WORKER = (H * CHUNKS_PER_HEAD) // NW
GSZ = 96
GATHERS_PER_TASK = TASK_ROWS // GSZ


def _vq_body(x_ref, cbT_ref, be_ref,
             gidx_ref, loss_ref, perp_ref, repl_ref,
             counts_s, loss_s, c2_s, idxc_s):
    i = pl.program_id(0)

    @pl.when(i == 0)
    def _init():
        counts_s[...] = jnp.zeros_like(counts_s)
        loss_s[0] = jnp.float32(0.0)
        for h in range(H):
            cTn = cbT_ref[h]
            c2_s[h:h + 1, :] = 0.25 * jnp.sum(cTn * cTn, axis=0,
                                              keepdims=True)
    xb = x_ref[...]
    ones_row = jnp.ones((1, TN), dtype=jnp.float32)
    iota = jax.lax.broadcasted_iota(jnp.int32, (TN, M), 1)
    loss_acc = jnp.float32(0.0)
    for h in range(H):
        q = jax.lax.slice(xb, (0, h * D), (TN, (h + 1) * D))
        cT = cbT_ref[h]
        qc = jax.lax.dot_general(q, cT, (((1,), (0,)), ((), ())),
                                 preferred_element_type=jnp.float32)
        c2 = c2_s[h:h + 1, :]
        s = c2 + qc
        minv = jnp.min(s, axis=1, keepdims=True)
        eqm = s == minv
        sel = jnp.where(eqm, iota, M)
        idxh = jnp.min(sel, axis=1, keepdims=True)
        idxc_s[:, h:h + 1] = idxh + jnp.int32(h * M)
        ohf = eqm.astype(jnp.float32)
        cnt = jax.lax.dot_general(ones_row, ohf, (((1,), (0,)), ((), ())),
                                  preferred_element_type=jnp.float32)
        counts_s[h:h + 1, :] = counts_s[h:h + 1, :] + cnt
        q2 = jnp.sum(q * q, axis=1, keepdims=True)
        loss_acc = loss_acc + jnp.sum(jnp.maximum(q2 + minv, 0.0))

    loss_s[0] = loss_s[0] + loss_acc
    gidx_ref[...] = jax.lax.transpose(idxc_s[...], (1, 0))

    @pl.when(i == GRID - 1)
    def _fin():
        loss_ref[0, 0] = loss_s[0] / jnp.float32(BN * F)
        mean = counts_s[...] * jnp.float32(1.0 / BN)
        ent = jnp.sum(mean * jnp.log(mean + 1e-10), axis=1)
        perp_ref[...] = jnp.broadcast_to(jnp.exp(-ent)[:, None], (H, 128))
        expired = (be_ref[...] < EXPIRE_THRESHOLD).astype(jnp.int32)
        repl_ref[...] = jnp.broadcast_to(jnp.sum(expired, axis=1)[:, None],
                                         (H, 128))


_sc_mesh = plsc.VectorSubcoreMesh(core_axis_name="c", subcore_axis_name="s")


@functools.partial(
    pl.kernel,
    mesh=_sc_mesh,
    out_type=jax.ShapeDtypeStruct((BN, H, D), jnp.float32),
    scratch_types=[
        pltpu.VMEM((TASK_ROWS,), jnp.int32),
        pltpu.VMEM((TASK_ROWS,), jnp.int32),
        pltpu.VMEM((TASK_ROWS, D), jnp.float32),
        pltpu.VMEM((TASK_ROWS, D), jnp.float32),
        pltpu.SemaphoreType.DMA,
        pltpu.SemaphoreType.DMA,
    ],
    compiler_params=pltpu.CompilerParams(use_tc_tiling_on_sc=False),
)
def _sc_gather(cb_hbm, gidx_hbm, out_hbm, idx_v0, idx_v1, rows_v0, rows_v1,
               gsem, wsem):
    wid = lax.axis_index("s") * NC + lax.axis_index("c")
    idx_bufs = [idx_v0, idx_v1]
    row_bufs = [rows_v0, rows_v1]

    def _hc(t):
        task = wid * TASKS_PER_WORKER + t
        return task // CHUNKS_PER_HEAD, task % CHUNKS_PER_HEAD

    h0, c0 = _hc(0)
    pltpu.sync_copy(gidx_hbm.at[h0, pl.ds(c0 * TASK_ROWS, TASK_ROWS)], idx_v0)
    write_handles = [None, None]
    for t in range(TASKS_PER_WORKER):
        ib = idx_bufs[t % 2]
        rb = row_bufs[t % 2]
        h, ch = _hc(t)
        wh = write_handles[t % 2]
        if wh is not None:
            wh.wait()
            write_handles[t % 2] = None
        handles = []
        for j in range(GATHERS_PER_TASK):
            handles.append(pltpu.async_copy(
                cb_hbm.at[ib.at[pl.ds(j * GSZ, GSZ)]],
                rb.at[pl.ds(j * GSZ, GSZ)],
                gsem))
        if t + 1 < TASKS_PER_WORKER:
            hn, cn = _hc(t + 1)
            pltpu.sync_copy(
                gidx_hbm.at[hn, pl.ds(cn * TASK_ROWS, TASK_ROWS)],
                idx_bufs[(t + 1) % 2])
        for hd in handles:
            hd.wait()
        write_handles[t % 2] = pltpu.async_copy(
            rb, out_hbm.at[pl.ds(ch * TASK_ROWS, TASK_ROWS), h], wsem)
    for wh in write_handles:
        if wh is not None:
            wh.wait()


def kernel(x, codebooks, budget_ema):
    xr = x.reshape(BN, F)
    cbT = codebooks.transpose(0, 2, 1) * jnp.float32(-2.0)

    gidx_o, loss_o, perp_o, repl_o = pl.pallas_call(
        _vq_body,
        grid=(GRID,),
        in_specs=[
            pl.BlockSpec((TN, F), lambda i: (i, 0)),
            pl.BlockSpec((H, D, M), lambda i: (0, 0, 0)),
            pl.BlockSpec((H, M), lambda i: (0, 0)),
        ],
        out_specs=[
            pl.BlockSpec((16, TN), lambda i: (0, i)),
            pl.BlockSpec(memory_space=pltpu.SMEM),
            pl.BlockSpec((H, 128), lambda i: (0, 0)),
            pl.BlockSpec((H, 128), lambda i: (0, 0)),
        ],
        out_shape=[
            jax.ShapeDtypeStruct((16, BN), jnp.int32),
            jax.ShapeDtypeStruct((1, 1), jnp.float32),
            jax.ShapeDtypeStruct((H, 128), jnp.float32),
            jax.ShapeDtypeStruct((H, 128), jnp.int32),
        ],
        scratch_shapes=[
            pltpu.VMEM((H, M), jnp.float32),
            pltpu.SMEM((1,), jnp.float32),
            pltpu.VMEM((H, M), jnp.float32),
            pltpu.VMEM((TN, 16), jnp.int32),
        ],
        compiler_params=pltpu.CompilerParams(
            dimension_semantics=("arbitrary",),
        ),
    )(xr, cbT, budget_ema)

    cb_flat = codebooks.reshape(H * M, D)
    out_rhd = _sc_gather(cb_flat, gidx_o)

    out = out_rhd.reshape(B, N, F)
    codebook_indices = (gidx_o[:H, :]
                        - (jnp.arange(H, dtype=jnp.int32) * M)[:, None]
                        ).reshape(H, B, N).transpose(1, 0, 2)
    loss = loss_o[0, 0]
    perp = perp_o[:, 0]
    replaced_codes = repl_o[:, 0]
    return (out, codebook_indices, loss, perp, replaced_codes, budget_ema)

# --- scband reference (transcript-rebuilt; emitter-appended) ---
"""Pipeline reference for scband-bvq-86698209837076 (READ-ONLY COPY).

The authoritative reference and input builder live on the scoring server;
editing this copy changes nothing except your own understanding.
"""

import jax, jax.numpy as jnp
import numpy as np

B, N, F = 16, 576, 768
H, M = 12, 1024
D = F // H
EXPIRE_THRESHOLD = 0.05


def setup_inputs(seed: int = 0) -> dict:
    key = jax.random.key(seed)
    k1, k2 = jax.random.split(key)
    x = jax.random.normal(k1, (B, N, F), dtype=jnp.float32)
    codebooks = jax.random.normal(k2, (H, M, D), dtype=jnp.float32)
    budget_ema = jnp.ones((H, M), dtype=jnp.float32)
    return {"x": x, "codebooks": codebooks, "budget_ema": budget_ema}


def reference(x, codebooks, budget_ema):
    b, n, f = x.shape
    h, m, d = codebooks.shape
    # rearrange 'b n (h d) -> b h n d'
    q = x.reshape(b, n, h, d).transpose(0, 2, 1, 3)
    # sim = -cdist(q, c, p=2)
    q2 = jnp.sum(q * q, axis=-1)[..., None]              # b h n 1
    c2 = jnp.sum(codebooks * codebooks, axis=-1)[None, :, None, :]  # 1 h 1 m
    qc = jnp.einsum('bhnd,hmd->bhnm', q, codebooks)
    d2 = jnp.maximum(q2 + c2 - 2.0 * qc, 0.0)
    dist = jnp.sqrt(d2)
    sim = -dist
    codebook_indices = jnp.argmax(sim, axis=-1)          # b h n (int)
    # one-hot attention and gather (einsum with one-hot == gather)
    attn = jax.nn.one_hot(codebook_indices, m, dtype=jnp.float32)  # b h n m
    h_idx = jnp.arange(h)[None, :, None]
    out = codebooks[h_idx, codebook_indices]             # b h n d via gather
    # rearrange 'b h n d -> b n (h d)'
    out = out.transpose(0, 2, 1, 3).reshape(b, n, f)
    # eval mode: no straight-through, no EMA updates
    loss = jnp.mean((x - out) ** 2)
    # perplexity
    mean = jnp.mean(attn, axis=(0, 2))                   # h m
    perp = jnp.exp(-jnp.sum(mean * jnp.log(mean + 1e-10), axis=-1))  # h
    # expire_dead_codes (eval path: just count, no replacement)
    expired = budget_ema < EXPIRE_THRESHOLD
    replaced_codes = jnp.sum(expired.astype(jnp.int32), axis=-1)     # h
    return (out, codebook_indices, loss, perp, replaced_codes, budget_ema)

if __name__ == "__main__":
    import jax
    _d = setup_inputs()
    print(jax.jit(kernel)(*tuple(_d.values())))

</pallas_src>

<mosaic_0001>
#map = affine_map<(d0, d1) -> (0, 0)>
#map1 = affine_map<(d0, d1) -> (0, 0, 0)>
module attributes {stable_mosaic.version = 14 : i64} {
  func.func @_sc_gather(%arg0: i32, %arg1: i32, %arg2: memref<12288x64xf32, #tpu.memory_space<hbm>>, %arg3: memref<16x9216xi32, #tpu.memory_space<hbm>>, %arg4: memref<9216x12x64xf32, #tpu.memory_space<hbm>>, %arg5: memref<576xi32, #tpu.memory_space<vmem>>, %arg6: memref<576xi32, #tpu.memory_space<vmem>>, %arg7: memref<576x64xf32, #tpu.memory_space<vmem>>, %arg8: memref<576x64xf32, #tpu.memory_space<vmem>>, %arg9: memref<!tpu.dma_semaphore, #tpu.memory_space<semaphore_mem>>, %arg10: memref<!tpu.dma_semaphore, #tpu.memory_space<semaphore_mem>>) attributes {dimension_semantics = [#tpu.dimension_semantics<core_parallel>, #tpu.dimension_semantics<subcore_parallel>], iteration_bounds = array<i64: 2, 16>, scalar_prefetch = 0 : i64, scratch_operands = 6 : i64, tpu.core_type = #tpu.core_type<sc_vector_subcore>, window_params = [{transform_indices = #map}, {transform_indices = #map}, {transform_indices = #map1}]} {
    %mul3A = arith.constant 2 : i32
    %mul3A_0 = arith.muli %arg1, %mul3A : i32
    %add3A = arith.addi %mul3A_0, %arg0 : i32
    %mul3A_1 = arith.constant 6 : i32
    %mul3A_2 = arith.muli %add3A, %mul3A_1 : i32
    %add3A_3 = arith.constant 0 : i32
    %add3A_4 = arith.addi %mul3A_2, %add3A_3 : i32
    %jit3A = arith.constant 16 : i32
    %div3A = arith.divsi %add3A_4, %jit3A : i32
    %sign3A = arith.constant 0 : i32
    %sign3A_5 = arith.cmpi sgt, %add3A_4, %sign3A : i32
    %sign3A_6 = arith.extui %sign3A_5 : i1 to i32
    %sign3A_7 = arith.constant 0 : i32
    %sign3A_8 = arith.cmpi slt, %add3A_4, %sign3A_7 : i32
    %sign3A_9 = arith.extui %sign3A_8 : i1 to i32
    %sign3A_10 = arith.subi %sign3A_6, %sign3A_9 : i32
    %sign3A_11 = arith.constant 0 : i32
    %sign3A_12 = arith.cmpi sgt, %jit3A, %sign3A_11 : i32
    %sign3A_13 = arith.extui %sign3A_12 : i1 to i32
    %sign3A_14 = arith.constant 0 : i32
    %sign3A_15 = arith.cmpi slt, %jit3A, %sign3A_14 : i32
    %sign3A_16 = arith.extui %sign3A_15 : i1 to i32
    %sign3A_17 = arith.subi %sign3A_13, %sign3A_16 : i32
    %ne3A = arith.cmpi ne, %sign3A_10, %sign3A_17 : i32
    %rem3A = arith.remsi %add3A_4, %jit3A : i32
    %ne3A_18 = arith.constant 0 : i32
    %ne3A_19 = arith.cmpi ne, %rem3A, %ne3A_18 : i32
    %and3A = arith.andi %ne3A, %ne3A_19 : i1
    %sub3A = arith.constant 1 : i32
    %sub3A_20 = arith.subi %div3A, %sub3A : i32
    %select_n3A = arith.select %and3A, %sub3A_20, %div3A : i32
    %jit3A_21 = arith.constant 16 : i32
    %eq3A = arith.constant 0 : i32
    %eq3A_22 = arith.cmpi eq, %jit3A_21, %eq3A : i32
    %jit3A_23 = arith.constant 1 : i32
    %select_n3A_24 = arith.select %eq3A_22, %jit3A_23, %jit3A_21 : i32
    %rem3A_25 = arith.remsi %add3A_4, %select_n3A_24 : i32
    %ne3A_26 = arith.constant 0 : i32
    %ne3A_27 = arith.cmpi ne, %rem3A_25, %ne3A_26 : i32
    %lt3A = arith.constant 0 : i32
    %lt3A_28 = arith.cmpi slt, %rem3A_25, %lt3A : i32
    %lt3A_29 = arith.constant 0 : i32
    %lt3A_30 = arith.cmpi slt, %select_n3A_24, %lt3A_29 : i32
    %ne3A_31 = arith.xori %lt3A_28, %lt3A_30 : i1
    %and3A_32 = arith.andi %ne3A_31, %ne3A_27 : i1
    %add3A_33 = arith.addi %rem3A_25, %select_n3A_24 : i32
    %select_n3A_34 = arith.select %and3A_32, %add3A_33, %rem3A_25 : i32
    %mul3A_35 = arith.constant 576 : i32
    %mul3A_36 = arith.muli %select_n3A_34, %mul3A_35 : i32
    "tpu.region"() ({
      %run_scoped3A = tpu.sem_alloc : memref<!tpu.dma_semaphore, #tpu.memory_space<semaphore_mem>>
      %dma_start3A_1189 = tpu.memref_slice %arg3[%select_n3A, %mul3A_36] : memref<16x9216xi32, #tpu.memory_space<hbm>> -> memref<1x576xi32, #tpu.memory_space<hbm>>
      %dma_start3A_1190 = tpu.memref_squeeze %dma_start3A_1189 : memref<1x576xi32, #tpu.memory_space<hbm>> -> memref<576xi32, #tpu.memory_space<hbm>>
      %dma_start3A_1191 = tpu.memref_slice %arg3[%select_n3A, %mul3A_36] : memref<16x9216xi32, #tpu.memory_space<hbm>> -> memref<1x576xi32, #tpu.memory_space<hbm>>
      %dma_start3A_1192 = tpu.memref_squeeze %dma_start3A_1191 : memref<1x576xi32, #tpu.memory_space<hbm>> -> memref<576xi32, #tpu.memory_space<hbm>>
      tpu.enqueue_dma source(%dma_start3A_1192 : memref<576xi32, #tpu.memory_space<hbm>>) target(%arg5 : memref<576xi32, #tpu.memory_space<vmem>>) target_semaphore(%run_scoped3A : memref<!tpu.dma_semaphore, #tpu.memory_space<semaphore_mem>>)
      %dma_wait3A_1193 = tpu.memref_slice %arg3[%select_n3A, %mul3A_36] : memref<16x9216xi32, #tpu.memory_space<hbm>> -> memref<1x576xi32, #tpu.memory_space<hbm>>
      %dma_wait3A_1194 = tpu.memref_squeeze %dma_wait3A_1193 : memref<1x576xi32, #tpu.memory_space<hbm>> -> memref<576xi32, #tpu.memory_space<hbm>>
      %dma_wait3A_1195 = tpu.memref_slice %arg3[%select_n3A, %mul3A_36] : memref<16x9216xi32, #tpu.memory_space<hbm>> -> memref<1x576xi32, #tpu.memory_space<hbm>>
      %dma_wait3A_1196 = tpu.memref_squeeze %dma_wait3A_1195 : memref<1x576xi32, #tpu.memory_space<hbm>> -> memref<576xi32, #tpu.memory_space<hbm>>
      tpu.wait_dma2 semaphore(%run_scoped3A : memref<!tpu.dma_semaphore, #tpu.memory_space<semaphore_mem>>) src(%dma_wait3A_1196 : memref<576xi32, #tpu.memory_space<hbm>>) dst(%arg5 : memref<576xi32, #tpu.memory_space<vmem>>)
      tpu.yield
    }) : () -> ()
    %mul3A_37 = arith.constant 6 : i32
    %mul3A_38 = arith.muli %add3A, %mul3A_37 : i32
    %add3A_39 = arith.constant 0 : i32
    %add3A_40 = arith.addi %mul3A_38, %add3A_39 : i32
    %jit3A_41 = arith.constant 16 : i32
    %div3A_42 = arith.divsi %add3A_40, %jit3A_41 : i32
    %sign3A_43 = arith.constant 0 : i32
    %sign3A_44 = arith.cmpi sgt, %add3A_40, %sign3A_43 : i32
    %sign3A_45 = arith.extui %sign3A_44 : i1 to i32
    %sign3A_46 = arith.constant 0 : i32
    %sign3A_47 = arith.cmpi slt, %add3A_40, %sign3A_46 : i32
    %sign3A_48 = arith.extui %sign3A_47 : i1 to i32
    %sign3A_49 = arith.subi %sign3A_45, %sign3A_48 : i32
    %sign3A_50 = arith.constant 0 : i32
    %sign3A_51 = arith.cmpi sgt, %jit3A_41, %sign3A_50 : i32
    %sign3A_52 = arith.extui %sign3A_51 : i1 to i32
    %sign3A_53 = arith.constant 0 : i32
    %sign3A_54 = arith.cmpi slt, %jit3A_41, %sign3A_53 : i32
    %sign3A_55 = arith.extui %sign3A_54 : i1 to i32
    %sign3A_56 = arith.subi %sign3A_52, %sign3A_55 : i32
    %ne3A_57 = arith.cmpi ne, %sign3A_49, %sign3A_56 : i32
    %rem3A_58 = arith.remsi %add3A_40, %jit3A_41 : i32
    %ne3A_59 = arith.constant 0 : i32
    %ne3A_60 = arith.cmpi ne, %rem3A_58, %ne3A_59 : i32
    %and3A_61 = arith.andi %ne3A_57, %ne3A_60 : i1
    %sub3A_62 = arith.constant 1 : i32
    %sub3A_63 = arith.subi %div3A_42, %sub3A_62 : i32
    %select_n3A_64 = arith.select %and3A_61, %sub3A_63, %div3A_42 : i32
    %jit3A_65 = arith.constant 16 : i32
    %eq3A_66 = arith.constant 0 : i32
    %eq3A_67 = arith.cmpi eq, %jit3A_65, %eq3A_66 : i32
    %jit3A_68 = arith.constant 1 : i32
    %select_n3A_69 = arith.select %eq3A_67, %jit3A_68, %jit3A_65 : i32
    %rem3A_70 = arith.remsi %add3A_40, %select_n3A_69 : i32
    %ne3A_71 = arith.constant 0 : i32
    %ne3A_72 = arith.cmpi ne, %rem3A_70, %ne3A_71 : i32
    %lt3A_73 = arith.constant 0 : i32
    %lt3A_74 = arith.cmpi slt, %rem3A_70, %lt3A_73 : i32
    %lt3A_75 = arith.constant 0 : i32
    %lt3A_76 = arith.cmpi slt, %select_n3A_69, %lt3A_75 : i32
    %ne3A_77 = arith.xori %lt3A_74, %lt3A_76 : i1
    %and3A_78 = arith.andi %ne3A_77, %ne3A_72 : i1
    %add3A_79 = arith.addi %rem3A_70, %select_n3A_69 : i32
    %select_n3A_80 = arith.select %and3A_78, %add3A_79, %rem3A_70 : i32
    %dma_start3A = arith.constant 0 : i32
    %dma_start3A_81 = arith.constant 0 : i32
    %dma_start3A_82 = tpu.memref_slice %arg7[%dma_start3A, %dma_start3A_81] : memref<576x64xf32, #tpu.memory_space<vmem>> -> memref<96x64xf32, #tpu.memory_space<vmem>>
    %dma_start3A_83 = arith.constant 0 : i32
    %dma_start3A_84 = tpu.memref_slice %arg5[%dma_start3A_83] : memref<576xi32, #tpu.memory_space<vmem>> -> memref<96xi32, #tpu.memory_space<vmem>>
    %dma_start3A_85 = arith.constant 0 : i32
    %dma_start3A_86 = arith.constant 0 : i32
    %dma_start3A_87 = tpu.memref_slice %arg2[%dma_start3A_85, %dma_start3A_86] : memref<12288x64xf32, #tpu.memory_space<hbm>> -> memref<12288x64xf32, #tpu.memory_space<hbm>>
    tpu.enqueue_indirect_dma source(%dma_start3A_87 : memref<12288x64xf32, #tpu.memory_space<hbm>>) target(%dma_start3A_82 : memref<96x64xf32, #tpu.memory_space<vmem>>) offsets(%dma_start3A_84 : memref<96xi32, #tpu.memory_space<vmem>>) semaphore(%arg9 : memref<!tpu.dma_semaphore, #tpu.memory_space<semaphore_mem>>)
    %dma_start3A_88 = arith.constant 96 : i32
    %dma_start3A_89 = arith.constant 0 : i32
    %dma_start3A_90 = tpu.memref_slice %arg7[%dma_start3A_88, %dma_start3A_89] : memref<576x64xf32, #tpu.memory_space<vmem>> -> memref<96x64xf32, #tpu.memory_space<vmem>>
    %dma_start3A_91 = arith.constant 96 : i32
    %dma_start3A_92 = tpu.memref_slice %arg5[%dma_start3A_91] : memref<576xi32, #tpu.memory_space<vmem>> -> memref<96xi32, #tpu.memory_space<vmem>>
    %dma_start3A_93 = arith.constant 0 : i32
    %dma_start3A_94 = arith.constant 0 : i32
    %dma_start3A_95 = tpu.memref_slice %arg2[%dma_start3A_93, %dma_start3A_94] : memref<12288x64xf32, #tpu.memory_space<hbm>> -> memref<12288x64xf32, #tpu.memory_space<hbm>>
    tpu.enqueue_indirect_dma source(%dma_start3A_95 : memref<12288x64xf32, #tpu.memory_space<hbm>>) target(%dma_start3A_90 : memref<96x64xf32, #tpu.memory_space<vmem>>) offsets(%dma_start3A_92 : memref<96xi32, #tpu.memory_space<vmem>>) semaphore(%arg9 : memref<!tpu.dma_semaphore, #tpu.memory_space<semaphore_mem>>)
    %dma_start3A_96 = arith.constant 192 : i32
    %dma_start3A_97 = arith.constant 0 : i32
    %dma_start3A_98 = tpu.memref_slice %arg7[%dma_start3A_96, %dma_start3A_97] : memref<576x64xf32, #tpu.memory_space<vmem>> -> memref<96x64xf32, #tpu.memory_space<vmem>>
    %dma_start3A_99 = arith.constant 192 : i32
    %dma_start3A_100 = tpu.memref_slice %arg5[%dma_start3A_99] : memref<576xi32, #tpu.memory_space<vmem>> -> memref<96xi32, #tpu.memory_space<vmem>>
    %dma_start3A_101 = arith.constant 0 : i32
    %dma_start3A_102 = arith.constant 0 : i32
    %dma_start3A_103 = tpu.memref_slice %arg2[%dma_start3A_101, %dma_start3A_102] : memref<12288x64xf32, #tpu.memory_space<hbm>> -> memref<12288x64xf32, #tpu.memory_space<hbm>>
    tpu.enqueue_indirect_dma source(%dma_start3A_103 : memref<12288x64xf32, #tpu.memory_space<hbm>>) target(%dma_start3A_98 : memref<96x64xf32, #tpu.memory_space<vmem>>) offsets(%dma_start3A_100 : memref<96xi32, #tpu.memory_space<vmem>>) semaphore(%arg9 : memref<!tpu.dma_semaphore, #tpu.memory_space<semaphore_mem>>)
    %dma_start3A_104 = arith.constant 288 : i32
    %dma_start3A_105 = arith.constant 0 : i32
    %dma_start3A_106 = tpu.memref_slice %arg7[%dma_start3A_104, %dma_start3A_105] : memref<576x64xf32, #tpu.memory_space<vmem>> -> memref<96x64xf32, #tpu.memory_space<vmem>>
    %dma_start3A_107 = arith.constant 288 : i32
    %dma_start3A_108 = tpu.memref_slice %arg5[%dma_start3A_107] : memref<576xi32, #tpu.memory_space<vmem>> -> memref<96xi32, #tpu.memory_space<vmem>>
    %dma_start3A_109 = arith.constant 0 : i32
    %dma_start3A_110 = arith.constant 0 : i32
    %dma_start3A_111 = tpu.memref_slice %arg2[%dma_start3A_109, %dma_start3A_110] : memref<12288x64xf32, #tpu.memory_space<hbm>> -> memref<12288x64xf32, #tpu.memory_space<hbm>>
    tpu.enqueue_indirect_dma source(%dma_start3A_111 : memref<12288x64xf32, #tpu.memory_space<hbm>>) target(%dma_start3A_106 : memref<96x64xf32, #tpu.memory_space<vmem>>) offsets(%dma_start3A_108 : memref<96xi32, #tpu.memory_space<vmem>>) semaphore(%arg9 : memref<!tpu.dma_semaphore, #tpu.memory_space<semaphore_mem>>)
    %dma_start3A_112 = arith.constant 384 : i32
    %dma_start3A_113 = arith.constant 0 : i32
    %dma_start3A_114 = tpu.memref_slice %arg7[%dma_start3A_112, %dma_start3A_113] : memref<576x64xf32, #tpu.memory_space<vmem>> -> memref<96x64xf32, #tpu.memory_space<vmem>>
    %dma_start3A_115 = arith.constant 384 : i32
    %dma_start3A_116 = tpu.memref_slice %arg5[%dma_start3A_115] : memref<576xi32, #tpu.memory_space<vmem>> -> memref<96xi32, #tpu.memory_space<vmem>>
    %dma_start3A_117 = arith.constant 0 : i32
    %dma_start3A_118 = arith.constant 0 : i32
    %dma_start3A_119 = tpu.memref_slice %arg2[%dma_start3A_117, %dma_start3A_118] : memref<12288x64xf32, #tpu.memory_space<hbm>> -> memref<12288x64xf32, #tpu.memory_space<hbm>>
    tpu.enqueue_indirect_dma source(%dma_start3A_119 : memref<12288x64xf32, #tpu.memory_space<hbm>>) target(%dma_start3A_114 : memref<96x64xf32, #tpu.memory_space<vmem>>) offsets(%dma_start3A_116 : memref<96xi32, #tpu.memory_space<vmem>>) semaphore(%arg9 : memref<!tpu.dma_semaphore, #tpu.memory_space<semaphore_mem>>)
    %dma_start3A_120 = arith.constant 480 : i32
    %dma_start3A_121 = arith.constant 0 : i32
    %dma_start3A_122 = tpu.memref_slice %arg7[%dma_start3A_120, %dma_start3A_121] : memref<576x64xf32, #tpu.memory_space<vmem>> -> memref<96x64xf32, #tpu.memory_space<vmem>>
    %dma_start3A_123 = arith.constant 480 : i32
    %dma_start3A_124 = tpu.memref_slice %arg5[%dma_start3A_123] : memref<576xi32, #tpu.memory_space<vmem>> -> memref<96xi32, #tpu.memory_space<vmem>>
    %dma_start3A_125 = arith.constant 0 : i32
    %dma_start3A_126 = arith.constant 0 : i32
    %dma_start3A_127 = tpu.memref_slice %arg2[%dma_start3A_125, %dma_start3A_126] : memref<12288x64xf32, #tpu.memory_space<hbm>> -> memref<12288x64xf32, #tpu.memory_space<hbm>>
    tpu.enqueue_indirect_dma source(%dma_start3A_127 : memref<12288x64xf32, #tpu.memory_space<hbm>>) target(%dma_start3A_122 : memref<96x64xf32, #tpu.memory_space<vmem>>) offsets(%dma_start3A_124 : memref<96xi32, #tpu.memory_space<vmem>>) semaphore(%arg9 : memref<!tpu.dma_semaphore, #tpu.memory_space<semaphore_mem>>)
    %mul3A_128 = arith.constant 6 : i32
    %mul3A_129 = arith.muli %add3A, %mul3A_128 : i32
    %add3A_130 = arith.constant 1 : i32
    %add3A_131 = arith.addi %mul3A_129, %add3A_130 : i32
    %jit3A_132 = arith.constant 16 : i32
    %div3A_133 = arith.divsi %add3A_131, %jit3A_132 : i32
    %sign3A_134 = arith.constant 0 : i32
    %sign3A_135 = arith.cmpi sgt, %add3A_131, %sign3A_134 : i32
    %sign3A_136 = arith.extui %sign3A_135 : i1 to i32
    %sign3A_137 = arith.constant 0 : i32
    %sign3A_138 = arith.cmpi slt, %add3A_131, %sign3A_137 : i32
    %sign3A_139 = arith.extui %sign3A_138 : i1 to i32
    %sign3A_140 = arith.subi %sign3A_136, %sign3A_139 : i32
    %sign3A_141 = arith.constant 0 : i32
    %sign3A_142 = arith.cmpi sgt, %jit3A_132, %sign3A_141 : i32
    %sign3A_143 = arith.extui %sign3A_142 : i1 to i32
    %sign3A_144 = arith.constant 0 : i32
    %sign3A_145 = arith.cmpi slt, %jit3A_132, %sign3A_144 : i32
    %sign3A_146 = arith.extui %sign3A_145 : i1 to i32
    %sign3A_147 = arith.subi %sign3A_143, %sign3A_146 : i32
    %ne3A_148 = arith.cmpi ne, %sign3A_140, %sign3A_147 : i32
    %rem3A_149 = arith.remsi %add3A_131, %jit3A_132 : i32
    %ne3A_150 = arith.constant 0 : i32
    %ne3A_151 = arith.cmpi ne, %rem3A_149, %ne3A_150 : i32
    %and3A_152 = arith.andi %ne3A_148, %ne3A_151 : i1
    %sub3A_153 = arith.constant 1 : i32
    %sub3A_154 = arith.subi %div3A_133, %sub3A_153 : i32
    %select_n3A_155 = arith.select %and3A_152, %sub3A_154, %div3A_133 : i32
    %jit3A_156 = arith.constant 16 : i32
    %eq3A_157 = arith.constant 0 : i32
    %eq3A_158 = arith.cmpi eq, %jit3A_156, %eq3A_157 : i32
    %jit3A_159 = arith.constant 1 : i32
    %select_n3A_160 = arith.select %eq3A_158, %jit3A_159, %jit3A_156 : i32
    %rem3A_161 = arith.remsi %add3A_131, %select_n3A_160 : i32
    %ne3A_162 = arith.constant 0 : i32
    %ne3A_163 = arith.cmpi ne, %rem3A_161, %ne3A_162 : i32
    %lt3A_164 = arith.constant 0 : i32
    %lt3A_165 = arith.cmpi slt, %rem3A_161, %lt3A_164 : i32
    %lt3A_166 = arith.constant 0 : i32
    %lt3A_167 = arith.cmpi slt, %select_n3A_160, %lt3A_166 : i32
    %ne3A_168 = arith.xori %lt3A_165, %lt3A_167 : i1
    %and3A_169 = arith.andi %ne3A_168, %ne3A_163 : i1
    %add3A_170 = arith.addi %rem3A_161, %select_n3A_160 : i32
    %select_n3A_171 = arith.select %and3A_169, %add3A_170, %rem3A_161 : i32
    %mul3A_172 = arith.constant 576 : i32
    %mul3A_173 = arith.muli %select_n3A_171, %mul3A_172 : i32
    "tpu.region"() ({
      %run_scoped3A = tpu.sem_alloc : memref<!tpu.dma_semaphore, #tpu.memory_space<semaphore_mem>>
      %dma_start3A_1189 = tpu.memref_slice %arg3[%select_n3A_155, %mul3A_173] : memref<16x9216xi32, #tpu.memory_space<hbm>> -> memref<1x576xi32, #tpu.memory_space<hbm>>
      %dma_start3A_1190 = tpu.memref_squeeze %dma_start3A_1189 : memref<1x576xi32, #tpu.memory_space<hbm>> -> memref<576xi32, #tpu.memory_space<hbm>>
      %dma_start3A_1191 = tpu.memref_slice %arg3[%select_n3A_155, %mul3A_173] : memref<16x9216xi32, #tpu.memory_space<hbm>> -> memref<1x576xi32, #tpu.memory_space<hbm>>
      %dma_start3A_1192 = tpu.memref_squeeze %dma_start3A_1191 : memref<1x576xi32, #tpu.memory_space<hbm>> -> memref<576xi32, #tpu.memory_space<hbm>>
      tpu.enqueue_dma source(%dma_start3A_1192 : memref<576xi32, #tpu.memory_space<hbm>>) target(%arg6 : memref<576xi32, #tpu.memory_space<vmem>>) target_semaphore(%run_scoped3A : memref<!tpu.dma_semaphore, #tpu.memory_space<semaphore_mem>>)
      %dma_wait3A_1193 = tpu.memref_slice %arg3[%select_n3A_155, %mul3A_173] : memref<16x9216xi32, #tpu.memory_space<hbm>> -> memref<1x576xi32, #tpu.memory_space<hbm>>
      %dma_wait3A_1194 = tpu.memref_squeeze %dma_wait3A_1193 : memref<1x576xi32, #tpu.memory_space<hbm>> -> memref<576xi32, #tpu.memory_space<hbm>>
      %dma_wait3A_1195 = tpu.memref_slice %arg3[%select_n3A_155, %mul3A_173] : memref<16x9216xi32, #tpu.memory_space<hbm>> -> memref<1x576xi32, #tpu.memory_space<hbm>>
      %dma_wait3A_1196 = tpu.memref_squeeze %dma_wait3A_1195 : memref<1x576xi32, #tpu.memory_space<hbm>> -> memref<576xi32, #tpu.memory_space<hbm>>
      tpu.wait_dma2 semaphore(%run_scoped3A : memref<!tpu.dma_semaphore, #tpu.memory_space<semaphore_mem>>) src(%dma_wait3A_1196 : memref<576xi32, #tpu.memory_space<hbm>>) dst(%arg6 : memref<576xi32, #tpu.memory_space<vmem>>)
      tpu.yield
    }) : () -> ()
    %dma_wait3A = arith.constant 0 : i32
    %dma_wait3A_174 = arith.constant 0 : i32
    %dma_wait3A_175 = tpu.memref_slice %arg7[%dma_wait3A, %dma_wait3A_174] : memref<576x64xf32, #tpu.memory_space<vmem>> -> memref<96x64xf32, #tpu.memory_space<vmem>>
    %dma_wait3A_176 = arith.constant 0 : i32
    %dma_wait3A_177 = tpu.memref_slice %arg5[%dma_wait3A_176] : memref<576xi32, #tpu.memory_space<vmem>> -> memref<96xi32, #tpu.memory_space<vmem>>
    %dma_wait3A_178 = arith.constant 0 : i32
    %dma_wait3A_179 = arith.constant 0 : i32
    %dma_wait3A_180 = tpu.memref_slice %arg2[%dma_wait3A_178, %dma_wait3A_179] : memref<12288x64xf32, #tpu.memory_space<hbm>> -> memref<12288x64xf32, #tpu.memory_space<hbm>>
    tpu.wait_indirect_dma semaphore(%arg9 : memref<!tpu.dma_semaphore, #tpu.memory_space<semaphore_mem>>) src(%dma_wait3A_180 : memref<12288x64xf32, #tpu.memory_space<hbm>>) dst(%dma_wait3A_175 : memref<96x64xf32, #tpu.memory_space<vmem>>)
    %dma_wait3A_181 = arith.constant 96 : i32
    %dma_wait3A_182 = arith.constant 0 : i32
    %dma_wait3A_183 = tpu.memref_slice %arg7[%dma_wait3A_181, %dma_wait3A_182] : memref<576x64xf32, #tpu.memory_space<vmem>> -> memref<96x64xf32, #tpu.memory_space<vmem>>
    %dma_wait3A_184 = arith.constant 96 : i32
    %dma_wait3A_185 = tpu.memref_slice %arg5[%dma_wait3A_184] : memref<576xi32, #tpu.memory_space<vmem>> -> memref<96xi32, #tpu.memory_space<vmem>>
    %dma_wait3A_186 = arith.constant 0 : i32
    %dma_wait3A_187 = arith.constant 0 : i32
    %dma_wait3A_188 = tpu.memref_slice %arg2[%dma_wait3A_186, %dma_wait3A_187] : memref<12288x64xf32, #tpu.memory_space<hbm>> -> memref<12288x64xf32, #tpu.memory_space<hbm>>
    tpu.wait_indirect_dma semaphore(%arg9 : memref<!tpu.dma_semaphore, #tpu.memory_space<semaphore_mem>>) src(%dma_wait3A_188 : memref<12288x64xf32, #tpu.memory_space<hbm>>) dst(%dma_wait3A_183 : memref<96x64xf32, #tpu.memory_space<vmem>>)
    %dma_wait3A_189 = arith.constant 192 : i32
    %dma_wait3A_190 = arith.constant 0 : i32
    %dma_wait3A_191 = tpu.memref_slice %arg7[%dma_wait3A_189, %dma_wait3A_190] : memref<576x64xf32, #tpu.memory_space<vmem>> -> memref<96x64xf32, #tpu.memory_space<vmem>>
    %dma_wait3A_192 = arith.constant 192 : i32
    %dma_wait3A_193 = tpu.memref_slice %arg5[%dma_wait3A_192] : memref<576xi32, #tpu.memory_space<vmem>> -> memref<96xi32, #tpu.memory_space<vmem>>
    %dma_wait3A_194 = arith.constant 0 : i32
    %dma_wait3A_195 = arith.constant 0 : i32
    %dma_wait3A_196 = tpu.memref_slice %arg2[%dma_wait3A_194, %dma_wait3A_195] : memref<12288x64xf32, #tpu.memory_space<hbm>> -> memref<12288x64xf32, #tpu.memory_space<hbm>>
    tpu.wait_indirect_dma semaphore(%arg9 : memref<!tpu.dma_semaphore, #tpu.memory_space<semaphore_mem>>) src(%dma_wait3A_196 : memref<12288x64xf32, #tpu.memory_space<hbm>>) dst(%dma_wait3A_191 : memref<96x64xf32, #tpu.memory_space<vmem>>)
    %dma_wait3A_197 = arith.constant 288 : i32
    %dma_wait3A_198 = arith.constant 0 : i32
    %dma_wait3A_199 = tpu.memref_slice %arg7[%dma_wait3A_197, %dma_wait3A_198] : memref<576x64xf32, #tpu.memory_space<vmem>> -> memref<96x64xf32, #tpu.memory_space<vmem>>
    %dma_wait3A_200 = arith.constant 288 : i32
    %dma_wait3A_201 = tpu.memref_slice %arg5[%dma_wait3A_200] : memref<576xi32, #tpu.memory_space<vmem>> -> memref<96xi32, #tpu.memory_space<vmem>>
    %dma_wait3A_202 = arith.constant 0 : i32
    %dma_wait3A_203 = arith.constant 0 : i32
    %dma_wait3A_204 = tpu.memref_slice %arg2[%dma_wait3A_202, %dma_wait3A_203] : memref<12288x64xf32, #tpu.memory_space<hbm>> -> memref<12288x64xf32, #tpu.memory_space<hbm>>
    tpu.wait_indirect_dma semaphore(%arg9 : memref<!tpu.dma_semaphore, #tpu.memory_space<semaphore_mem>>) src(%dma_wait3A_204 : memref<12288x64xf32, #tpu.memory_space<hbm>>) dst(%dma_wait3A_199 : memref<96x64xf32, #tpu.memory_space<vmem>>)
    %dma_wait3A_205 = arith.constant 384 : i32
    %dma_wait3A_206 = arith.constant 0 : i32
    %dma_wait3A_207 = tpu.memref_slice %arg7[%dma_wait3A_205, %dma_wait3A_206] : memref<576x64xf32, #tpu.memory_space<vmem>> -> memref<96x64xf32, #tpu.memory_space<vmem>>
    %dma_wait3A_208 = arith.constant 384 : i32
    %dma_wait3A_209 = tpu.memref_slice %arg5[%dma_wait3A_208] : memref<576xi32, #tpu.memory_space<vmem>> -> memref<96xi32, #tpu.memory_space<vmem>>
    %dma_wait3A_210 = arith.constant 0 : i32
    %dma_wait3A_211 = arith.constant 0 : i32
    %dma_wait3A_212 = tpu.memref_slice %arg2[%dma_wait3A_210, %dma_wait3A_211] : memref<12288x64xf32, #tpu.memory_space<hbm>> -> memref<12288x64xf32, #tpu.memory_space<hbm>>
    tpu.wait_indirect_dma semaphore(%arg9 : memref<!tpu.dma_semaphore, #tpu.memory_space<semaphore_mem>>) src(%dma_wait3A_212 : memref<12288x64xf32, #tpu.memory_space<hbm>>) dst(%dma_wait3A_207 : memref<96x64xf32, #tpu.memory_space<vmem>>)
    %dma_wait3A_213 = arith.constant 480 : i32
    %dma_wait3A_214 = arith.constant 0 : i32
    %dma_wait3A_215 = tpu.memref_slice %arg7[%dma_wait3A_213, %dma_wait3A_214] : memref<576x64xf32, #tpu.memory_space<vmem>> -> memref<96x64xf32, #tpu.memory_space<vmem>>
    %dma_wait3A_216 = arith.constant 480 : i32
    %dma_wait3A_217 = tpu.memref_slice %arg5[%dma_wait3A_216] : memref<576xi32, #tpu.memory_space<vmem>> -> memref<96xi32, #tpu.memory_space<vmem>>
    %dma_wait3A_218 = arith.constant 0 : i32
    %dma_wait3A_219 = arith.constant 0 : i32
    %dma_wait3A_220 = tpu.memref_slice %arg2[%dma_wait3A_218, %dma_wait3A_219] : memref<12288x64xf32, #tpu.memory_space<hbm>> -> memref<12288x64xf32, #tpu.memory_space<hbm>>
    tpu.wait_indirect_dma semaphore(%arg9 : memref<!tpu.dma_semaphore, #tpu.memory_space<semaphore_mem>>) src(%dma_wait3A_220 : memref<12288x64xf32, #tpu.memory_space<hbm>>) dst(%dma_wait3A_215 : memref<96x64xf32, #tpu.memory_space<vmem>>)
    %mul3A_221 = arith.constant 576 : i32
    %mul3A_222 = arith.muli %select_n3A_80, %mul3A_221 : i32
    %dma_start3A_223 = arith.constant 0 : i32
    %dma_start3A_224 = tpu.memref_slice %arg4[%mul3A_222, %select_n3A_64, %dma_start3A_223] : memref<9216x12x64xf32, #tpu.memory_space<hbm>> -> memref<576x1x64xf32, #tpu.memory_space<hbm>>
    %dma_start3A_225 = tpu.memref_squeeze %dma_start3A_224 : memref<576x1x64xf32, #tpu.memory_space<hbm>> -> memref<576x64xf32, #tpu.memory_space<hbm>>
    %dma_start3A_226 = arith.constant 0 : i32
    %dma_start3A_227 = tpu.memref_slice %arg4[%mul3A_222, %select_n3A_64, %dma_start3A_226] : memref<9216x12x64xf32, #tpu.memory_space<hbm>> -> memref<576x1x64xf32, #tpu.memory_space<hbm>>
    %dma_start3A_228 = tpu.memref_squeeze %dma_start3A_227 : memref<576x1x64xf32, #tpu.memory_space<hbm>> -> memref<576x64xf32, #tpu.memory_space<hbm>>
    tpu.enqueue_dma source(%arg7 : memref<576x64xf32, #tpu.memory_space<vmem>>) target(%dma_start3A_228 : memref<576x64xf32, #tpu.memory_space<hbm>>) target_semaphore(%arg10 : memref<!tpu.dma_semaphore, #tpu.memory_space<semaphore_mem>>)
    %mul3A_229 = arith.constant 6 : i32
    %mul3A_230 = arith.muli %add3A, %mul3A_229 : i32
    %add3A_231 = arith.constant 1 : i32
    %add3A_232 = arith.addi %mul3A_230, %add3A_231 : i32
    %jit3A_233 = arith.constant 16 : i32
    %div3A_234 = arith.divsi %add3A_232, %jit3A_233 : i32
    %sign3A_235 = arith.constant 0 : i32
    %sign3A_236 = arith.cmpi sgt, %add3A_232, %sign3A_235 : i32
    %sign3A_237 = arith.extui %sign3A_236 : i1 to i32
    %sign3A_238 = arith.constant 0 : i32
    %sign3A_239 = arith.cmpi slt, %add3A_232, %sign3A_238 : i32
    %sign3A_240 = arith.extui %sign3A_239 : i1 to i32
    %sign3A_241 = arith.subi %sign3A_237, %sign3A_240 : i32
    %sign3A_242 = arith.constant 0 : i32
    %sign3A_243 = arith.cmpi sgt, %jit3A_233, %sign3A_242 : i32
    %sign3A_244 = arith.extui %sign3A_243 : i1 to i32
    %sign3A_245 = arith.constant 0 : i32
    %sign3A_246 = arith.cmpi slt, %jit3A_233, %sign3A_245 : i32
    %sign3A_247 = arith.extui %sign3A_246 : i1 to i32
    %sign3A_248 = arith.subi %sign3A_244, %sign3A_247 : i32
    %ne3A_249 = arith.cmpi ne, %sign3A_241, %sign3A_248 : i32
    %rem3A_250 = arith.remsi %add3A_232, %jit3A_233 : i32
    %ne3A_251 = arith.constant 0 : i32
    %ne3A_252 = arith.cmpi ne, %rem3A_250, %ne3A_251 : i32
    %and3A_253 = arith.andi %ne3A_249, %ne3A_252 : i1
    %sub3A_254 = arith.constant 1 : i32
    %sub3A_255 = arith.subi %div3A_234, %sub3A_254 : i32
    %select_n3A_256 = arith.select %and3A_253, %sub3A_255, %div3A_234 : i32
    %jit3A_257 = arith.constant 16 : i32
    %eq3A_258 = arith.constant 0 : i32
    %eq3A_259 = arith.cmpi eq, %jit3A_257, %eq3A_258 : i32
    %jit3A_260 = arith.constant 1 : i32
    %select_n3A_261 = arith.select %eq3A_259, %jit3A_260, %jit3A_257 : i32
    %rem3A_262 = arith.remsi %add3A_232, %select_n3A_261 : i32
    %ne3A_263 = arith.constant 0 : i32
    %ne3A_264 = arith.cmpi ne, %rem3A_262, %ne3A_263 : i32
    %lt3A_265 = arith.constant 0 : i32
    %lt3A_266 = arith.cmpi slt, %rem3A_262, %lt3A_265 : i32
    %lt3A_267 = arith.constant 0 : i32
    %lt3A_268 = arith.cmpi slt, %select_n3A_261, %lt3A_267 : i32
    %ne3A_269 = arith.xori %lt3A_266, %lt3A_268 : i1
    %and3A_270 = arith.andi %ne3A_269, %ne3A_264 : i1
    %add3A_271 = arith.addi %rem3A_262, %select_n3A_261 : i32
    %select_n3A_272 = arith.select %and3A_270, %add3A_271, %rem3A_262 : i32
    %dma_start3A_273 = arith.constant 0 : i32
    %dma_start3A_274 = arith.constant 0 : i32
    %dma_start3A_275 = tpu.memref_slice %arg8[%dma_start3A_273, %dma_start3A_274] : memref<576x64xf32, #tpu.memory_space<vmem>> -> memref<96x64xf32, #tpu.memory_space<vmem>>
    %dma_start3A_276 = arith.constant 0 : i32
    %dma_start3A_277 = tpu.memref_slice %arg6[%dma_start3A_276] : memref<576xi32, #tpu.memory_space<vmem>> -> memref<96xi32, #tpu.memory_space<vmem>>
    %dma_start3A_278 = arith.constant 0 : i32
    %dma_start3A_279 = arith.constant 0 : i32
    %dma_start3A_280 = tpu.memref_slice %arg2[%dma_start3A_278, %dma_start3A_279] : memref<12288x64xf32, #tpu.memory_space<hbm>> -> memref<12288x64xf32, #tpu.memory_space<hbm>>
    tpu.enqueue_indirect_dma source(%dma_start3A_280 : memref<12288x64xf32, #tpu.memory_space<hbm>>) target(%dma_start3A_275 : memref<96x64xf32, #tpu.memory_space<vmem>>) offsets(%dma_start3A_277 : memref<96xi32, #tpu.memory_space<vmem>>) semaphore(%arg9 : memref<!tpu.dma_semaphore, #tpu.memory_space<semaphore_mem>>)
    %dma_start3A_281 = arith.constant 96 : i32
    %dma_start3A_282 = arith.constant 0 : i32
    %dma_start3A_283 = tpu.memref_slice %arg8[%dma_start3A_281, %dma_start3A_282] : memref<576x64xf32, #tpu.memory_space<vmem>> -> memref<96x64xf32, #tpu.memory_space<vmem>>
    %dma_start3A_284 = arith.constant 96 : i32
    %dma_start3A_285 = tpu.memref_slice %arg6[%dma_start3A_284] : memref<576xi32, #tpu.memory_space<vmem>> -> memref<96xi32, #tpu.memory_space<vmem>>
    %dma_start3A_286 = arith.constant 0 : i32
    %dma_start3A_287 = arith.constant 0 : i32
    %dma_start3A_288 = tpu.memref_slice %arg2[%dma_start3A_286, %dma_start3A_287] : memref<12288x64xf32, #tpu.memory_space<hbm>> -> memref<12288x64xf32, #tpu.memory_space<hbm>>
    tpu.enqueue_indirect_dma source(%dma_start3A_288 : memref<12288x64xf32, #tpu.memory_space<hbm>>) target(%dma_start3A_283 : memref<96x64xf32, #tpu.memory_space<vmem>>) offsets(%dma_start3A_285 : memref<96xi32, #tpu.memory_space<vmem>>) semaphore(%arg9 : memref<!tpu.dma_semaphore, #tpu.memory_space<semaphore_mem>>)
    %dma_start3A_289 = arith.constant 192 : i32
    %dma_start3A_290 = arith.constant 0 : i32
    %dma_start3A_291 = tpu.memref_slice %arg8[%dma_start3A_289, %dma_start3A_290] : memref<576x64xf32, #tpu.memory_space<vmem>> -> memref<96x64xf32, #tpu.memory_space<vmem>>
    %dma_start3A_292 = arith.constant 192 : i32
    %dma_start3A_293 = tpu.memref_slice %arg6[%dma_start3A_292] : memref<576xi32, #tpu.memory_space<vmem>> -> memref<96xi32, #tpu.memory_space<vmem>>
    %dma_start3A_294 = arith.constant 0 : i32
    %dma_start3A_295 = arith.constant 0 : i32
    %dma_start3A_296 = tpu.memref_slice %arg2[%dma_start3A_294, %dma_start3A_295] : memref<12288x64xf32, #tpu.memory_space<hbm>> -> memref<12288x64xf32, #tpu.memory_space<hbm>>
    tpu.enqueue_indirect_dma source(%dma_start3A_296 : memref<12288x64xf32, #tpu.memory_space<hbm>>) target(%dma_start3A_291 : memref<96x64xf32, #tpu.memory_space<vmem>>) offsets(%dma_start3A_293 : memref<96xi32, #tpu.memory_space<vmem>>) semaphore(%arg9 : memref<!tpu.dma_semaphore, #tpu.memory_space<semaphore_mem>>)
    %dma_start3A_297 = arith.constant 288 : i32
    %dma_start3A_298 = arith.constant 0 : i32
    %dma_start3A_299 = tpu.memref_slice %arg8[%dma_start3A_297, %dma_start3A_298] : memref<576x64xf32, #tpu.memory_space<vmem>> -> memref<96x64xf32, #tpu.memory_space<vmem>>
    %dma_start3A_300 = arith.constant 288 : i32
    %dma_start3A_301 = tpu.memref_slice %arg6[%dma_start3A_300] : memref<576xi32, #tpu.memory_space<vmem>> -> memref<96xi32, #tpu.memory_space<vmem>>
    %dma_start3A_302 = arith.constant 0 : i32
    %dma_start3A_303 = arith.constant 0 : i32
    %dma_start3A_304 = tpu.memref_slice %arg2[%dma_start3A_302, %dma_start3A_303] : memref<12288x64xf32, #tpu.memory_space<hbm>> -> memref<12288x64xf32, #tpu.memory_space<hbm>>
    tpu.enqueue_indirect_dma source(%dma_start3A_304 : memref<12288x64xf32, #tpu.memory_space<hbm>>) target(%dma_start3A_299 : memref<96x64xf32, #tpu.memory_space<vmem>>) offsets(%dma_start3A_301 : memref<96xi32, #tpu.memory_space<vmem>>) semaphore(%arg9 : memref<!tpu.dma_semaphore, #tpu.memory_space<semaphore_mem>>)
    %dma_start3A_305 = arith.constant 384 : i32
    %dma_start3A_306 = arith.constant 0 : i32
    %dma_start3A_307 = tpu.memref_slice %arg8[%dma_start3A_305, %dma_start3A_306] : memref<576x64xf32, #tpu.memory_space<vmem>> -> memref<96x64xf32, #tpu.memory_space<vmem>>
    %dma_start3A_308 = arith.constant 384 : i32
    %dma_start3A_309 = tpu.memref_slice %arg6[%dma_start3A_308] : memref<576xi32, #tpu.memory_space<vmem>> -> memref<96xi32, #tpu.memory_space<vmem>>
    %dma_start3A_310 = arith.constant 0 : i32
    %dma_start3A_311 = arith.constant 0 : i32
    %dma_start3A_312 = tpu.memref_slice %arg2[%dma_start3A_310, %dma_start3A_311] : memref<12288x64xf32, #tpu.memory_space<hbm>> -> memref<12288x64xf32, #tpu.memory_space<hbm>>
    tpu.enqueue_indirect_dma source(%dma_start3A_312 : memref<12288x64xf32, #tpu.memory_space<hbm>>) target(%dma_start3A_307 : memref<96x64xf32, #tpu.memory_space<vmem>>) offsets(%dma_start3A_309 : memref<96xi32, #tpu.memory_space<vmem>>) semaphore(%arg9 : memref<!tpu.dma_semaphore, #tpu.memory_space<semaphore_mem>>)
    %dma_start3A_313 = arith.constant 480 : i32
    %dma_start3A_314 = arith.constant 0 : i32
    %dma_start3A_315 = tpu.memref_slice %arg8[%dma_start3A_313, %dma_start3A_314] : memref<576x64xf32, #tpu.memory_space<vmem>> -> memref<96x64xf32, #tpu.memory_space<vmem>>
    %dma_start3A_316 = arith.constant 480 : i32
    %dma_start3A_317 = tpu.memref_slice %arg6[%dma_start3A_316] : memref<576xi32, #tpu.memory_space<vmem>> -> memref<96xi32, #tpu.memory_space<vmem>>
    %dma_start3A_318 = arith.constant 0 : i32
    %dma_start3A_319 = arith.constant 0 : i32
    %dma_start3A_320 = tpu.memref_slice %arg2[%dma_start3A_318, %dma_start3A_319] : memref<12288x64xf32, #tpu.memory_space<hbm>> -> memref<12288x64xf32, #tpu.memory_space<hbm>>
    tpu.enqueue_indirect_dma source(%dma_start3A_320 : memref<12288x64xf32, #tpu.memory_space<hbm>>) target(%dma_start3A_315 : memref<96x64xf32, #tpu.memory_space<vmem>>) offsets(%dma_start3A_317 : memref<96xi32, #tpu.memory_space<vmem>>) semaphore(%arg9 : memref<!tpu.dma_semaphore, #tpu.memory_space<semaphore_mem>>)
    %mul3A_321 = arith.constant 6 : i32
    %mul3A_322 = arith.muli %add3A, %mul3A_321 : i32
    %add3A_323 = arith.constant 2 : i32
    %add3A_324 = arith.addi %mul3A_322, %add3A_323 : i32
    %jit3A_325 = arith.constant 16 : i32
    %div3A_326 = arith.divsi %add3A_324, %jit3A_325 : i32
    %sign3A_327 = arith.constant 0 : i32
    %sign3A_328 = arith.cmpi sgt, %add3A_324, %sign3A_327 : i32
    %sign3A_329 = arith.extui %sign3A_328 : i1 to i32
    %sign3A_330 = arith.constant 0 : i32
    %sign3A_331 = arith.cmpi slt, %add3A_324, %sign3A_330 : i32
    %sign3A_332 = arith.extui %sign3A_331 : i1 to i32
    %sign3A_333 = arith.subi %sign3A_329, %sign3A_332 : i32
    %sign3A_334 = arith.constant 0 : i32
    %sign3A_335 = arith.cmpi sgt, %jit3A_325, %sign3A_334 : i32
    %sign3A_336 = arith.extui %sign3A_335 : i1 to i32
    %sign3A_337 = arith.constant 0 : i32
    %sign3A_338 = arith.cmpi slt, %jit3A_325, %sign3A_337 : i32
    %sign3A_339 = arith.extui %sign3A_338 : i1 to i32
    %sign3A_340 = arith.subi %sign3A_336, %sign3A_339 : i32
    %ne3A_341 = arith.cmpi ne, %sign3A_333, %sign3A_340 : i32
    %rem3A_342 = arith.remsi %add3A_324, %jit3A_325 : i32
    %ne3A_343 = arith.constant 0 : i32
    %ne3A_344 = arith.cmpi ne, %rem3A_342, %ne3A_343 : i32
    %and3A_345 = arith.andi %ne3A_341, %ne3A_344 : i1
    %sub3A_346 = arith.constant 1 : i32
    %sub3A_347 = arith.subi %div3A_326, %sub3A_346 : i32
    %select_n3A_348 = arith.select %and3A_345, %sub3A_347, %div3A_326 : i32
    %jit3A_349 = arith.constant 16 : i32
    %eq3A_350 = arith.constant 0 : i32
    %eq3A_351 = arith.cmpi eq, %jit3A_349, %eq3A_350 : i32
    %jit3A_352 = arith.constant 1 : i32
    %select_n3A_353 = arith.select %eq3A_351, %jit3A_352, %jit3A_349 : i32
    %rem3A_354 = arith.remsi %add3A_324, %select_n3A_353 : i32
    %ne3A_355 = arith.constant 0 : i32
    %ne3A_356 = arith.cmpi ne, %rem3A_354, %ne3A_355 : i32
    %lt3A_357 = arith.constant 0 : i32
    %lt3A_358 = arith.cmpi slt, %rem3A_354, %lt3A_357 : i32
    %lt3A_359 = arith.constant 0 : i32
    %lt3A_360 = arith.cmpi slt, %select_n3A_353, %lt3A_359 : i32
    %ne3A_361 = arith.xori %lt3A_358, %lt3A_360 : i1
    %and3A_362 = arith.andi %ne3A_361, %ne3A_356 : i1
    %add3A_363 = arith.addi %rem3A_354, %select_n3A_353 : i32
    %select_n3A_364 = arith.select %and3A_362, %add3A_363, %rem3A_354 : i32
    %mul3A_365 = arith.constant 576 : i32
    %mul3A_366 = arith.muli %select_n3A_364, %mul3A_365 : i32
    "tpu.region"() ({
      %run_scoped3A = tpu.sem_alloc : memref<!tpu.dma_semaphore, #tpu.memory_space<semaphore_mem>>
      %dma_start3A_1189 = tpu.memref_slice %arg3[%select_n3A_348, %mul3A_366] : memref<16x9216xi32, #tpu.memory_space<hbm>> -> memref<1x576xi32, #tpu.memory_space<hbm>>
      %dma_start3A_1190 = tpu.memref_squeeze %dma_start3A_1189 : memref<1x576xi32, #tpu.memory_space<hbm>> -> memref<576xi32, #tpu.memory_space<hbm>>
      %dma_start3A_1191 = tpu.memref_slice %arg3[%select_n3A_348, %mul3A_366] : memref<16x9216xi32, #tpu.memory_space<hbm>> -> memref<1x576xi32, #tpu.memory_space<hbm>>
      %dma_start3A_1192 = tpu.memref_squeeze %dma_start3A_1191 : memref<1x576xi32, #tpu.memory_space<hbm>> -> memref<576xi32, #tpu.memory_space<hbm>>
      tpu.enqueue_dma source(%dma_start3A_1192 : memref<576xi32, #tpu.memory_space<hbm>>) target(%arg5 : memref<576xi32, #tpu.memory_space<vmem>>) target_semaphore(%run_scoped3A : memref<!tpu.dma_semaphore, #tpu.memory_space<semaphore_mem>>)
      %dma_wait3A_1193 = tpu.memref_slice %arg3[%select_n3A_348, %mul3A_366] : memref<16x9216xi32, #tpu.memory_space<hbm>> -> memref<1x576xi32, #tpu.memory_space<hbm>>
      %dma_wait3A_1194 = tpu.memref_squeeze %dma_wait3A_1193 : memref<1x576xi32, #tpu.memory_space<hbm>> -> memref<576xi32, #tpu.memory_space<hbm>>
      %dma_wait3A_1195 = tpu.memref_slice %arg3[%select_n3A_348, %mul3A_366] : memref<16x9216xi32, #tpu.memory_space<hbm>> -> memref<1x576xi32, #tpu.memory_space<hbm>>
      %dma_wait3A_1196 = tpu.memref_squeeze %dma_wait3A_1195 : memref<1x576xi32, #tpu.memory_space<hbm>> -> memref<576xi32, #tpu.memory_space<hbm>>
      tpu.wait_dma2 semaphore(%run_scoped3A : memref<!tpu.dma_semaphore, #tpu.memory_space<semaphore_mem>>) src(%dma_wait3A_1196 : memref<576xi32, #tpu.memory_space<hbm>>) dst(%arg5 : memref<576xi32, #tpu.memory_space<vmem>>)
      tpu.yield
    }) : () -> ()
    %dma_wait3A_367 = arith.constant 0 : i32
    %dma_wait3A_368 = arith.constant 0 : i32
    %dma_wait3A_369 = tpu.memref_slice %arg8[%dma_wait3A_367, %dma_wait3A_368] : memref<576x64xf32, #tpu.memory_space<vmem>> -> memref<96x64xf32, #tpu.memory_space<vmem>>
    %dma_wait3A_370 = arith.constant 0 : i32
    %dma_wait3A_371 = tpu.memref_slice %arg6[%dma_wait3A_370] : memref<576xi32, #tpu.memory_space<vmem>> -> memref<96xi32, #tpu.memory_space<vmem>>
    %dma_wait3A_372 = arith.constant 0 : i32
    %dma_wait3A_373 = arith.constant 0 : i32
    %dma_wait3A_374 = tpu.memref_slice %arg2[%dma_wait3A_372, %dma_wait3A_373] : memref<12288x64xf32, #tpu.memory_space<hbm>> -> memref<12288x64xf32, #tpu.memory_space<hbm>>
    tpu.wait_indirect_dma semaphore(%arg9 : memref<!tpu.dma_semaphore, #tpu.memory_space<semaphore_mem>>) src(%dma_wait3A_374 : memref<12288x64xf32, #tpu.memory_space<hbm>>) dst(%dma_wait3A_369 : memref<96x64xf32, #tpu.memory_space<vmem>>)
    %dma_wait3A_375 = arith.constant 96 : i32
    %dma_wait3A_376 = arith.constant 0 : i32
    %dma_wait3A_377 = tpu.memref_slice %arg8[%dma_wait3A_375, %dma_wait3A_376] : memref<576x64xf32, #tpu.memory_space<vmem>> -> memref<96x64xf32, #tpu.memory_space<vmem>>
    %dma_wait3A_378 = arith.constant 96 : i32
    %dma_wait3A_379 = tpu.memref_slice %arg6[%dma_wait3A_378] : memref<576xi32, #tpu.memory_space<vmem>> -> memref<96xi32, #tpu.memory_space<vmem>>
    %dma_wait3A_380 = arith.constant 0 : i32
    %dma_wait3A_381 = arith.constant 0 : i32
    %dma_wait3A_382 = tpu.memref_slice %arg2[%dma_wait3A_380, %dma_wait3A_381] : memref<12288x64xf32, #tpu.memory_space<hbm>> -> memref<12288x64xf32, #tpu.memory_space<hbm>>
    tpu.wait_indirect_dma semaphore(%arg9 : memref<!tpu.dma_semaphore, #tpu.memory_space<semaphore_mem>>) src(%dma_wait3A_382 : memref<12288x64xf32, #tpu.memory_space<hbm>>) dst(%dma_wait3A_377 : memref<96x64xf32, #tpu.memory_space<vmem>>)
    %dma_wait3A_383 = arith.constant 192 : i32
    %dma_wait3A_384 = arith.constant 0 : i32
    %dma_wait3A_385 = tpu.memref_slice %arg8[%dma_wait3A_383, %dma_wait3A_384] : memref<576x64xf32, #tpu.memory_space<vmem>> -> memref<96x64xf32, #tpu.memory_space<vmem>>
    %dma_wait3A_386 = arith.constant 192 : i32
    %dma_wait3A_387 = tpu.memref_slice %arg6[%dma_wait3A_386] : memref<576xi32, #tpu.memory_space<vmem>> -> memref<96xi32, #tpu.memory_space<vmem>>
    %dma_wait3A_388 = arith.constant 0 : i32
    %dma_wait3A_389 = arith.constant 0 : i32
    %dma_wait3A_390 = tpu.memref_slice %arg2[%dma_wait3A_388, %dma_wait3A_389] : memref<12288x64xf32, #tpu.memory_space<hbm>> -> memref<12288x64xf32, #tpu.memory_space<hbm>>
    tpu.wait_indirect_dma semaphore(%arg9 : memref<!tpu.dma_semaphore, #tpu.memory_space<semaphore_mem>>) src(%dma_wait3A_390 : memref<12288x64xf32, #tpu.memory_space<hbm>>) dst(%dma_wait3A_385 : memref<96x64xf32, #tpu.memory_space<vmem>>)
    %dma_wait3A_391 = arith.constant 288 : i32
    %dma_wait3A_392 = arith.constant 0 : i32
    %dma_wait3A_393 = tpu.memref_slice %arg8[%dma_wait3A_391, %dma_wait3A_392] : memref<576x64xf32, #tpu.memory_space<vmem>> -> memref<96x64xf32, #tpu.memory_space<vmem>>
    %dma_wait3A_394 = arith.constant 288 : i32
    %dma_wait3A_395 = tpu.memref_slice %arg6[%dma_wait3A_394] : memref<576xi32, #tpu.memory_space<vmem>> -> memref<96xi32, #tpu.memory_space<vmem>>
    %dma_wait3A_396 = arith.constant 0 : i32
    %dma_wait3A_397 = arith.constant 0 : i32
    %dma_wait3A_398 = tpu.memref_slice %arg2[%dma_wait3A_396, %dma_wait3A_397] : memref<12288x64xf32, #tpu.memory_space<hbm>> -> memref<12288x64xf32, #tpu.memory_space<hbm>>
    tpu.wait_indirect_dma semaphore(%arg9 : memref<!tpu.dma_semaphore, #tpu.memory_space<semaphore_mem>>) src(%dma_wait3A_398 : memref<12288x64xf32, #tpu.memory_space<hbm>>) dst(%dma_wait3A_393 : memref<96x64xf32, #tpu.memory_space<vmem>>)
    %dma_wait3A_399 = arith.constant 384 : i32
    %dma_wait3A_400 = arith.constant 0 : i32
    %dma_wait3A_401 = tpu.memref_slice %arg8[%dma_wait3A_399, %dma_wait3A_400] : memref<576x64xf32, #tpu.memory_space<vmem>> -> memref<96x64xf32, #tpu.memory_space<vmem>>
    %dma_wait3A_402 = arith.constant 384 : i32
    %dma_wait3A_403 = tpu.memref_slice %arg6[%dma_wait3A_402] : memref<576xi32, #tpu.memory_space<vmem>> -> memref<96xi32, #tpu.memory_space<vmem>>
    %dma_wait3A_404 = arith.constant 0 : i32
    %dma_wait3A_405 = arith.constant 0 : i32
    %dma_wait3A_406 = tpu.memref_slice %arg2[%dma_wait3A_404, %dma_wait3A_405] : memref<12288x64xf32, #tpu.memory_space<hbm>> -> memref<12288x64xf32, #tpu.memory_space<hbm>>
    tpu.wait_indirect_dma semaphore(%arg9 : memref<!tpu.dma_semaphore, #tpu.memory_space<semaphore_mem>>) src(%dma_wait3A_406 : memref<12288x64xf32, #tpu.memory_space<hbm>>) dst(%dma_wait3A_401 : memref<96x64xf32, #tpu.memory_space<vmem>>)
    %dma_wait3A_407 = arith.constant 480 : i32
    %dma_wait3A_408 = arith.constant 0 : i32
    %dma_wait3A_409 = tpu.memref_slice %arg8[%dma_wait3A_407, %dma_wait3A_408] : memref<576x64xf32, #tpu.memory_space<vmem>> -> memref<96x64xf32, #tpu.memory_space<vmem>>
    %dma_wait3A_410 = arith.constant 480 : i32
    %dma_wait3A_411 = tpu.memref_slice %arg6[%dma_wait3A_410] : memref<576xi32, #tpu.memory_space<vmem>> -> memref<96xi32, #tpu.memory_space<vmem>>
    %dma_wait3A_412 = arith.constant 0 : i32
    %dma_wait3A_413 = arith.constant 0 : i32
    %dma_wait3A_414 = tpu.memref_slice %arg2[%dma_wait3A_412, %dma_wait3A_413] : memref<12288x64xf32, #tpu.memory_space<hbm>> -> memref<12288x64xf32, #tpu.memory_space<hbm>>
    tpu.wait_indirect_dma semaphore(%arg9 : memref<!tpu.dma_semaphore, #tpu.memory_space<semaphore_mem>>) src(%dma_wait3A_414 : memref<12288x64xf32, #tpu.memory_space<hbm>>) dst(%dma_wait3A_409 : memref<96x64xf32, #tpu.memory_space<vmem>>)
    %mul3A_415 = arith.constant 576 : i32
    %mul3A_416 = arith.muli %select_n3A_272, %mul3A_415 : i32
    %dma_start3A_417 = arith.constant 0 : i32
    %dma_start3A_418 = tpu.memref_slice %arg4[%mul3A_416, %select_n3A_256, %dma_start3A_417] : memref<9216x12x64xf32, #tpu.memory_space<hbm>> -> memref<576x1x64xf32, #tpu.memory_space<hbm>>
    %dma_start3A_419 = tpu.memref_squeeze %dma_start3A_418 : memref<576x1x64xf32, #tpu.memory_space<hbm>> -> memref<576x64xf32, #tpu.memory_space<hbm>>
    %dma_start3A_420 = arith.constant 0 : i32
    %dma_start3A_421 = tpu.memref_slice %arg4[%mul3A_416, %select_n3A_256, %dma_start3A_420] : memref<9216x12x64xf32, #tpu.memory_space<hbm>> -> memref<576x1x64xf32, #tpu.memory_space<hbm>>
    %dma_start3A_422 = tpu.memref_squeeze %dma_start3A_421 : memref<576x1x64xf32, #tpu.memory_space<hbm>> -> memref<576x64xf32, #tpu.memory_space<hbm>>
    tpu.enqueue_dma source(%arg8 : memref<576x64xf32, #tpu.memory_space<vmem>>) target(%dma_start3A_422 : memref<576x64xf32, #tpu.memory_space<hbm>>) target_semaphore(%arg10 : memref<!tpu.dma_semaphore, #tpu.memory_space<semaphore_mem>>)
    %mul3A_423 = arith.constant 6 : i32
    %mul3A_424 = arith.muli %add3A, %mul3A_423 : i32
    %add3A_425 = arith.constant 2 : i32
    %add3A_426 = arith.addi %mul3A_424, %add3A_425 : i32
    %jit3A_427 = arith.constant 16 : i32
    %div3A_428 = arith.divsi %add3A_426, %jit3A_427 : i32
    %sign3A_429 = arith.constant 0 : i32
    %sign3A_430 = arith.cmpi sgt, %add3A_426, %sign3A_429 : i32
    %sign3A_431 = arith.extui %sign3A_430 : i1 to i32
    %sign3A_432 = arith.constant 0 : i32
    %sign3A_433 = arith.cmpi slt, %add3A_426, %sign3A_432 : i32
    %sign3A_434 = arith.extui %sign3A_433 : i1 to i32
    %sign3A_435 = arith.subi %sign3A_431, %sign3A_434 : i32
    %sign3A_436 = arith.constant 0 : i32
    %sign3A_437 = arith.cmpi sgt, %jit3A_427, %sign3A_436 : i32
    %sign3A_438 = arith.extui %sign3A_437 : i1 to i32
    %sign3A_439 = arith.constant 0 : i32
    %sign3A_440 = arith.cmpi slt, %jit3A_427, %sign3A_439 : i32
    %sign3A_441 = arith.extui %sign3A_440 : i1 to i32
    %sign3A_442 = arith.subi %sign3A_438, %sign3A_441 : i32
    %ne3A_443 = arith.cmpi ne, %sign3A_435, %sign3A_442 : i32
    %rem3A_444 = arith.remsi %add3A_426, %jit3A_427 : i32
    %ne3A_445 = arith.constant 0 : i32
    %ne3A_446 = arith.cmpi ne, %rem3A_444, %ne3A_445 : i32
    %and3A_447 = arith.andi %ne3A_443, %ne3A_446 : i1
    %sub3A_448 = arith.constant 1 : i32
    %sub3A_449 = arith.subi %div3A_428, %sub3A_448 : i32
    %select_n3A_450 = arith.select %and3A_447, %sub3A_449, %div3A_428 : i32
    %jit3A_451 = arith.constant 16 : i32
    %eq3A_452 = arith.constant 0 : i32
    %eq3A_453 = arith.cmpi eq, %jit3A_451, %eq3A_452 : i32
    %jit3A_454 = arith.constant 1 : i32
    %select_n3A_455 = arith.select %eq3A_453, %jit3A_454, %jit3A_451 : i32
    %rem3A_456 = arith.remsi %add3A_426, %select_n3A_455 : i32
    %ne3A_457 = arith.constant 0 : i32
    %ne3A_458 = arith.cmpi ne, %rem3A_456, %ne3A_457 : i32
    %lt3A_459 = arith.constant 0 : i32
    %lt3A_460 = arith.cmpi slt, %rem3A_456, %lt3A_459 : i32
    %lt3A_461 = arith.constant 0 : i32
    %lt3A_462 = arith.cmpi slt, %select_n3A_455, %lt3A_461 : i32
    %ne3A_463 = arith.xori %lt3A_460, %lt3A_462 : i1
    %and3A_464 = arith.andi %ne3A_463, %ne3A_458 : i1
    %add3A_465 = arith.addi %rem3A_456, %select_n3A_455 : i32
    %select_n3A_466 = arith.select %and3A_464, %add3A_465, %rem3A_456 : i32
    %dma_wait3A_467 = arith.constant 0 : i32
    %dma_wait3A_468 = tpu.memref_slice %arg4[%mul3A_222, %select_n3A_64, %dma_wait3A_467] : memref<9216x12x64xf32, #tpu.memory_space<hbm>> -> memref<576x1x64xf32, #tpu.memory_space<hbm>>
    %dma_wait3A_469 = tpu.memref_squeeze %dma_wait3A_468 : memref<576x1x64xf32, #tpu.memory_space<hbm>> -> memref<576x64xf32, #tpu.memory_space<hbm>>
    %dma_wait3A_470 = arith.constant 0 : i32
    %dma_wait3A_471 = tpu.memref_slice %arg4[%mul3A_222, %select_n3A_64, %dma_wait3A_470] : memref<9216x12x64xf32, #tpu.memory_space<hbm>> -> memref<576x1x64xf32, #tpu.memory_space<hbm>>
    %dma_wait3A_472 = tpu.memref_squeeze %dma_wait3A_471 : memref<576x1x64xf32, #tpu.memory_space<hbm>> -> memref<576x64xf32, #tpu.memory_space<hbm>>
    tpu.wait_dma2 semaphore(%arg10 : memref<!tpu.dma_semaphore, #tpu.memory_space<semaphore_mem>>) src(%arg7 : memref<576x64xf32, #tpu.memory_space<vmem>>) dst(%dma_wait3A_472 : memref<576x64xf32, #tpu.memory_space<hbm>>)
    %dma_start3A_473 = arith.constant 0 : i32
    %dma_start3A_474 = arith.constant 0 : i32
    %dma_start3A_475 = tpu.memref_slice %arg7[%dma_start3A_473, %dma_start3A_474] : memref<576x64xf32, #tpu.memory_space<vmem>> -> memref<96x64xf32, #tpu.memory_space<vmem>>
    %dma_start3A_476 = arith.constant 0 : i32
    %dma_start3A_477 = tpu.memref_slice %arg5[%dma_start3A_476] : memref<576xi32, #tpu.memory_space<vmem>> -> memref<96xi32, #tpu.memory_space<vmem>>
    %dma_start3A_478 = arith.constant 0 : i32
    %dma_start3A_479 = arith.constant 0 : i32
    %dma_start3A_480 = tpu.memref_slice %arg2[%dma_start3A_478, %dma_start3A_479] : memref<12288x64xf32, #tpu.memory_space<hbm>> -> memref<12288x64xf32, #tpu.memory_space<hbm>>
    tpu.enqueue_indirect_dma source(%dma_start3A_480 : memref<12288x64xf32, #tpu.memory_space<hbm>>) target(%dma_start3A_475 : memref<96x64xf32, #tpu.memory_space<vmem>>) offsets(%dma_start3A_477 : memref<96xi32, #tpu.memory_space<vmem>>) semaphore(%arg9 : memref<!tpu.dma_semaphore, #tpu.memory_space<semaphore_mem>>)
    %dma_start3A_481 = arith.constant 96 : i32
    %dma_start3A_482 = arith.constant 0 : i32
    %dma_start3A_483 = tpu.memref_slice %arg7[%dma_start3A_481, %dma_start3A_482] : memref<576x64xf32, #tpu.memory_space<vmem>> -> memref<96x64xf32, #tpu.memory_space<vmem>>
    %dma_start3A_484 = arith.constant 96 : i32
    %dma_start3A_485 = tpu.memref_slice %arg5[%dma_start3A_484] : memref<576xi32, #tpu.memory_space<vmem>> -> memref<96xi32, #tpu.memory_space<vmem>>
    %dma_start3A_486 = arith.constant 0 : i32
    %dma_start3A_487 = arith.constant 0 : i32
    %dma_start3A_488 = tpu.memref_slice %arg2[%dma_start3A_486, %dma_start3A_487] : memref<12288x64xf32, #tpu.memory_space<hbm>> -> memref<12288x64xf32, #tpu.memory_space<hbm>>
    tpu.enqueue_indirect_dma source(%dma_start3A_488 : memref<12288x64xf32, #tpu.memory_space<hbm>>) target(%dma_start3A_483 : memref<96x64xf32, #tpu.memory_space<vmem>>) offsets(%dma_start3A_485 : memref<96xi32, #tpu.memory_space<vmem>>) semaphore(%arg9 : memref<!tpu.dma_semaphore, #tpu.memory_space<semaphore_mem>>)
    %dma_start3A_489 = arith.constant 192 : i32
    %dma_start3A_490 = arith.constant 0 : i32
    %dma_start3A_491 = tpu.memref_slice %arg7[%dma_start3A_489, %dma_start3A_490] : memref<576x64xf32, #tpu.memory_space<vmem>> -> memref<96x64xf32, #tpu.memory_space<vmem>>
    %dma_start3A_492 = arith.constant 192 : i32
    %dma_start3A_493 = tpu.memref_slice %arg5[%dma_start3A_492] : memref<576xi32, #tpu.memory_space<vmem>> -> memref<96xi32, #tpu.memory_space<vmem>>
    %dma_start3A_494 = arith.constant 0 : i32
    %dma_start3A_495 = arith.constant 0 : i32
    %dma_start3A_496 = tpu.memref_slice %arg2[%dma_start3A_494, %dma_start3A_495] : memref<12288x64xf32, #tpu.memory_space<hbm>> -> memref<12288x64xf32, #tpu.memory_space<hbm>>
    tpu.enqueue_indirect_dma source(%dma_start3A_496 : memref<12288x64xf32, #tpu.memory_space<hbm>>) target(%dma_start3A_491 : memref<96x64xf32, #tpu.memory_space<vmem>>) offsets(%dma_start3A_493 : memref<96xi32, #tpu.memory_space<vmem>>) semaphore(%arg9 : memref<!tpu.dma_semaphore, #tpu.memory_space<semaphore_mem>>)
    %dma_start3A_497 = arith.constant 288 : i32
    %dma_start3A_498 = arith.constant 0 : i32
    %dma_start3A_499 = tpu.memref_slice %arg7[%dma_start3A_497, %dma_start3A_498] : memref<576x64xf32, #tpu.memory_space<vmem>> -> memref<96x64xf32, #tpu.memory_space<vmem>>
    %dma_start3A_500 = arith.constant 288 : i32
    %dma_start3A_501 = tpu.memref_slice %arg5[%dma_start3A_500] : memref<576xi32, #tpu.memory_space<vmem>> -> memref<96xi32, #tpu.memory_space<vmem>>
    %dma_start3A_502 = arith.constant 0 : i32
    %dma_start3A_503 = arith.constant 0 : i32
    %dma_start3A_504 = tpu.memref_slice %arg2[%dma_start3A_502, %dma_start3A_503] : memref<12288x64xf32, #tpu.memory_space<hbm>> -> memref<12288x64xf32, #tpu.memory_space<hbm>>
    tpu.enqueue_indirect_dma source(%dma_start3A_504 : memref<12288x64xf32, #tpu.memory_space<hbm>>) target(%dma_start3A_499 : memref<96x64xf32, #tpu.memory_space<vmem>>) offsets(%dma_start3A_501 : memref<96xi32, #tpu.memory_space<vmem>>) semaphore(%arg9 : memref<!tpu.dma_semaphore, #tpu.memory_space<semaphore_mem>>)
    %dma_start3A_505 = arith.constant 384 : i32
    %dma_start3A_506 = arith.constant 0 : i32
    %dma_start3A_507 = tpu.memref_slice %arg7[%dma_start3A_505, %dma_start3A_506] : memref<576x64xf32, #tpu.memory_space<vmem>> -> memref<96x64xf32, #tpu.memory_space<vmem>>
    %dma_start3A_508 = arith.constant 384 : i32
    %dma_start3A_509 = tpu.memref_slice %arg5[%dma_start3A_508] : memref<576xi32, #tpu.memory_space<vmem>> -> memref<96xi32, #tpu.memory_space<vmem>>
    %dma_start3A_510 = arith.constant 0 : i32
    %dma_start3A_511 = arith.constant 0 : i32
    %dma_start3A_512 = tpu.memref_slice %arg2[%dma_start3A_510, %dma_start3A_511] : memref<12288x64xf32, #tpu.memory_space<hbm>> -> memref<12288x64xf32, #tpu.memory_space<hbm>>
    tpu.enqueue_indirect_dma source(%dma_start3A_512 : memref<12288x64xf32, #tpu.memory_space<hbm>>) target(%dma_start3A_507 : memref<96x64xf32, #tpu.memory_space<vmem>>) offsets(%dma_start3A_509 : memref<96xi32, #tpu.memory_space<vmem>>) semaphore(%arg9 : memref<!tpu.dma_semaphore, #tpu.memory_space<semaphore_mem>>)
    %dma_start3A_513 = arith.constant 480 : i32
    %dma_start3A_514 = arith.constant 0 : i32
    %dma_start3A_515 = tpu.memref_slice %arg7[%dma_start3A_513, %dma_start3A_514] : memref<576x64xf32, #tpu.memory_space<vmem>> -> memref<96x64xf32, #tpu.memory_space<vmem>>
    %dma_start3A_516 = arith.constant 480 : i32
    %dma_start3A_517 = tpu.memref_slice %arg5[%dma_start3A_516] : memref<576xi32, #tpu.memory_space<vmem>> -> memref<96xi32, #tpu.memory_space<vmem>>
    %dma_start3A_518 = arith.constant 0 : i32
    %dma_start3A_519 = arith.constant 0 : i32
    %dma_start3A_520 = tpu.memref_slice %arg2[%dma_start3A_518, %dma_start3A_519] : memref<12288x64xf32, #tpu.memory_space<hbm>> -> memref<12288x64xf32, #tpu.memory_space<hbm>>
    tpu.enqueue_indirect_dma source(%dma_start3A_520 : memref<12288x64xf32, #tpu.memory_space<hbm>>) target(%dma_start3A_515 : memref<96x64xf32, #tpu.memory_space<vmem>>) offsets(%dma_start3A_517 : memref<96xi32, #tpu.memory_space<vmem>>) semaphore(%arg9 : memref<!tpu.dma_semaphore, #tpu.memory_space<semaphore_mem>>)
    %mul3A_521 = arith.constant 6 : i32
    %mul3A_522 = arith.muli %add3A, %mul3A_521 : i32
    %add3A_523 = arith.constant 3 : i32
    %add3A_524 = arith.addi %mul3A_522, %add3A_523 : i32
    %jit3A_525 = arith.constant 16 : i32
    %div3A_526 = arith.divsi %add3A_524, %jit3A_525 : i32
    %sign3A_527 = arith.constant 0 : i32
    %sign3A_528 = arith.cmpi sgt, %add3A_524, %sign3A_527 : i32
    %sign3A_529 = arith.extui %sign3A_528 : i1 to i32
    %sign3A_530 = arith.constant 0 : i32
    %sign3A_531 = arith.cmpi slt, %add3A_524, %sign3A_530 : i32
    %sign3A_532 = arith.extui %sign3A_531 : i1 to i32
    %sign3A_533 = arith.subi %sign3A_529, %sign3A_532 : i32
    %sign3A_534 = arith.constant 0 : i32
    %sign3A_535 = arith.cmpi sgt, %jit3A_525, %sign3A_534 : i32
    %sign3A_536 = arith.extui %sign3A_535 : i1 to i32
    %sign3A_537 = arith.constant 0 : i32
    %sign3A_538 = arith.cmpi slt, %jit3A_525, %sign3A_537 : i32
    %sign3A_539 = arith.extui %sign3A_538 : i1 to i32
    %sign3A_540 = arith.subi %sign3A_536, %sign3A_539 : i32
    %ne3A_541 = arith.cmpi ne, %sign3A_533, %sign3A_540 : i32
    %rem3A_542 = arith.remsi %add3A_524, %jit3A_525 : i32
    %ne3A_543 = arith.constant 0 : i32
    %ne3A_544 = arith.cmpi ne, %rem3A_542, %ne3A_543 : i32
    %and3A_545 = arith.andi %ne3A_541, %ne3A_544 : i1
    %sub3A_546 = arith.constant 1 : i32
    %sub3A_547 = arith.subi %div3A_526, %sub3A_546 : i32
    %select_n3A_548 = arith.select %and3A_545, %sub3A_547, %div3A_526 : i32
    %jit3A_549 = arith.constant 16 : i32
    %eq3A_550 = arith.constant 0 : i32
    %eq3A_551 = arith.cmpi eq, %jit3A_549, %eq3A_550 : i32
    %jit3A_552 = arith.constant 1 : i32
    %select_n3A_553 = arith.select %eq3A_551, %jit3A_552, %jit3A_549 : i32
    %rem3A_554 = arith.remsi %add3A_524, %select_n3A_553 : i32
    %ne3A_555 = arith.constant 0 : i32
    %ne3A_556 = arith.cmpi ne, %rem3A_554, %ne3A_555 : i32
    %lt3A_557 = arith.constant 0 : i32
    %lt3A_558 = arith.cmpi slt, %rem3A_554, %lt3A_557 : i32
    %lt3A_559 = arith.constant 0 : i32
    %lt3A_560 = arith.cmpi slt, %select_n3A_553, %lt3A_559 : i32
    %ne3A_561 = arith.xori %lt3A_558, %lt3A_560 : i1
    %and3A_562 = arith.andi %ne3A_561, %ne3A_556 : i1
    %add3A_563 = arith.addi %rem3A_554, %select_n3A_553 : i32
    %select_n3A_564 = arith.select %and3A_562, %add3A_563, %rem3A_554 : i32
    %mul3A_565 = arith.constant 576 : i32
    %mul3A_566 = arith.muli %select_n3A_564, %mul3A_565 : i32
    "tpu.region"() ({
      %run_scoped3A = tpu.sem_alloc : memref<!tpu.dma_semaphore, #tpu.memory_space<semaphore_mem>>
      %dma_start3A_1189 = tpu.memref_slice %arg3[%select_n3A_548, %mul3A_566] : memref<16x9216xi32, #tpu.memory_space<hbm>> -> memref<1x576xi32, #tpu.memory_space<hbm>>
      %dma_start3A_1190 = tpu.memref_squeeze %dma_start3A_1189 : memref<1x576xi32, #tpu.memory_space<hbm>> -> memref<576xi32, #tpu.memory_space<hbm>>
      %dma_start3A_1191 = tpu.memref_slice %arg3[%select_n3A_548, %mul3A_566] : memref<16x9216xi32, #tpu.memory_space<hbm>> -> memref<1x576xi32, #tpu.memory_space<hbm>>
      %dma_start3A_1192 = tpu.memref_squeeze %dma_start3A_1191 : memref<1x576xi32, #tpu.memory_space<hbm>> -> memref<576xi32, #tpu.memory_space<hbm>>
      tpu.enqueue_dma source(%dma_start3A_1192 : memref<576xi32, #tpu.memory_space<hbm>>) target(%arg6 : memref<576xi32, #tpu.memory_space<vmem>>) target_semaphore(%run_scoped3A : memref<!tpu.dma_semaphore, #tpu.memory_space<semaphore_mem>>)
      %dma_wait3A_1193 = tpu.memref_slice %arg3[%select_n3A_548, %mul3A_566] : memref<16x9216xi32, #tpu.memory_space<hbm>> -> memref<1x576xi32, #tpu.memory_space<hbm>>
      %dma_wait3A_1194 = tpu.memref_squeeze %dma_wait3A_1193 : memref<1x576xi32, #tpu.memory_space<hbm>> -> memref<576xi32, #tpu.memory_space<hbm>>
      %dma_wait3A_1195 = tpu.memref_slice %arg3[%select_n3A_548, %mul3A_566] : memref<16x9216xi32, #tpu.memory_space<hbm>> -> memref<1x576xi32, #tpu.memory_space<hbm>>
      %dma_wait3A_1196 = tpu.memref_squeeze %dma_wait3A_1195 : memref<1x576xi32, #tpu.memory_space<hbm>> -> memref<576xi32, #tpu.memory_space<hbm>>
      tpu.wait_dma2 semaphore(%run_scoped3A : memref<!tpu.dma_semaphore, #tpu.memory_space<semaphore_mem>>) src(%dma_wait3A_1196 : memref<576xi32, #tpu.memory_space<hbm>>) dst(%arg6 : memref<576xi32, #tpu.memory_space<vmem>>)
      tpu.yield
    }) : () -> ()
    %dma_wait3A_567 = arith.constant 0 : i32
    %dma_wait3A_568 = arith.constant 0 : i32
    %dma_wait3A_569 = tpu.memref_slice %arg7[%dma_wait3A_567, %dma_wait3A_568] : memref<576x64xf32, #tpu.memory_space<vmem>> -> memref<96x64xf32, #tpu.memory_space<vmem>>
    %dma_wait3A_570 = arith.constant 0 : i32
    %dma_wait3A_571 = tpu.memref_slice %arg5[%dma_wait3A_570] : memref<576xi32, #tpu.memory_space<vmem>> -> memref<96xi32, #tpu.memory_space<vmem>>
    %dma_wait3A_572 = arith.constant 0 : i32
    %dma_wait3A_573 = arith.constant 0 : i32
    %dma_wait3A_574 = tpu.memref_slice %arg2[%dma_wait3A_572, %dma_wait3A_573] : memref<12288x64xf32, #tpu.memory_space<hbm>> -> memref<12288x64xf32, #tpu.memory_space<hbm>>
    tpu.wait_indirect_dma semaphore(%arg9 : memref<!tpu.dma_semaphore, #tpu.memory_space<semaphore_mem>>) src(%dma_wait3A_574 : memref<12288x64xf32, #tpu.memory_space<hbm>>) dst(%dma_wait3A_569 : memref<96x64xf32, #tpu.memory_space<vmem>>)
    %dma_wait3A_575 = arith.constant 96 : i32
    %dma_wait3A_576 = arith.constant 0 : i32
    %dma_wait3A_577 = tpu.memref_slice %arg7[%dma_wait3A_575, %dma_wait3A_576] : memref<576x64xf32, #tpu.memory_space<vmem>> -> memref<96x64xf32, #tpu.memory_space<vmem>>
    %dma_wait3A_578 = arith.constant 96 : i32
    %dma_wait3A_579 = tpu.memref_slice %arg5[%dma_wait3A_578] : memref<576xi32, #tpu.memory_space<vmem>> -> memref<96xi32, #tpu.memory_space<vmem>>
    %dma_wait3A_580 = arith.constant 0 : i32
    %dma_wait3A_581 = arith.constant 0 : i32
    %dma_wait3A_582 = tpu.memref_slice %arg2[%dma_wait3A_580, %dma_wait3A_581] : memref<12288x64xf32, #tpu.memory_space<hbm>> -> memref<12288x64xf32, #tpu.memory_space<hbm>>
    tpu.wait_indirect_dma semaphore(%arg9 : memref<!tpu.dma_semaphore, #tpu.memory_space<semaphore_mem>>) src(%dma_wait3A_582 : memref<12288x64xf32, #tpu.memory_space<hbm>>) dst(%dma_wait3A_577 : memref<96x64xf32, #tpu.memory_space<vmem>>)
    %dma_wait3A_583 = arith.constant 192 : i32
    %dma_wait3A_584 = arith.constant 0 : i32
    %dma_wait3A_585 = tpu.memref_slice %arg7[%dma_wait3A_583, %dma_wait3A_584] : memref<576x64xf32, #tpu.memory_space<vmem>> -> memref<96x64xf32, #tpu.memory_space<vmem>>
    %dma_wait3A_586 = arith.constant 192 : i32
    %dma_wait3A_587 = tpu.memref_slice %arg5[%dma_wait3A_586] : memref<576xi32, #tpu.memory_space<vmem>> -> memref<96xi32, #tpu.memory_space<vmem>>
    %dma_wait3A_588 = arith.constant 0 : i32
    %dma_wait3A_589 = arith.constant 0 : i32
    %dma_wait3A_590 = tpu.memref_slice %arg2[%dma_wait3A_588, %dma_wait3A_589] : memref<12288x64xf32, #tpu.memory_space<hbm>> -> memref<12288x64xf32, #tpu.memory_space<hbm>>
    tpu.wait_indirect_dma semaphore(%arg9 : memref<!tpu.dma_semaphore, #tpu.memory_space<semaphore_mem>>) src(%dma_wait3A_590 : memref<12288x64xf32, #tpu.memory_space<hbm>>) dst(%dma_wait3A_585 : memref<96x64xf32, #tpu.memory_space<vmem>>)
    %dma_wait3A_591 = arith.constant 288 : i32
    %dma_wait3A_592 = arith.constant 0 : i32
    %dma_wait3A_593 = tpu.memref_slice %arg7[%dma_wait3A_591, %dma_wait3A_592] : memref<576x64xf32, #tpu.memory_space<vmem>> -> memref<96x64xf32, #tpu.memory_space<vmem>>
    %dma_wait3A_594 = arith.constant 288 : i32
    %dma_wait3A_595 = tpu.memref_slice %arg5[%dma_wait3A_594] : memref<576xi32, #tpu.memory_space<vmem>> -> memref<96xi32, #tpu.memory_space<vmem>>
    %dma_wait3A_596 = arith.constant 0 : i32
    %dma_wait3A_597 = arith.constant 0 : i32
    %dma_wait3A_598 = tpu.memref_slice %arg2[%dma_wait3A_596, %dma_wait3A_597] : memref<12288x64xf32, #tpu.memory_space<hbm>> -> memref<12288x64xf32, #tpu.memory_space<hbm>>
    tpu.wait_indirect_dma semaphore(%arg9 : memref<!tpu.dma_semaphore, #tpu.memory_space<semaphore_mem>>) src(%dma_wait3A_598 : memref<12288x64xf32, #tpu.memory_space<hbm>>) dst(%dma_wait3A_593 : memref<96x64xf32, #tpu.memory_space<vmem>>)
    %dma_wait3A_599 = arith.constant 384 : i32
    %dma_wait3A_600 = arith.constant 0 : i32
    %dma_wait3A_601 = tpu.memref_slice %arg7[%dma_wait3A_599, %dma_wait3A_600] : memref<576x64xf32, #tpu.memory_space<vmem>> -> memref<96x64xf32, #tpu.memory_space<vmem>>
    %dma_wait3A_602 = arith.constant 384 : i32
    %dma_wait3A_603 = tpu.memref_slice %arg5[%dma_wait3A_602] : memref<576xi32, #tpu.memory_space<vmem>> -> memref<96xi32, #tpu.memory_space<vmem>>
    %dma_wait3A_604 = arith.constant 0 : i32
    %dma_wait3A_605 = arith.constant 0 : i32
    %dma_wait3A_606 = tpu.memref_slice %arg2[%dma_wait3A_604, %dma_wait3A_605] : memref<12288x64xf32, #tpu.memory_space<hbm>> -> memref<12288x64xf32, #tpu.memory_space<hbm>>
    tpu.wait_indirect_dma semaphore(%arg9 : memref<!tpu.dma_semaphore, #tpu.memory_space<semaphore_mem>>) src(%dma_wait3A_606 : memref<12288x64xf32, #tpu.memory_space<hbm>>) dst(%dma_wait3A_601 : memref<96x64xf32, #tpu.memory_space<vmem>>)
    %dma_wait3A_607 = arith.constant 480 : i32
    %dma_wait3A_608 = arith.constant 0 : i32
    %dma_wait3A_609 = tpu.memref_slice %arg7[%dma_wait3A_607, %dma_wait3A_608] : memref<576x64xf32, #tpu.memory_space<vmem>> -> memref<96x64xf32, #tpu.memory_space<vmem>>
    %dma_wait3A_610 = arith.constant 480 : i32
    %dma_wait3A_611 = tpu.memref_slice %arg5[%dma_wait3A_610] : memref<576xi32, #tpu.memory_space<vmem>> -> memref<96xi32, #tpu.memory_space<vmem>>
    %dma_wait3A_612 = arith.constant 0 : i32
    %dma_wait3A_613 = arith.constant 0 : i32
    %dma_wait3A_614 = tpu.memref_slice %arg2[%dma_wait3A_612, %dma_wait3A_613] : memref<12288x64xf32, #tpu.memory_space<hbm>> -> memref<12288x64xf32, #tpu.memory_space<hbm>>
    tpu.wait_indirect_dma semaphore(%arg9 : memref<!tpu.dma_semaphore, #tpu.memory_space<semaphore_mem>>) src(%dma_wait3A_614 : memref<12288x64xf32, #tpu.memory_space<hbm>>) dst(%dma_wait3A_609 : memref<96x64xf32, #tpu.memory_space<vmem>>)
    %mul3A_615 = arith.constant 576 : i32
    %mul3A_616 = arith.muli %select_n3A_466, %mul3A_615 : i32
    %dma_start3A_617 = arith.constant 0 : i32
    %dma_start3A_618 = tpu.memref_slice %arg4[%mul3A_616, %select_n3A_450, %dma_start3A_617] : memref<9216x12x64xf32, #tpu.memory_space<hbm>> -> memref<576x1x64xf32, #tpu.memory_space<hbm>>
    %dma_start3A_619 = tpu.memref_squeeze %dma_start3A_618 : memref<576x1x64xf32, #tpu.memory_space<hbm>> -> memref<576x64xf32, #tpu.memory_space<hbm>>
    %dma_start3A_620 = arith.constant 0 : i32
    %dma_start3A_621 = tpu.memref_slice %arg4[%mul3A_616, %select_n3A_450, %dma_start3A_620] : memref<9216x12x64xf32, #tpu.memory_space<hbm>> -> memref<576x1x64xf32, #tpu.memory_space<hbm>>
    %dma_start3A_622 = tpu.memref_squeeze %dma_start3A_621 : memref<576x1x64xf32, #tpu.memory_space<hbm>> -> memref<576x64xf32, #tpu.memory_space<hbm>>
    tpu.enqueue_dma source(%arg7 : memref<576x64xf32, #tpu.memory_space<vmem>>) target(%dma_start3A_622 : memref<576x64xf32, #tpu.memory_space<hbm>>) target_semaphore(%arg10 : memref<!tpu.dma_semaphore, #tpu.memory_space<semaphore_mem>>)
    %mul3A_623 = arith.constant 6 : i32
    %mul3A_624 = arith.muli %add3A, %mul3A_623 : i32
    %add3A_625 = arith.constant 3 : i32
    %add3A_626 = arith.addi %mul3A_624, %add3A_625 : i32
    %jit3A_627 = arith.constant 16 : i32
    %div3A_628 = arith.divsi %add3A_626, %jit3A_627 : i32
    %sign3A_629 = arith.constant 0 : i32
    %sign3A_630 = arith.cmpi sgt, %add3A_626, %sign3A_629 : i32
    %sign3A_631 = arith.extui %sign3A_630 : i1 to i32
    %sign3A_632 = arith.constant 0 : i32
    %sign3A_633 = arith.cmpi slt, %add3A_626, %sign3A_632 : i32
    %sign3A_634 = arith.extui %sign3A_633 : i1 to i32
    %sign3A_635 = arith.subi %sign3A_631, %sign3A_634 : i32
    %sign3A_636 = arith.constant 0 : i32
    %sign3A_637 = arith.cmpi sgt, %jit3A_627, %sign3A_636 : i32
    %sign3A_638 = arith.extui %sign3A_637 : i1 to i32
    %sign3A_639 = arith.constant 0 : i32
    %sign3A_640 = arith.cmpi slt, %jit3A_627, %sign3A_639 : i32
    %sign3A_641 = arith.extui %sign3A_640 : i1 to i32
    %sign3A_642 = arith.subi %sign3A_638, %sign3A_641 : i32
    %ne3A_643 = arith.cmpi ne, %sign3A_635, %sign3A_642 : i32
    %rem3A_644 = arith.remsi %add3A_626, %jit3A_627 : i32
    %ne3A_645 = arith.constant 0 : i32
    %ne3A_646 = arith.cmpi ne, %rem3A_644, %ne3A_645 : i32
    %and3A_647 = arith.andi %ne3A_643, %ne3A_646 : i1
    %sub3A_648 = arith.constant 1 : i32
    %sub3A_649 = arith.subi %div3A_628, %sub3A_648 : i32
    %select_n3A_650 = arith.select %and3A_647, %sub3A_649, %div3A_628 : i32
    %jit3A_651 = arith.constant 16 : i32
    %eq3A_652 = arith.constant 0 : i32
    %eq3A_653 = arith.cmpi eq, %jit3A_651, %eq3A_652 : i32
    %jit3A_654 = arith.constant 1 : i32
    %select_n3A_655 = arith.select %eq3A_653, %jit3A_654, %jit3A_651 : i32
    %rem3A_656 = arith.remsi %add3A_626, %select_n3A_655 : i32
    %ne3A_657 = arith.constant 0 : i32
    %ne3A_658 = arith.cmpi ne, %rem3A_656, %ne3A_657 : i32
    %lt3A_659 = arith.constant 0 : i32
    %lt3A_660 = arith.cmpi slt, %rem3A_656, %lt3A_659 : i32
    %lt3A_661 = arith.constant 0 : i32
    %lt3A_662 = arith.cmpi slt, %select_n3A_655, %lt3A_661 : i32
    %ne3A_663 = arith.xori %lt3A_660, %lt3A_662 : i1
    %and3A_664 = arith.andi %ne3A_663, %ne3A_658 : i1
    %add3A_665 = arith.addi %rem3A_656, %select_n3A_655 : i32
    %select_n3A_666 = arith.select %and3A_664, %add3A_665, %rem3A_656 : i32
    %dma_wait3A_667 = arith.constant 0 : i32
    %dma_wait3A_668 = tpu.memref_slice %arg4[%mul3A_416, %select_n3A_256, %dma_wait3A_667] : memref<9216x12x64xf32, #tpu.memory_space<hbm>> -> memref<576x1x64xf32, #tpu.memory_space<hbm>>
    %dma_wait3A_669 = tpu.memref_squeeze %dma_wait3A_668 : memref<576x1x64xf32, #tpu.memory_space<hbm>> -> memref<576x64xf32, #tpu.memory_space<hbm>>
    %dma_wait3A_670 = arith.constant 0 : i32
    %dma_wait3A_671 = tpu.memref_slice %arg4[%mul3A_416, %select_n3A_256, %dma_wait3A_670] : memref<9216x12x64xf32, #tpu.memory_space<hbm>> -> memref<576x1x64xf32, #tpu.memory_space<hbm>>
    %dma_wait3A_672 = tpu.memref_squeeze %dma_wait3A_671 : memref<576x1x64xf32, #tpu.memory_space<hbm>> -> memref<576x64xf32, #tpu.memory_space<hbm>>
    tpu.wait_dma2 semaphore(%arg10 : memref<!tpu.dma_semaphore, #tpu.memory_space<semaphore_mem>>) src(%arg8 : memref<576x64xf32, #tpu.memory_space<vmem>>) dst(%dma_wait3A_672 : memref<576x64xf32, #tpu.memory_space<hbm>>)
    %dma_start3A_673 = arith.constant 0 : i32
    %dma_start3A_674 = arith.constant 0 : i32
    %dma_start3A_675 = tpu.memref_slice %arg8[%dma_start3A_673, %dma_start3A_674] : memref<576x64xf32, #tpu.memory_space<vmem>> -> memref<96x64xf32, #tpu.memory_space<vmem>>
    %dma_start3A_676 = arith.constant 0 : i32
    %dma_start3A_677 = tpu.memref_slice %arg6[%dma_start3A_676] : memref<576xi32, #tpu.memory_space<vmem>> -> memref<96xi32, #tpu.memory_space<vmem>>
    %dma_start3A_678 = arith.constant 0 : i32
    %dma_start3A_679 = arith.constant 0 : i32
    %dma_start3A_680 = tpu.memref_slice %arg2[%dma_start3A_678, %dma_start3A_679] : memref<12288x64xf32, #tpu.memory_space<hbm>> -> memref<12288x64xf32, #tpu.memory_space<hbm>>
    tpu.enqueue_indirect_dma source(%dma_start3A_680 : memref<12288x64xf32, #tpu.memory_space<hbm>>) target(%dma_start3A_675 : memref<96x64xf32, #tpu.memory_space<vmem>>) offsets(%dma_start3A_677 : memref<96xi32, #tpu.memory_space<vmem>>) semaphore(%arg9 : memref<!tpu.dma_semaphore, #tpu.memory_space<semaphore_mem>>)
    %dma_start3A_681 = arith.constant 96 : i32
    %dma_start3A_682 = arith.constant 0 : i32
    %dma_start3A_683 = tpu.memref_slice %arg8[%dma_start3A_681, %dma_start3A_682] : memref<576x64xf32, #tpu.memory_space<vmem>> -> memref<96x64xf32, #tpu.memory_space<vmem>>
    %dma_start3A_684 = arith.constant 96 : i32
    %dma_start3A_685 = tpu.memref_slice %arg6[%dma_start3A_684] : memref<576xi32, #tpu.memory_space<vmem>> -> memref<96xi32, #tpu.memory_space<vmem>>
    %dma_start3A_686 = arith.constant 0 : i32
    %dma_start3A_687 = arith.constant 0 : i32
    %dma_start3A_688 = tpu.memref_slice %arg2[%dma_start3A_686, %dma_start3A_687] : memref<12288x64xf32, #tpu.memory_space<hbm>> -> memref<12288x64xf32, #tpu.memory_space<hbm>>
    tpu.enqueue_indirect_dma source(%dma_start3A_688 : memref<12288x64xf32, #tpu.memory_space<hbm>>) target(%dma_start3A_683 : memref<96x64xf32, #tpu.memory_space<vmem>>) offsets(%dma_start3A_685 : memref<96xi32, #tpu.memory_space<vmem>>) semaphore(%arg9 : memref<!tpu.dma_semaphore, #tpu.memory_space<semaphore_mem>>)
    %dma_start3A_689 = arith.constant 192 : i32
    %dma_start3A_690 = arith.constant 0 : i32
    %dma_start3A_691 = tpu.memref_slice %arg8[%dma_start3A_689, %dma_start3A_690] : memref<576x64xf32, #tpu.memory_space<vmem>> -> memref<96x64xf32, #tpu.memory_space<vmem>>
    %dma_start3A_692 = arith.constant 192 : i32
    %dma_start3A_693 = tpu.memref_slice %arg6[%dma_start3A_692] : memref<576xi32, #tpu.memory_space<vmem>> -> memref<96xi32, #tpu.memory_space<vmem>>
    %dma_start3A_694 = arith.constant 0 : i32
    %dma_start3A_695 = arith.constant 0 : i32
    %dma_start3A_696 = tpu.memref_slice %arg2[%dma_start3A_694, %dma_start3A_695] : memref<12288x64xf32, #tpu.memory_space<hbm>> -> memref<12288x64xf32, #tpu.memory_space<hbm>>
    tpu.enqueue_indirect_dma source(%dma_start3A_696 : memref<12288x64xf32, #tpu.memory_space<hbm>>) target(%dma_start3A_691 : memref<96x64xf32, #tpu.memory_space<vmem>>) offsets(%dma_start3A_693 : memref<96xi32, #tpu.memory_space<vmem>>) semaphore(%arg9 : memref<!tpu.dma_semaphore, #tpu.memory_space<semaphore_mem>>)
    %dma_start3A_697 = arith.constant 288 : i32
    %dma_start3A_698 = arith.constant 0 : i32
    %dma_start3A_699 = tpu.memref_slice %arg8[%dma_start3A_697, %dma_start3A_698] : memref<576x64xf32, #tpu.memory_space<vmem>> -> memref<96x64xf32, #tpu.memory_space<vmem>>
    %dma_start3A_700 = arith.constant 288 : i32
    %dma_start3A_701 = tpu.memref_slice %arg6[%dma_start3A_700] : memref<576xi32, #tpu.memory_space<vmem>> -> memref<96xi32, #tpu.memory_space<vmem>>
    %dma_start3A_702 = arith.constant 0 : i32
    %dma_start3A_703 = arith.constant 0 : i32
    %dma_start3A_704 = tpu.memref_slice %arg2[%dma_start3A_702, %dma_start3A_703] : memref<12288x64xf32, #tpu.memory_space<hbm>> -> memref<12288x64xf32, #tpu.memory_space<hbm>>
    tpu.enqueue_indirect_dma source(%dma_start3A_704 : memref<12288x64xf32, #tpu.memory_space<hbm>>) target(%dma_start3A_699 : memref<96x64xf32, #tpu.memory_space<vmem>>) offsets(%dma_start3A_701 : memref<96xi32, #tpu.memory_space<vmem>>) semaphore(%arg9 : memref<!tpu.dma_semaphore, #tpu.memory_space<semaphore_mem>>)
    %dma_start3A_705 = arith.constant 384 : i32
    %dma_start3A_706 = arith.constant 0 : i32
    %dma_start3A_707 = tpu.memref_slice %arg8[%dma_start3A_705, %dma_start3A_706] : memref<576x64xf32, #tpu.memory_space<vmem>> -> memref<96x64xf32, #tpu.memory_space<vmem>>
    %dma_start3A_708 = arith.constant 384 : i32
    %dma_start3A_709 = tpu.memref_slice %arg6[%dma_start3A_708] : memref<576xi32, #tpu.memory_space<vmem>> -> memref<96xi32, #tpu.memory_space<vmem>>
    %dma_start3A_710 = arith.constant 0 : i32
    %dma_start3A_711 = arith.constant 0 : i32
    %dma_start3A_712 = tpu.memref_slice %arg2[%dma_start3A_710, %dma_start3A_711] : memref<12288x64xf32, #tpu.memory_space<hbm>> -> memref<12288x64xf32, #tpu.memory_space<hbm>>
    tpu.enqueue_indirect_dma source(%dma_start3A_712 : memref<12288x64xf32, #tpu.memory_space<hbm>>) target(%dma_start3A_707 : memref<96x64xf32, #tpu.memory_space<vmem>>) offsets(%dma_start3A_709 : memref<96xi32, #tpu.memory_space<vmem>>) semaphore(%arg9 : memref<!tpu.dma_semaphore, #tpu.memory_space<semaphore_mem>>)
    %dma_start3A_713 = arith.constant 480 : i32
    %dma_start3A_714 = arith.constant 0 : i32
    %dma_start3A_715 = tpu.memref_slice %arg8[%dma_start3A_713, %dma_start3A_714] : memref<576x64xf32, #tpu.memory_space<vmem>> -> memref<96x64xf32, #tpu.memory_space<vmem>>
    %dma_start3A_716 = arith.constant 480 : i32
    %dma_start3A_717 = tpu.memref_slice %arg6[%dma_start3A_716] : memref<576xi32, #tpu.memory_space<vmem>> -> memref<96xi32, #tpu.memory_space<vmem>>
    %dma_start3A_718 = arith.constant 0 : i32
    %dma_start3A_719 = arith.constant 0 : i32
    %dma_start3A_720 = tpu.memref_slice %arg2[%dma_start3A_718, %dma_start3A_719] : memref<12288x64xf32, #tpu.memory_space<hbm>> -> memref<12288x64xf32, #tpu.memory_space<hbm>>
    tpu.enqueue_indirect_dma source(%dma_start3A_720 : memref<12288x64xf32, #tpu.memory_space<hbm>>) target(%dma_start3A_715 : memref<96x64xf32, #tpu.memory_space<vmem>>) offsets(%dma_start3A_717 : memref<96xi32, #tpu.memory_space<vmem>>) semaphore(%arg9 : memref<!tpu.dma_semaphore, #tpu.memory_space<semaphore_mem>>)
    %mul3A_721 = arith.constant 6 : i32
    %mul3A_722 = arith.muli %add3A, %mul3A_721 : i32
    %add3A_723 = arith.constant 4 : i32
    %add3A_724 = arith.addi %mul3A_722, %add3A_723 : i32
    %jit3A_725 = arith.constant 16 : i32
    %div3A_726 = arith.divsi %add3A_724, %jit3A_725 : i32
    %sign3A_727 = arith.constant 0 : i32
    %sign3A_728 = arith.cmpi sgt, %add3A_724, %sign3A_727 : i32
    %sign3A_729 = arith.extui %sign3A_728 : i1 to i32
    %sign3A_730 = arith.constant 0 : i32
    %sign3A_731 = arith.cmpi slt, %add3A_724, %sign3A_730 : i32
    %sign3A_732 = arith.extui %sign3A_731 : i1 to i32
    %sign3A_733 = arith.subi %sign3A_729, %sign3A_732 : i32
    %sign3A_734 = arith.constant 0 : i32
    %sign3A_735 = arith.cmpi sgt, %jit3A_725, %sign3A_734 : i32
    %sign3A_736 = arith.extui %sign3A_735 : i1 to i32
    %sign3A_737 = arith.constant 0 : i32
    %sign3A_738 = arith.cmpi slt, %jit3A_725, %sign3A_737 : i32
    %sign3A_739 = arith.extui %sign3A_738 : i1 to i32
    %sign3A_740 = arith.subi %sign3A_736, %sign3A_739 : i32
    %ne3A_741 = arith.cmpi ne, %sign3A_733, %sign3A_740 : i32
    %rem3A_742 = arith.remsi %add3A_724, %jit3A_725 : i32
    %ne3A_743 = arith.constant 0 : i32
    %ne3A_744 = arith.cmpi ne, %rem3A_742, %ne3A_743 : i32
    %and3A_745 = arith.andi %ne3A_741, %ne3A_744 : i1
    %sub3A_746 = arith.constant 1 : i32
    %sub3A_747 = arith.subi %div3A_726, %sub3A_746 : i32
    %select_n3A_748 = arith.select %and3A_745, %sub3A_747, %div3A_726 : i32
    %jit3A_749 = arith.constant 16 : i32
    %eq3A_750 = arith.constant 0 : i32
    %eq3A_751 = arith.cmpi eq, %jit3A_749, %eq3A_750 : i32
    %jit3A_752 = arith.constant 1 : i32
    %select_n3A_753 = arith.select %eq3A_751, %jit3A_752, %jit3A_749 : i32
    %rem3A_754 = arith.remsi %add3A_724, %select_n3A_753 : i32
    %ne3A_755 = arith.constant 0 : i32
    %ne3A_756 = arith.cmpi ne, %rem3A_754, %ne3A_755 : i32
    %lt3A_757 = arith.constant 0 : i32
    %lt3A_758 = arith.cmpi slt, %rem3A_754, %lt3A_757 : i32
    %lt3A_759 = arith.constant 0 : i32
    %lt3A_760 = arith.cmpi slt, %select_n3A_753, %lt3A_759 : i32
    %ne3A_761 = arith.xori %lt3A_758, %lt3A_760 : i1
    %and3A_762 = arith.andi %ne3A_761, %ne3A_756 : i1
    %add3A_763 = arith.addi %rem3A_754, %select_n3A_753 : i32
    %select_n3A_764 = arith.select %and3A_762, %add3A_763, %rem3A_754 : i32
    %mul3A_765 = arith.constant 576 : i32
    %mul3A_766 = arith.muli %select_n3A_764, %mul3A_765 : i32
    "tpu.region"() ({
      %run_scoped3A = tpu.sem_alloc : memref<!tpu.dma_semaphore, #tpu.memory_space<semaphore_mem>>
      %dma_start3A_1189 = tpu.memref_slice %arg3[%select_n3A_748, %mul3A_766] : memref<16x9216xi32, #tpu.memory_space<hbm>> -> memref<1x576xi32, #tpu.memory_space<hbm>>
      %dma_start3A_1190 = tpu.memref_squeeze %dma_start3A_1189 : memref<1x576xi32, #tpu.memory_space<hbm>> -> memref<576xi32, #tpu.memory_space<hbm>>
      %dma_start3A_1191 = tpu.memref_slice %arg3[%select_n3A_748, %mul3A_766] : memref<16x9216xi32, #tpu.memory_space<hbm>> -> memref<1x576xi32, #tpu.memory_space<hbm>>
      %dma_start3A_1192 = tpu.memref_squeeze %dma_start3A_1191 : memref<1x576xi32, #tpu.memory_space<hbm>> -> memref<576xi32, #tpu.memory_space<hbm>>
      tpu.enqueue_dma source(%dma_start3A_1192 : memref<576xi32, #tpu.memory_space<hbm>>) target(%arg5 : memref<576xi32, #tpu.memory_space<vmem>>) target_semaphore(%run_scoped3A : memref<!tpu.dma_semaphore, #tpu.memory_space<semaphore_mem>>)
      %dma_wait3A_1193 = tpu.memref_slice %arg3[%select_n3A_748, %mul3A_766] : memref<16x9216xi32, #tpu.memory_space<hbm>> -> memref<1x576xi32, #tpu.memory_space<hbm>>
      %dma_wait3A_1194 = tpu.memref_squeeze %dma_wait3A_1193 : memref<1x576xi32, #tpu.memory_space<hbm>> -> memref<576xi32, #tpu.memory_space<hbm>>
      %dma_wait3A_1195 = tpu.memref_slice %arg3[%select_n3A_748, %mul3A_766] : memref<16x9216xi32, #tpu.memory_space<hbm>> -> memref<1x576xi32, #tpu.memory_space<hbm>>
      %dma_wait3A_1196 = tpu.memref_squeeze %dma_wait3A_1195 : memref<1x576xi32, #tpu.memory_space<hbm>> -> memref<576xi32, #tpu.memory_space<hbm>>
      tpu.wait_dma2 semaphore(%run_scoped3A : memref<!tpu.dma_semaphore, #tpu.memory_space<semaphore_mem>>) src(%dma_wait3A_1196 : memref<576xi32, #tpu.memory_space<hbm>>) dst(%arg5 : memref<576xi32, #tpu.memory_space<vmem>>)
      tpu.yield
    }) : () -> ()
    %dma_wait3A_767 = arith.constant 0 : i32
    %dma_wait3A_768 = arith.constant 0 : i32
    %dma_wait3A_769 = tpu.memref_slice %arg8[%dma_wait3A_767, %dma_wait3A_768] : memref<576x64xf32, #tpu.memory_space<vmem>> -> memref<96x64xf32, #tpu.memory_space<vmem>>
    %dma_wait3A_770 = arith.constant 0 : i32
    %dma_wait3A_771 = tpu.memref_slice %arg6[%dma_wait3A_770] : memref<576xi32, #tpu.memory_space<vmem>> -> memref<96xi32, #tpu.memory_space<vmem>>
    %dma_wait3A_772 = arith.constant 0 : i32
    %dma_wait3A_773 = arith.constant 0 : i32
    %dma_wait3A_774 = tpu.memref_slice %arg2[%dma_wait3A_772, %dma_wait3A_773] : memref<12288x64xf32, #tpu.memory_space<hbm>> -> memref<12288x64xf32, #tpu.memory_space<hbm>>
    tpu.wait_indirect_dma semaphore(%arg9 : memref<!tpu.dma_semaphore, #tpu.memory_space<semaphore_mem>>) src(%dma_wait3A_774 : memref<12288x64xf32, #tpu.memory_space<hbm>>) dst(%dma_wait3A_769 : memref<96x64xf32, #tpu.memory_space<vmem>>)
    %dma_wait3A_775 = arith.constant 96 : i32
    %dma_wait3A_776 = arith.constant 0 : i32
    %dma_wait3A_777 = tpu.memref_slice %arg8[%dma_wait3A_775, %dma_wait3A_776] : memref<576x64xf32, #tpu.memory_space<vmem>> -> memref<96x64xf32, #tpu.memory_space<vmem>>
    %dma_wait3A_778 = arith.constant 96 : i32
    %dma_wait3A_779 = tpu.memref_slice %arg6[%dma_wait3A_778] : memref<576xi32, #tpu.memory_space<vmem>> -> memref<96xi32, #tpu.memory_space<vmem>>
    %dma_wait3A_780 = arith.constant 0 : i32
    %dma_wait3A_781 = arith.constant 0 : i32
    %dma_wait3A_782 = tpu.memref_slice %arg2[%dma_wait3A_780, %dma_wait3A_781] : memref<12288x64xf32, #tpu.memory_space<hbm>> -> memref<12288x64xf32, #tpu.memory_space<hbm>>
    tpu.wait_indirect_dma semaphore(%arg9 : memref<!tpu.dma_semaphore, #tpu.memory_space<semaphore_mem>>) src(%dma_wait3A_782 : memref<12288x64xf32, #tpu.memory_space<hbm>>) dst(%dma_wait3A_777 : memref<96x64xf32, #tpu.memory_space<vmem>>)
    %dma_wait3A_783 = arith.constant 192 : i32
    %dma_wait3A_784 = arith.constant 0 : i32
    %dma_wait3A_785 = tpu.memref_slice %arg8[%dma_wait3A_783, %dma_wait3A_784] : memref<576x64xf32, #tpu.memory_space<vmem>> -> memref<96x64xf32, #tpu.memory_space<vmem>>
    %dma_wait3A_786 = arith.constant 192 : i32
    %dma_wait3A_787 = tpu.memref_slice %arg6[%dma_wait3A_786] : memref<576xi32, #tpu.memory_space<vmem>> -> memref<96xi32, #tpu.memory_space<vmem>>
    %dma_wait3A_788 = arith.constant 0 : i32
    %dma_wait3A_789 = arith.constant 0 : i32
    %dma_wait3A_790 = tpu.memref_slice %arg2[%dma_wait3A_788, %dma_wait3A_789] : memref<12288x64xf32, #tpu.memory_space<hbm>> -> memref<12288x64xf32, #tpu.memory_space<hbm>>
    tpu.wait_indirect_dma semaphore(%arg9 : memref<!tpu.dma_semaphore, #tpu.memory_space<semaphore_mem>>) src(%dma_wait3A_790 : memref<12288x64xf32, #tpu.memory_space<hbm>>) dst(%dma_wait3A_785 : memref<96x64xf32, #tpu.memory_space<vmem>>)
    %dma_wait3A_791 = arith.constant 288 : i32
    %dma_wait3A_792 = arith.constant 0 : i32
    %dma_wait3A_793 = tpu.memref_slice %arg8[%dma_wait3A_791, %dma_wait3A_792] : memref<576x64xf32, #tpu.memory_space<vmem>> -> memref<96x64xf32, #tpu.memory_space<vmem>>
    %dma_wait3A_794 = arith.constant 288 : i32
    %dma_wait3A_795 = tpu.memref_slice %arg6[%dma_wait3A_794] : memref<576xi32, #tpu.memory_space<vmem>> -> memref<96xi32, #tpu.memory_space<vmem>>
    %dma_wait3A_796 = arith.constant 0 : i32
    %dma_wait3A_797 = arith.constant 0 : i32
    %dma_wait3A_798 = tpu.memref_slice %arg2[%dma_wait3A_796, %dma_wait3A_797] : memref<12288x64xf32, #tpu.memory_space<hbm>> -> memref<12288x64xf32, #tpu.memory_space<hbm>>
    tpu.wait_indirect_dma semaphore(%arg9 : memref<!tpu.dma_semaphore, #tpu.memory_space<semaphore_mem>>) src(%dma_wait3A_798 : memref<12288x64xf32, #tpu.memory_space<hbm>>) dst(%dma_wait3A_793 : memref<96x64xf32, #tpu.memory_space<vmem>>)
    %dma_wait3A_799 = arith.constant 384 : i32
    %dma_wait3A_800 = arith.constant 0 : i32
    %dma_wait3A_801 = tpu.memref_slice %arg8[%dma_wait3A_799, %dma_wait3A_800] : memref<576x64xf32, #tpu.memory_space<vmem>> -> memref<96x64xf32, #tpu.memory_space<vmem>>
    %dma_wait3A_802 = arith.constant 384 : i32
    %dma_wait3A_803 = tpu.memref_slice %arg6[%dma_wait3A_802] : memref<576xi32, #tpu.memory_space<vmem>> -> memref<96xi32, #tpu.memory_space<vmem>>
    %dma_wait3A_804 = arith.constant 0 : i32
    %dma_wait3A_805 = arith.constant 0 : i32
    %dma_wait3A_806 = tpu.memref_slice %arg2[%dma_wait3A_804, %dma_wait3A_805] : memref<12288x64xf32, #tpu.memory_space<hbm>> -> memref<12288x64xf32, #tpu.memory_space<hbm>>
    tpu.wait_indirect_dma semaphore(%arg9 : memref<!tpu.dma_semaphore, #tpu.memory_space<semaphore_mem>>) src(%dma_wait3A_806 : memref<12288x64xf32, #tpu.memory_space<hbm>>) dst(%dma_wait3A_801 : memref<96x64xf32, #tpu.memory_space<vmem>>)
    %dma_wait3A_807 = arith.constant 480 : i32
    %dma_wait3A_808 = arith.constant 0 : i32
    %dma_wait3A_809 = tpu.memref_slice %arg8[%dma_wait3A_807, %dma_wait3A_808] : memref<576x64xf32, #tpu.memory_space<vmem>> -> memref<96x64xf32, #tpu.memory_space<vmem>>
    %dma_wait3A_810 = arith.constant 480 : i32
    %dma_wait3A_811 = tpu.memref_slice %arg6[%dma_wait3A_810] : memref<576xi32, #tpu.memory_space<vmem>> -> memref<96xi32, #tpu.memory_space<vmem>>
    %dma_wait3A_812 = arith.constant 0 : i32
    %dma_wait3A_813 = arith.constant 0 : i32
    %dma_wait3A_814 = tpu.memref_slice %arg2[%dma_wait3A_812, %dma_wait3A_813] : memref<12288x64xf32, #tpu.memory_space<hbm>> -> memref<12288x64xf32, #tpu.memory_space<hbm>>
    tpu.wait_indirect_dma semaphore(%arg9 : memref<!tpu.dma_semaphore, #tpu.memory_space<semaphore_mem>>) src(%dma_wait3A_814 : memref<12288x64xf32, #tpu.memory_space<hbm>>) dst(%dma_wait3A_809 : memref<96x64xf32, #tpu.memory_space<vmem>>)
    %mul3A_815 = arith.constant 576 : i32
    %mul3A_816 = arith.muli %select_n3A_666, %mul3A_815 : i32
    %dma_start3A_817 = arith.constant 0 : i32
    %dma_start3A_818 = tpu.memref_slice %arg4[%mul3A_816, %select_n3A_650, %dma_start3A_817] : memref<9216x12x64xf32, #tpu.memory_space<hbm>> -> memref<576x1x64xf32, #tpu.memory_space<hbm>>
    %dma_start3A_819 = tpu.memref_squeeze %dma_start3A_818 : memref<576x1x64xf32, #tpu.memory_space<hbm>> -> memref<576x64xf32, #tpu.memory_space<hbm>>
    %dma_start3A_820 = arith.constant 0 : i32
    %dma_start3A_821 = tpu.memref_slice %arg4[%mul3A_816, %select_n3A_650, %dma_start3A_820] : memref<9216x12x64xf32, #tpu.memory_space<hbm>> -> memref<576x1x64xf32, #tpu.memory_space<hbm>>
    %dma_start3A_822 = tpu.memref_squeeze %dma_start3A_821 : memref<576x1x64xf32, #tpu.memory_space<hbm>> -> memref<576x64xf32, #tpu.memory_space<hbm>>
    tpu.enqueue_dma source(%arg8 : memref<576x64xf32, #tpu.memory_space<vmem>>) target(%dma_start3A_822 : memref<576x64xf32, #tpu.memory_space<hbm>>) target_semaphore(%arg10 : memref<!tpu.dma_semaphore, #tpu.memory_space<semaphore_mem>>)
    %mul3A_823 = arith.constant 6 : i32
    %mul3A_824 = arith.muli %add3A, %mul3A_823 : i32
    %add3A_825 = arith.constant 4 : i32
    %add3A_826 = arith.addi %mul3A_824, %add3A_825 : i32
    %jit3A_827 = arith.constant 16 : i32
    %div3A_828 = arith.divsi %add3A_826, %jit3A_827 : i32
    %sign3A_829 = arith.constant 0 : i32
    %sign3A_830 = arith.cmpi sgt, %add3A_826, %sign3A_829 : i32
    %sign3A_831 = arith.extui %sign3A_830 : i1 to i32
    %sign3A_832 = arith.constant 0 : i32
    %sign3A_833 = arith.cmpi slt, %add3A_826, %sign3A_832 : i32
    %sign3A_834 = arith.extui %sign3A_833 : i1 to i32
    %sign3A_835 = arith.subi %sign3A_831, %sign3A_834 : i32
    %sign3A_836 = arith.constant 0 : i32
    %sign3A_837 = arith.cmpi sgt, %jit3A_827, %sign3A_836 : i32
    %sign3A_838 = arith.extui %sign3A_837 : i1 to i32
    %sign3A_839 = arith.constant 0 : i32
    %sign3A_840 = arith.cmpi slt, %jit3A_827, %sign3A_839 : i32
    %sign3A_841 = arith.extui %sign3A_840 : i1 to i32
    %sign3A_842 = arith.subi %sign3A_838, %sign3A_841 : i32
    %ne3A_843 = arith.cmpi ne, %sign3A_835, %sign3A_842 : i32
    %rem3A_844 = arith.remsi %add3A_826, %jit3A_827 : i32
    %ne3A_845 = arith.constant 0 : i32
    %ne3A_846 = arith.cmpi ne, %rem3A_844, %ne3A_845 : i32
    %and3A_847 = arith.andi %ne3A_843, %ne3A_846 : i1
    %sub3A_848 = arith.constant 1 : i32
    %sub3A_849 = arith.subi %div3A_828, %sub3A_848 : i32
    %select_n3A_850 = arith.select %and3A_847, %sub3A_849, %div3A_828 : i32
    %jit3A_851 = arith.constant 16 : i32
    %eq3A_852 = arith.constant 0 : i32
    %eq3A_853 = arith.cmpi eq, %jit3A_851, %eq3A_852 : i32
    %jit3A_854 = arith.constant 1 : i32
    %select_n3A_855 = arith.select %eq3A_853, %jit3A_854, %jit3A_851 : i32
    %rem3A_856 = arith.remsi %add3A_826, %select_n3A_855 : i32
    %ne3A_857 = arith.constant 0 : i32
    %ne3A_858 = arith.cmpi ne, %rem3A_856, %ne3A_857 : i32
    %lt3A_859 = arith.constant 0 : i32
    %lt3A_860 = arith.cmpi slt, %rem3A_856, %lt3A_859 : i32
    %lt3A_861 = arith.constant 0 : i32
    %lt3A_862 = arith.cmpi slt, %select_n3A_855, %lt3A_861 : i32
    %ne3A_863 = arith.xori %lt3A_860, %lt3A_862 : i1
    %and3A_864 = arith.andi %ne3A_863, %ne3A_858 : i1
    %add3A_865 = arith.addi %rem3A_856, %select_n3A_855 : i32
    %select_n3A_866 = arith.select %and3A_864, %add3A_865, %rem3A_856 : i32
    %dma_wait3A_867 = arith.constant 0 : i32
    %dma_wait3A_868 = tpu.memref_slice %arg4[%mul3A_616, %select_n3A_450, %dma_wait3A_867] : memref<9216x12x64xf32, #tpu.memory_space<hbm>> -> memref<576x1x64xf32, #tpu.memory_space<hbm>>
    %dma_wait3A_869 = tpu.memref_squeeze %dma_wait3A_868 : memref<576x1x64xf32, #tpu.memory_space<hbm>> -> memref<576x64xf32, #tpu.memory_space<hbm>>
    %dma_wait3A_870 = arith.constant 0 : i32
    %dma_wait3A_871 = tpu.memref_slice %arg4[%mul3A_616, %select_n3A_450, %dma_wait3A_870] : memref<9216x12x64xf32, #tpu.memory_space<hbm>> -> memref<576x1x64xf32, #tpu.memory_space<hbm>>
    %dma_wait3A_872 = tpu.memref_squeeze %dma_wait3A_871 : memref<576x1x64xf32, #tpu.memory_space<hbm>> -> memref<576x64xf32, #tpu.memory_space<hbm>>
    tpu.wait_dma2 semaphore(%arg10 : memref<!tpu.dma_semaphore, #tpu.memory_space<semaphore_mem>>) src(%arg7 : memref<576x64xf32, #tpu.memory_space<vmem>>) dst(%dma_wait3A_872 : memref<576x64xf32, #tpu.memory_space<hbm>>)
    %dma_start3A_873 = arith.constant 0 : i32
    %dma_start3A_874 = arith.constant 0 : i32
    %dma_start3A_875 = tpu.memref_slice %arg7[%dma_start3A_873, %dma_start3A_874] : memref<576x64xf32, #tpu.memory_space<vmem>> -> memref<96x64xf32, #tpu.memory_space<vmem>>
    %dma_start3A_876 = arith.constant 0 : i32
    %dma_start3A_877 = tpu.memref_slice %arg5[%dma_start3A_876] : memref<576xi32, #tpu.memory_space<vmem>> -> memref<96xi32, #tpu.memory_space<vmem>>
    %dma_start3A_878 = arith.constant 0 : i32
    %dma_start3A_879 = arith.constant 0 : i32
    %dma_start3A_880 = tpu.memref_slice %arg2[%dma_start3A_878, %dma_start3A_879] : memref<12288x64xf32, #tpu.memory_space<hbm>> -> memref<12288x64xf32, #tpu.memory_space<hbm>>
    tpu.enqueue_indirect_dma source(%dma_start3A_880 : memref<12288x64xf32, #tpu.memory_space<hbm>>) target(%dma_start3A_875 : memref<96x64xf32, #tpu.memory_space<vmem>>) offsets(%dma_start3A_877 : memref<96xi32, #tpu.memory_space<vmem>>) semaphore(%arg9 : memref<!tpu.dma_semaphore, #tpu.memory_space<semaphore_mem>>)
    %dma_start3A_881 = arith.constant 96 : i32
    %dma_start3A_882 = arith.constant 0 : i32
    %dma_start3A_883 = tpu.memref_slice %arg7[%dma_start3A_881, %dma_start3A_882] : memref<576x64xf32, #tpu.memory_space<vmem>> -> memref<96x64xf32, #tpu.memory_space<vmem>>
    %dma_start3A_884 = arith.constant 96 : i32
    %dma_start3A_885 = tpu.memref_slice %arg5[%dma_start3A_884] : memref<576xi32, #tpu.memory_space<vmem>> -> memref<96xi32, #tpu.memory_space<vmem>>
    %dma_start3A_886 = arith.constant 0 : i32
    %dma_start3A_887 = arith.constant 0 : i32
    %dma_start3A_888 = tpu.memref_slice %arg2[%dma_start3A_886, %dma_start3A_887] : memref<12288x64xf32, #tpu.memory_space<hbm>> -> memref<12288x64xf32, #tpu.memory_space<hbm>>
    tpu.enqueue_indirect_dma source(%dma_start3A_888 : memref<12288x64xf32, #tpu.memory_space<hbm>>) target(%dma_start3A_883 : memref<96x64xf32, #tpu.memory_space<vmem>>) offsets(%dma_start3A_885 : memref<96xi32, #tpu.memory_space<vmem>>) semaphore(%arg9 : memref<!tpu.dma_semaphore, #tpu.memory_space<semaphore_mem>>)
    %dma_start3A_889 = arith.constant 192 : i32
    %dma_start3A_890 = arith.constant 0 : i32
    %dma_start3A_891 = tpu.memref_slice %arg7[%dma_start3A_889, %dma_start3A_890] : memref<576x64xf32, #tpu.memory_space<vmem>> -> memref<96x64xf32, #tpu.memory_space<vmem>>
    %dma_start3A_892 = arith.constant 192 : i32
    %dma_start3A_893 = tpu.memref_slice %arg5[%dma_start3A_892] : memref<576xi32, #tpu.memory_space<vmem>> -> memref<96xi32, #tpu.memory_space<vmem>>
    %dma_start3A_894 = arith.constant 0 : i32
    %dma_start3A_895 = arith.constant 0 : i32
    %dma_start3A_896 = tpu.memref_slice %arg2[%dma_start3A_894, %dma_start3A_895] : memref<12288x64xf32, #tpu.memory_space<hbm>> -> memref<12288x64xf32, #tpu.memory_space<hbm>>
    tpu.enqueue_indirect_dma source(%dma_start3A_896 : memref<12288x64xf32, #tpu.memory_space<hbm>>) target(%dma_start3A_891 : memref<96x64xf32, #tpu.memory_space<vmem>>) offsets(%dma_start3A_893 : memref<96xi32, #tpu.memory_space<vmem>>) semaphore(%arg9 : memref<!tpu.dma_semaphore, #tpu.memory_space<semaphore_mem>>)
    %dma_start3A_897 = arith.constant 288 : i32
    %dma_start3A_898 = arith.constant 0 : i32
    %dma_start3A_899 = tpu.memref_slice %arg7[%dma_start3A_897, %dma_start3A_898] : memref<576x64xf32, #tpu.memory_space<vmem>> -> memref<96x64xf32, #tpu.memory_space<vmem>>
    %dma_start3A_900 = arith.constant 288 : i32
    %dma_start3A_901 = tpu.memref_slice %arg5[%dma_start3A_900] : memref<576xi32, #tpu.memory_space<vmem>> -> memref<96xi32, #tpu.memory_space<vmem>>
    %dma_start3A_902 = arith.constant 0 : i32
    %dma_start3A_903 = arith.constant 0 : i32
    %dma_start3A_904 = tpu.memref_slice %arg2[%dma_start3A_902, %dma_start3A_903] : memref<12288x64xf32, #tpu.memory_space<hbm>> -> memref<12288x64xf32, #tpu.memory_space<hbm>>
    tpu.enqueue_indirect_dma source(%dma_start3A_904 : memref<12288x64xf32, #tpu.memory_space<hbm>>) target(%dma_start3A_899 : memref<96x64xf32, #tpu.memory_space<vmem>>) offsets(%dma_start3A_901 : memref<96xi32, #tpu.memory_space<vmem>>) semaphore(%arg9 : memref<!tpu.dma_semaphore, #tpu.memory_space<semaphore_mem>>)
    %dma_start3A_905 = arith.constant 384 : i32
    %dma_start3A_906 = arith.constant 0 : i32
    %dma_start3A_907 = tpu.memref_slice %arg7[%dma_start3A_905, %dma_start3A_906] : memref<576x64xf32, #tpu.memory_space<vmem>> -> memref<96x64xf32, #tpu.memory_space<vmem>>
    %dma_start3A_908 = arith.constant 384 : i32
    %dma_start3A_909 = tpu.memref_slice %arg5[%dma_start3A_908] : memref<576xi32, #tpu.memory_space<vmem>> -> memref<96xi32, #tpu.memory_space<vmem>>
    %dma_start3A_910 = arith.constant 0 : i32
    %dma_start3A_911 = arith.constant 0 : i32
    %dma_start3A_912 = tpu.memref_slice %arg2[%dma_start3A_910, %dma_start3A_911] : memref<12288x64xf32, #tpu.memory_space<hbm>> -> memref<12288x64xf32, #tpu.memory_space<hbm>>
    tpu.enqueue_indirect_dma source(%dma_start3A_912 : memref<12288x64xf32, #tpu.memory_space<hbm>>) target(%dma_start3A_907 : memref<96x64xf32, #tpu.memory_space<vmem>>) offsets(%dma_start3A_909 : memref<96xi32, #tpu.memory_space<vmem>>) semaphore(%arg9 : memref<!tpu.dma_semaphore, #tpu.memory_space<semaphore_mem>>)
    %dma_start3A_913 = arith.constant 480 : i32
    %dma_start3A_914 = arith.constant 0 : i32
    %dma_start3A_915 = tpu.memref_slice %arg7[%dma_start3A_913, %dma_start3A_914] : memref<576x64xf32, #tpu.memory_space<vmem>> -> memref<96x64xf32, #tpu.memory_space<vmem>>
    %dma_start3A_916 = arith.constant 480 : i32
    %dma_start3A_917 = tpu.memref_slice %arg5[%dma_start3A_916] : memref<576xi32, #tpu.memory_space<vmem>> -> memref<96xi32, #tpu.memory_space<vmem>>
    %dma_start3A_918 = arith.constant 0 : i32
    %dma_start3A_919 = arith.constant 0 : i32
    %dma_start3A_920 = tpu.memref_slice %arg2[%dma_start3A_918, %dma_start3A_919] : memref<12288x64xf32, #tpu.memory_space<hbm>> -> memref<12288x64xf32, #tpu.memory_space<hbm>>
    tpu.enqueue_indirect_dma source(%dma_start3A_920 : memref<12288x64xf32, #tpu.memory_space<hbm>>) target(%dma_start3A_915 : memref<96x64xf32, #tpu.memory_space<vmem>>) offsets(%dma_start3A_917 : memref<96xi32, #tpu.memory_space<vmem>>) semaphore(%arg9 : memref<!tpu.dma_semaphore, #tpu.memory_space<semaphore_mem>>)
    %mul3A_921 = arith.constant 6 : i32
    %mul3A_922 = arith.muli %add3A, %mul3A_921 : i32
    %add3A_923 = arith.constant 5 : i32
    %add3A_924 = arith.addi %mul3A_922, %add3A_923 : i32
    %jit3A_925 = arith.constant 16 : i32
    %div3A_926 = arith.divsi %add3A_924, %jit3A_925 : i32
    %sign3A_927 = arith.constant 0 : i32
    %sign3A_928 = arith.cmpi sgt, %add3A_924, %sign3A_927 : i32
    %sign3A_929 = arith.extui %sign3A_928 : i1 to i32
    %sign3A_930 = arith.constant 0 : i32
    %sign3A_931 = arith.cmpi slt, %add3A_924, %sign3A_930 : i32
    %sign3A_932 = arith.extui %sign3A_931 : i1 to i32
    %sign3A_933 = arith.subi %sign3A_929, %sign3A_932 : i32
    %sign3A_934 = arith.constant 0 : i32
    %sign3A_935 = arith.cmpi sgt, %jit3A_925, %sign3A_934 : i32
    %sign3A_936 = arith.extui %sign3A_935 : i1 to i32
    %sign3A_937 = arith.constant 0 : i32
    %sign3A_938 = arith.cmpi slt, %jit3A_925, %sign3A_937 : i32
    %sign3A_939 = arith.extui %sign3A_938 : i1 to i32
    %sign3A_940 = arith.subi %sign3A_936, %sign3A_939 : i32
    %ne3A_941 = arith.cmpi ne, %sign3A_933, %sign3A_940 : i32
    %rem3A_942 = arith.remsi %add3A_924, %jit3A_925 : i32
    %ne3A_943 = arith.constant 0 : i32
    %ne3A_944 = arith.cmpi ne, %rem3A_942, %ne3A_943 : i32
    %and3A_945 = arith.andi %ne3A_941, %ne3A_944 : i1
    %sub3A_946 = arith.constant 1 : i32
    %sub3A_947 = arith.subi %div3A_926, %sub3A_946 : i32
    %select_n3A_948 = arith.select %and3A_945, %sub3A_947, %div3A_926 : i32
    %jit3A_949 = arith.constant 16 : i32
    %eq3A_950 = arith.constant 0 : i32
    %eq3A_951 = arith.cmpi eq, %jit3A_949, %eq3A_950 : i32
    %jit3A_952 = arith.constant 1 : i32
    %select_n3A_953 = arith.select %eq3A_951, %jit3A_952, %jit3A_949 : i32
    %rem3A_954 = arith.remsi %add3A_924, %select_n3A_953 : i32
    %ne3A_955 = arith.constant 0 : i32
    %ne3A_956 = arith.cmpi ne, %rem3A_954, %ne3A_955 : i32
    %lt3A_957 = arith.constant 0 : i32
    %lt3A_958 = arith.cmpi slt, %rem3A_954, %lt3A_957 : i32
    %lt3A_959 = arith.constant 0 : i32
    %lt3A_960 = arith.cmpi slt, %select_n3A_953, %lt3A_959 : i32
    %ne3A_961 = arith.xori %lt3A_958, %lt3A_960 : i1
    %and3A_962 = arith.andi %ne3A_961, %ne3A_956 : i1
    %add3A_963 = arith.addi %rem3A_954, %select_n3A_953 : i32
    %select_n3A_964 = arith.select %and3A_962, %add3A_963, %rem3A_954 : i32
    %mul3A_965 = arith.constant 576 : i32
    %mul3A_966 = arith.muli %select_n3A_964, %mul3A_965 : i32
    "tpu.region"() ({
      %run_scoped3A = tpu.sem_alloc : memref<!tpu.dma_semaphore, #tpu.memory_space<semaphore_mem>>
      %dma_start3A_1189 = tpu.memref_slice %arg3[%select_n3A_948, %mul3A_966] : memref<16x9216xi32, #tpu.memory_space<hbm>> -> memref<1x576xi32, #tpu.memory_space<hbm>>
      %dma_start3A_1190 = tpu.memref_squeeze %dma_start3A_1189 : memref<1x576xi32, #tpu.memory_space<hbm>> -> memref<576xi32, #tpu.memory_space<hbm>>
      %dma_start3A_1191 = tpu.memref_slice %arg3[%select_n3A_948, %mul3A_966] : memref<16x9216xi32, #tpu.memory_space<hbm>> -> memref<1x576xi32, #tpu.memory_space<hbm>>
      %dma_start3A_1192 = tpu.memref_squeeze %dma_start3A_1191 : memref<1x576xi32, #tpu.memory_space<hbm>> -> memref<576xi32, #tpu.memory_space<hbm>>
      tpu.enqueue_dma source(%dma_start3A_1192 : memref<576xi32, #tpu.memory_space<hbm>>) target(%arg6 : memref<576xi32, #tpu.memory_space<vmem>>) target_semaphore(%run_scoped3A : memref<!tpu.dma_semaphore, #tpu.memory_space<semaphore_mem>>)
      %dma_wait3A_1193 = tpu.memref_slice %arg3[%select_n3A_948, %mul3A_966] : memref<16x9216xi32, #tpu.memory_space<hbm>> -> memref<1x576xi32, #tpu.memory_space<hbm>>
      %dma_wait3A_1194 = tpu.memref_squeeze %dma_wait3A_1193 : memref<1x576xi32, #tpu.memory_space<hbm>> -> memref<576xi32, #tpu.memory_space<hbm>>
      %dma_wait3A_1195 = tpu.memref_slice %arg3[%select_n3A_948, %mul3A_966] : memref<16x9216xi32, #tpu.memory_space<hbm>> -> memref<1x576xi32, #tpu.memory_space<hbm>>
      %dma_wait3A_1196 = tpu.memref_squeeze %dma_wait3A_1195 : memref<1x576xi32, #tpu.memory_space<hbm>> -> memref<576xi32, #tpu.memory_space<hbm>>
      tpu.wait_dma2 semaphore(%run_scoped3A : memref<!tpu.dma_semaphore, #tpu.memory_space<semaphore_mem>>) src(%dma_wait3A_1196 : memref<576xi32, #tpu.memory_space<hbm>>) dst(%arg6 : memref<576xi32, #tpu.memory_space<vmem>>)
      tpu.yield
    }) : () -> ()
    %dma_wait3A_967 = arith.constant 0 : i32
    %dma_wait3A_968 = arith.constant 0 : i32
    %dma_wait3A_969 = tpu.memref_slice %arg7[%dma_wait3A_967, %dma_wait3A_968] : memref<576x64xf32, #tpu.memory_space<vmem>> -> memref<96x64xf32, #tpu.memory_space<vmem>>
    %dma_wait3A_970 = arith.constant 0 : i32
    %dma_wait3A_971 = tpu.memref_slice %arg5[%dma_wait3A_970] : memref<576xi32, #tpu.memory_space<vmem>> -> memref<96xi32, #tpu.memory_space<vmem>>
    %dma_wait3A_972 = arith.constant 0 : i32
    %dma_wait3A_973 = arith.constant 0 : i32
    %dma_wait3A_974 = tpu.memref_slice %arg2[%dma_wait3A_972, %dma_wait3A_973] : memref<12288x64xf32, #tpu.memory_space<hbm>> -> memref<12288x64xf32, #tpu.memory_space<hbm>>
    tpu.wait_indirect_dma semaphore(%arg9 : memref<!tpu.dma_semaphore, #tpu.memory_space<semaphore_mem>>) src(%dma_wait3A_974 : memref<12288x64xf32, #tpu.memory_space<hbm>>) dst(%dma_wait3A_969 : memref<96x64xf32, #tpu.memory_space<vmem>>)
    %dma_wait3A_975 = arith.constant 96 : i32
    %dma_wait3A_976 = arith.constant 0 : i32
    %dma_wait3A_977 = tpu.memref_slice %arg7[%dma_wait3A_975, %dma_wait3A_976] : memref<576x64xf32, #tpu.memory_space<vmem>> -> memref<96x64xf32, #tpu.memory_space<vmem>>
    %dma_wait3A_978 = arith.constant 96 : i32
    %dma_wait3A_979 = tpu.memref_slice %arg5[%dma_wait3A_978] : memref<576xi32, #tpu.memory_space<vmem>> -> memref<96xi32, #tpu.memory_space<vmem>>
    %dma_wait3A_980 = arith.constant 0 : i32
    %dma_wait3A_981 = arith.constant 0 : i32
    %dma_wait3A_982 = tpu.memref_slice %arg2[%dma_wait3A_980, %dma_wait3A_981] : memref<12288x64xf32, #tpu.memory_space<hbm>> -> memref<12288x64xf32, #tpu.memory_space<hbm>>
    tpu.wait_indirect_dma semaphore(%arg9 : memref<!tpu.dma_semaphore, #tpu.memory_space<semaphore_mem>>) src(%dma_wait3A_982 : memref<12288x64xf32, #tpu.memory_space<hbm>>) dst(%dma_wait3A_977 : memref<96x64xf32, #tpu.memory_space<vmem>>)
    %dma_wait3A_983 = arith.constant 192 : i32
    %dma_wait3A_984 = arith.constant 0 : i32
    %dma_wait3A_985 = tpu.memref_slice %arg7[%dma_wait3A_983, %dma_wait3A_984] : memref<576x64xf32, #tpu.memory_space<vmem>> -> memref<96x64xf32, #tpu.memory_space<vmem>>
    %dma_wait3A_986 = arith.constant 192 : i32
    %dma_wait3A_987 = tpu.memref_slice %arg5[%dma_wait3A_986] : memref<576xi32, #tpu.memory_space<vmem>> -> memref<96xi32, #tpu.memory_space<vmem>>
    %dma_wait3A_988 = arith.constant 0 : i32
    %dma_wait3A_989 = arith.constant 0 : i32
    %dma_wait3A_990 = tpu.memref_slice %arg2[%dma_wait3A_988, %dma_wait3A_989] : memref<12288x64xf32, #tpu.memory_space<hbm>> -> memref<12288x64xf32, #tpu.memory_space<hbm>>
    tpu.wait_indirect_dma semaphore(%arg9 : memref<!tpu.dma_semaphore, #tpu.memory_space<semaphore_mem>>) src(%dma_wait3A_990 : memref<12288x64xf32, #tpu.memory_space<hbm>>) dst(%dma_wait3A_985 : memref<96x64xf32, #tpu.memory_space<vmem>>)
    %dma_wait3A_991 = arith.constant 288 : i32
    %dma_wait3A_992 = arith.constant 0 : i32
    %dma_wait3A_993 = tpu.memref_slice %arg7[%dma_wait3A_991, %dma_wait3A_992] : memref<576x64xf32, #tpu.memory_space<vmem>> -> memref<96x64xf32, #tpu.memory_space<vmem>>
    %dma_wait3A_994 = arith.constant 288 : i32
    %dma_wait3A_995 = tpu.memref_slice %arg5[%dma_wait3A_994] : memref<576xi32, #tpu.memory_space<vmem>> -> memref<96xi32, #tpu.memory_space<vmem>>
    %dma_wait3A_996 = arith.constant 0 : i32
    %dma_wait3A_997 = arith.constant 0 : i32
    %dma_wait3A_998 = tpu.memref_slice %arg2[%dma_wait3A_996, %dma_wait3A_997] : memref<12288x64xf32, #tpu.memory_space<hbm>> -> memref<12288x64xf32, #tpu.memory_space<hbm>>
    tpu.wait_indirect_dma semaphore(%arg9 : memref<!tpu.dma_semaphore, #tpu.memory_space<semaphore_mem>>) src(%dma_wait3A_998 : memref<12288x64xf32, #tpu.memory_space<hbm>>) dst(%dma_wait3A_993 : memref<96x64xf32, #tpu.memory_space<vmem>>)
    %dma_wait3A_999 = arith.constant 384 : i32
    %dma_wait3A_1000 = arith.constant 0 : i32
    %dma_wait3A_1001 = tpu.memref_slice %arg7[%dma_wait3A_999, %dma_wait3A_1000] : memref<576x64xf32, #tpu.memory_space<vmem>> -> memref<96x64xf32, #tpu.memory_space<vmem>>
    %dma_wait3A_1002 = arith.constant 384 : i32
    %dma_wait3A_1003 = tpu.memref_slice %arg5[%dma_wait3A_1002] : memref<576xi32, #tpu.memory_space<vmem>> -> memref<96xi32, #tpu.memory_space<vmem>>
    %dma_wait3A_1004 = arith.constant 0 : i32
    %dma_wait3A_1005 = arith.constant 0 : i32
    %dma_wait3A_1006 = tpu.memref_slice %arg2[%dma_wait3A_1004, %dma_wait3A_1005] : memref<12288x64xf32, #tpu.memory_space<hbm>> -> memref<12288x64xf32, #tpu.memory_space<hbm>>
    tpu.wait_indirect_dma semaphore(%arg9 : memref<!tpu.dma_semaphore, #tpu.memory_space<semaphore_mem>>) src(%dma_wait3A_1006 : memref<12288x64xf32, #tpu.memory_space<hbm>>) dst(%dma_wait3A_1001 : memref<96x64xf32, #tpu.memory_space<vmem>>)
    %dma_wait3A_1007 = arith.constant 480 : i32
    %dma_wait3A_1008 = arith.constant 0 : i32
    %dma_wait3A_1009 = tpu.memref_slice %arg7[%dma_wait3A_1007, %dma_wait3A_1008] : memref<576x64xf32, #tpu.memory_space<vmem>> -> memref<96x64xf32, #tpu.memory_space<vmem>>
    %dma_wait3A_1010 = arith.constant 480 : i32
    %dma_wait3A_1011 = tpu.memref_slice %arg5[%dma_wait3A_1010] : memref<576xi32, #tpu.memory_space<vmem>> -> memref<96xi32, #tpu.memory_space<vmem>>
    %dma_wait3A_1012 = arith.constant 0 : i32
    %dma_wait3A_1013 = arith.constant 0 : i32
    %dma_wait3A_1014 = tpu.memref_slice %arg2[%dma_wait3A_1012, %dma_wait3A_1013] : memref<12288x64xf32, #tpu.memory_space<hbm>> -> memref<12288x64xf32, #tpu.memory_space<hbm>>
    tpu.wait_indirect_dma semaphore(%arg9 : memref<!tpu.dma_semaphore, #tpu.memory_space<semaphore_mem>>) src(%dma_wait3A_1014 : memref<12288x64xf32, #tpu.memory_space<hbm>>) dst(%dma_wait3A_1009 : memref<96x64xf32, #tpu.memory_space<vmem>>)
    %mul3A_1015 = arith.constant 576 : i32
    %mul3A_1016 = arith.muli %select_n3A_866, %mul3A_1015 : i32
    %dma_start3A_1017 = arith.constant 0 : i32
    %dma_start3A_1018 = tpu.memref_slice %arg4[%mul3A_1016, %select_n3A_850, %dma_start3A_1017] : memref<9216x12x64xf32, #tpu.memory_space<hbm>> -> memref<576x1x64xf32, #tpu.memory_space<hbm>>
    %dma_start3A_1019 = tpu.memref_squeeze %dma_start3A_1018 : memref<576x1x64xf32, #tpu.memory_space<hbm>> -> memref<576x64xf32, #tpu.memory_space<hbm>>
    %dma_start3A_1020 = arith.constant 0 : i32
    %dma_start3A_1021 = tpu.memref_slice %arg4[%mul3A_1016, %select_n3A_850, %dma_start3A_1020] : memref<9216x12x64xf32, #tpu.memory_space<hbm>> -> memref<576x1x64xf32, #tpu.memory_space<hbm>>
    %dma_start3A_1022 = tpu.memref_squeeze %dma_start3A_1021 : memref<576x1x64xf32, #tpu.memory_space<hbm>> -> memref<576x64xf32, #tpu.memory_space<hbm>>
    tpu.enqueue_dma source(%arg7 : memref<576x64xf32, #tpu.memory_space<vmem>>) target(%dma_start3A_1022 : memref<576x64xf32, #tpu.memory_space<hbm>>) target_semaphore(%arg10 : memref<!tpu.dma_semaphore, #tpu.memory_space<semaphore_mem>>)
    %mul3A_1023 = arith.constant 6 : i32
    %mul3A_1024 = arith.muli %add3A, %mul3A_1023 : i32
    %add3A_1025 = arith.constant 5 : i32
    %add3A_1026 = arith.addi %mul3A_1024, %add3A_1025 : i32
    %jit3A_1027 = arith.constant 16 : i32
    %div3A_1028 = arith.divsi %add3A_1026, %jit3A_1027 : i32
    %sign3A_1029 = arith.constant 0 : i32
    %sign3A_1030 = arith.cmpi sgt, %add3A_1026, %sign3A_1029 : i32
    %sign3A_1031 = arith.extui %sign3A_1030 : i1 to i32
    %sign3A_1032 = arith.constant 0 : i32
    %sign3A_1033 = arith.cmpi slt, %add3A_1026, %sign3A_1032 : i32
    %sign3A_1034 = arith.extui %sign3A_1033 : i1 to i32
    %sign3A_1035 = arith.subi %sign3A_1031, %sign3A_1034 : i32
    %sign3A_1036 = arith.constant 0 : i32
    %sign3A_1037 = arith.cmpi sgt, %jit3A_1027, %sign3A_1036 : i32
    %sign3A_1038 = arith.extui %sign3A_1037 : i1 to i32
    %sign3A_1039 = arith.constant 0 : i32
    %sign3A_1040 = arith.cmpi slt, %jit3A_1027, %sign3A_1039 : i32
    %sign3A_1041 = arith.extui %sign3A_1040 : i1 to i32
    %sign3A_1042 = arith.subi %sign3A_1038, %sign3A_1041 : i32
    %ne3A_1043 = arith.cmpi ne, %sign3A_1035, %sign3A_1042 : i32
    %rem3A_1044 = arith.remsi %add3A_1026, %jit3A_1027 : i32
    %ne3A_1045 = arith.constant 0 : i32
    %ne3A_1046 = arith.cmpi ne, %rem3A_1044, %ne3A_1045 : i32
    %and3A_1047 = arith.andi %ne3A_1043, %ne3A_1046 : i1
    %sub3A_1048 = arith.constant 1 : i32
    %sub3A_1049 = arith.subi %div3A_1028, %sub3A_1048 : i32
    %select_n3A_1050 = arith.select %and3A_1047, %sub3A_1049, %div3A_1028 : i32
    %jit3A_1051 = arith.constant 16 : i32
    %eq3A_1052 = arith.constant 0 : i32
    %eq3A_1053 = arith.cmpi eq, %jit3A_1051, %eq3A_1052 : i32
    %jit3A_1054 = arith.constant 1 : i32
    %select_n3A_1055 = arith.select %eq3A_1053, %jit3A_1054, %jit3A_1051 : i32
    %rem3A_1056 = arith.remsi %add3A_1026, %select_n3A_1055 : i32
    %ne3A_1057 = arith.constant 0 : i32
    %ne3A_1058 = arith.cmpi ne, %rem3A_1056, %ne3A_1057 : i32
    %lt3A_1059 = arith.constant 0 : i32
    %lt3A_1060 = arith.cmpi slt, %rem3A_1056, %lt3A_1059 : i32
    %lt3A_1061 = arith.constant 0 : i32
    %lt3A_1062 = arith.cmpi slt, %select_n3A_1055, %lt3A_1061 : i32
    %ne3A_1063 = arith.xori %lt3A_1060, %lt3A_1062 : i1
    %and3A_1064 = arith.andi %ne3A_1063, %ne3A_1058 : i1
    %add3A_1065 = arith.addi %rem3A_1056, %select_n3A_1055 : i32
    %select_n3A_1066 = arith.select %and3A_1064, %add3A_1065, %rem3A_1056 : i32
    %dma_wait3A_1067 = arith.constant 0 : i32
    %dma_wait3A_1068 = tpu.memref_slice %arg4[%mul3A_816, %select_n3A_650, %dma_wait3A_1067] : memref<9216x12x64xf32, #tpu.memory_space<hbm>> -> memref<576x1x64xf32, #tpu.memory_space<hbm>>
    %dma_wait3A_1069 = tpu.memref_squeeze %dma_wait3A_1068 : memref<576x1x64xf32, #tpu.memory_space<hbm>> -> memref<576x64xf32, #tpu.memory_space<hbm>>
    %dma_wait3A_1070 = arith.constant 0 : i32
    %dma_wait3A_1071 = tpu.memref_slice %arg4[%mul3A_816, %select_n3A_650, %dma_wait3A_1070] : memref<9216x12x64xf32, #tpu.memory_space<hbm>> -> memref<576x1x64xf32, #tpu.memory_space<hbm>>
    %dma_wait3A_1072 = tpu.memref_squeeze %dma_wait3A_1071 : memref<576x1x64xf32, #tpu.memory_space<hbm>> -> memref<576x64xf32, #tpu.memory_space<hbm>>
    tpu.wait_dma2 semaphore(%arg10 : memref<!tpu.dma_semaphore, #tpu.memory_space<semaphore_mem>>) src(%arg8 : memref<576x64xf32, #tpu.memory_space<vmem>>) dst(%dma_wait3A_1072 : memref<576x64xf32, #tpu.memory_space<hbm>>)
    %dma_start3A_1073 = arith.constant 0 : i32
    %dma_start3A_1074 = arith.constant 0 : i32
    %dma_start3A_1075 = tpu.memref_slice %arg8[%dma_start3A_1073, %dma_start3A_1074] : memref<576x64xf32, #tpu.memory_space<vmem>> -> memref<96x64xf32, #tpu.memory_space<vmem>>
    %dma_start3A_1076 = arith.constant 0 : i32
    %dma_start3A_1077 = tpu.memref_slice %arg6[%dma_start3A_1076] : memref<576xi32, #tpu.memory_space<vmem>> -> memref<96xi32, #tpu.memory_space<vmem>>
    %dma_start3A_1078 = arith.constant 0 : i32
    %dma_start3A_1079 = arith.constant 0 : i32
    %dma_start3A_1080 = tpu.memref_slice %arg2[%dma_start3A_1078, %dma_start3A_1079] : memref<12288x64xf32, #tpu.memory_space<hbm>> -> memref<12288x64xf32, #tpu.memory_space<hbm>>
    tpu.enqueue_indirect_dma source(%dma_start3A_1080 : memref<12288x64xf32, #tpu.memory_space<hbm>>) target(%dma_start3A_1075 : memref<96x64xf32, #tpu.memory_space<vmem>>) offsets(%dma_start3A_1077 : memref<96xi32, #tpu.memory_space<vmem>>) semaphore(%arg9 : memref<!tpu.dma_semaphore, #tpu.memory_space<semaphore_mem>>)
    %dma_start3A_1081 = arith.constant 96 : i32
    %dma_start3A_1082 = arith.constant 0 : i32
    %dma_start3A_1083 = tpu.memref_slice %arg8[%dma_start3A_1081, %dma_start3A_1082] : memref<576x64xf32, #tpu.memory_space<vmem>> -> memref<96x64xf32, #tpu.memory_space<vmem>>
    %dma_start3A_1084 = arith.constant 96 : i32
    %dma_start3A_1085 = tpu.memref_slice %arg6[%dma_start3A_1084] : memref<576xi32, #tpu.memory_space<vmem>> -> memref<96xi32, #tpu.memory_space<vmem>>
    %dma_start3A_1086 = arith.constant 0 : i32
    %dma_start3A_1087 = arith.constant 0 : i32
    %dma_start3A_1088 = tpu.memref_slice %arg2[%dma_start3A_1086, %dma_start3A_1087] : memref<12288x64xf32, #tpu.memory_space<hbm>> -> memref<12288x64xf32, #tpu.memory_space<hbm>>
    tpu.enqueue_indirect_dma source(%dma_start3A_1088 : memref<12288x64xf32, #tpu.memory_space<hbm>>) target(%dma_start3A_1083 : memref<96x64xf32, #tpu.memory_space<vmem>>) offsets(%dma_start3A_1085 : memref<96xi32, #tpu.memory_space<vmem>>) semaphore(%arg9 : memref<!tpu.dma_semaphore, #tpu.memory_space<semaphore_mem>>)
    %dma_start3A_1089 = arith.constant 192 : i32
    %dma_start3A_1090 = arith.constant 0 : i32
    %dma_start3A_1091 = tpu.memref_slice %arg8[%dma_start3A_1089, %dma_start3A_1090] : memref<576x64xf32, #tpu.memory_space<vmem>> -> memref<96x64xf32, #tpu.memory_space<vmem>>
    %dma_start3A_1092 = arith.constant 192 : i32
    %dma_start3A_1093 = tpu.memref_slice %arg6[%dma_start3A_1092] : memref<576xi32, #tpu.memory_space<vmem>> -> memref<96xi32, #tpu.memory_space<vmem>>
    %dma_start3A_1094 = arith.constant 0 : i32
    %dma_start3A_1095 = arith.constant 0 : i32
    %dma_start3A_1096 = tpu.memref_slice %arg2[%dma_start3A_1094, %dma_start3A_1095] : memref<12288x64xf32, #tpu.memory_space<hbm>> -> memref<12288x64xf32, #tpu.memory_space<hbm>>
    tpu.enqueue_indirect_dma source(%dma_start3A_1096 : memref<12288x64xf32, #tpu.memory_space<hbm>>) target(%dma_start3A_1091 : memref<96x64xf32, #tpu.memory_space<vmem>>) offsets(%dma_start3A_1093 : memref<96xi32, #tpu.memory_space<vmem>>) semaphore(%arg9 : memref<!tpu.dma_semaphore, #tpu.memory_space<semaphore_mem>>)
    %dma_start3A_1097 = arith.constant 288 : i32
    %dma_start3A_1098 = arith.constant 0 : i32
    %dma_start3A_1099 = tpu.memref_slice %arg8[%dma_start3A_1097, %dma_start3A_1098] : memref<576x64xf32, #tpu.memory_space<vmem>> -> memref<96x64xf32, #tpu.memory_space<vmem>>
    %dma_start3A_1100 = arith.constant 288 : i32
    %dma_start3A_1101 = tpu.memref_slice %arg6[%dma_start3A_1100] : memref<576xi32, #tpu.memory_space<vmem>> -> memref<96xi32, #tpu.memory_space<vmem>>
    %dma_start3A_1102 = arith.constant 0 : i32
    %dma_start3A_1103 = arith.constant 0 : i32
    %dma_start3A_1104 = tpu.memref_slice %arg2[%dma_start3A_1102, %dma_start3A_1103] : memref<12288x64xf32, #tpu.memory_space<hbm>> -> memref<12288x64xf32, #tpu.memory_space<hbm>>
    tpu.enqueue_indirect_dma source(%dma_start3A_1104 : memref<12288x64xf32, #tpu.memory_space<hbm>>) target(%dma_start3A_1099 : memref<96x64xf32, #tpu.memory_space<vmem>>) offsets(%dma_start3A_1101 : memref<96xi32, #tpu.memory_space<vmem>>) semaphore(%arg9 : memref<!tpu.dma_semaphore, #tpu.memory_space<semaphore_mem>>)
    %dma_start3A_1105 = arith.constant 384 : i32
    %dma_start3A_1106 = arith.constant 0 : i32
    %dma_start3A_1107 = tpu.memref_slice %arg8[%dma_start3A_1105, %dma_start3A_1106] : memref<576x64xf32, #tpu.memory_space<vmem>> -> memref<96x64xf32, #tpu.memory_space<vmem>>
    %dma_start3A_1108 = arith.constant 384 : i32
    %dma_start3A_1109 = tpu.memref_slice %arg6[%dma_start3A_1108] : memref<576xi32, #tpu.memory_space<vmem>> -> memref<96xi32, #tpu.memory_space<vmem>>
    %dma_start3A_1110 = arith.constant 0 : i32
    %dma_start3A_1111 = arith.constant 0 : i32
    %dma_start3A_1112 = tpu.memref_slice %arg2[%dma_start3A_1110, %dma_start3A_1111] : memref<12288x64xf32, #tpu.memory_space<hbm>> -> memref<12288x64xf32, #tpu.memory_space<hbm>>
    tpu.enqueue_indirect_dma source(%dma_start3A_1112 : memref<12288x64xf32, #tpu.memory_space<hbm>>) target(%dma_start3A_1107 : memref<96x64xf32, #tpu.memory_space<vmem>>) offsets(%dma_start3A_1109 : memref<96xi32, #tpu.memory_space<vmem>>) semaphore(%arg9 : memref<!tpu.dma_semaphore, #tpu.memory_space<semaphore_mem>>)
    %dma_start3A_1113 = arith.constant 480 : i32
    %dma_start3A_1114 = arith.constant 0 : i32
    %dma_start3A_1115 = tpu.memref_slice %arg8[%dma_start3A_1113, %dma_start3A_1114] : memref<576x64xf32, #tpu.memory_space<vmem>> -> memref<96x64xf32, #tpu.memory_space<vmem>>
    %dma_start3A_1116 = arith.constant 480 : i32
    %dma_start3A_1117 = tpu.memref_slice %arg6[%dma_start3A_1116] : memref<576xi32, #tpu.memory_space<vmem>> -> memref<96xi32, #tpu.memory_space<vmem>>
    %dma_start3A_1118 = arith.constant 0 : i32
    %dma_start3A_1119 = arith.constant 0 : i32
    %dma_start3A_1120 = tpu.memref_slice %arg2[%dma_start3A_1118, %dma_start3A_1119] : memref<12288x64xf32, #tpu.memory_space<hbm>> -> memref<12288x64xf32, #tpu.memory_space<hbm>>
    tpu.enqueue_indirect_dma source(%dma_start3A_1120 : memref<12288x64xf32, #tpu.memory_space<hbm>>) target(%dma_start3A_1115 : memref<96x64xf32, #tpu.memory_space<vmem>>) offsets(%dma_start3A_1117 : memref<96xi32, #tpu.memory_space<vmem>>) semaphore(%arg9 : memref<!tpu.dma_semaphore, #tpu.memory_space<semaphore_mem>>)
    %dma_wait3A_1121 = arith.constant 0 : i32
    %dma_wait3A_1122 = arith.constant 0 : i32
    %dma_wait3A_1123 = tpu.memref_slice %arg8[%dma_wait3A_1121, %dma_wait3A_1122] : memref<576x64xf32, #tpu.memory_space<vmem>> -> memref<96x64xf32, #tpu.memory_space<vmem>>
    %dma_wait3A_1124 = arith.constant 0 : i32
    %dma_wait3A_1125 = tpu.memref_slice %arg6[%dma_wait3A_1124] : memref<576xi32, #tpu.memory_space<vmem>> -> memref<96xi32, #tpu.memory_space<vmem>>
    %dma_wait3A_1126 = arith.constant 0 : i32
    %dma_wait3A_1127 = arith.constant 0 : i32
    %dma_wait3A_1128 = tpu.memref_slice %arg2[%dma_wait3A_1126, %dma_wait3A_1127] : memref<12288x64xf32, #tpu.memory_space<hbm>> -> memref<12288x64xf32, #tpu.memory_space<hbm>>
    tpu.wait_indirect_dma semaphore(%arg9 : memref<!tpu.dma_semaphore, #tpu.memory_space<semaphore_mem>>) src(%dma_wait3A_1128 : memref<12288x64xf32, #tpu.memory_space<hbm>>) dst(%dma_wait3A_1123 : memref<96x64xf32, #tpu.memory_space<vmem>>)
    %dma_wait3A_1129 = arith.constant 96 : i32
    %dma_wait3A_1130 = arith.constant 0 : i32
    %dma_wait3A_1131 = tpu.memref_slice %arg8[%dma_wait3A_1129, %dma_wait3A_1130] : memref<576x64xf32, #tpu.memory_space<vmem>> -> memref<96x64xf32, #tpu.memory_space<vmem>>
    %dma_wait3A_1132 = arith.constant 96 : i32
    %dma_wait3A_1133 = tpu.memref_slice %arg6[%dma_wait3A_1132] : memref<576xi32, #tpu.memory_space<vmem>> -> memref<96xi32, #tpu.memory_space<vmem>>
    %dma_wait3A_1134 = arith.constant 0 : i32
    %dma_wait3A_1135 = arith.constant 0 : i32
    %dma_wait3A_1136 = tpu.memref_slice %arg2[%dma_wait3A_1134, %dma_wait3A_1135] : memref<12288x64xf32, #tpu.memory_space<hbm>> -> memref<12288x64xf32, #tpu.memory_space<hbm>>
    tpu.wait_indirect_dma semaphore(%arg9 : memref<!tpu.dma_semaphore, #tpu.memory_space<semaphore_mem>>) src(%dma_wait3A_1136 : memref<12288x64xf32, #tpu.memory_space<hbm>>) dst(%dma_wait3A_1131 : memref<96x64xf32, #tpu.memory_space<vmem>>)
    %dma_wait3A_1137 = arith.constant 192 : i32
    %dma_wait3A_1138 = arith.constant 0 : i32
    %dma_wait3A_1139 = tpu.memref_slice %arg8[%dma_wait3A_1137, %dma_wait3A_1138] : memref<576x64xf32, #tpu.memory_space<vmem>> -> memref<96x64xf32, #tpu.memory_space<vmem>>
    %dma_wait3A_1140 = arith.constant 192 : i32
    %dma_wait3A_1141 = tpu.memref_slice %arg6[%dma_wait3A_1140] : memref<576xi32, #tpu.memory_space<vmem>> -> memref<96xi32, #tpu.memory_space<vmem>>
    %dma_wait3A_1142 = arith.constant 0 : i32
    %dma_wait3A_1143 = arith.constant 0 : i32
    %dma_wait3A_1144 = tpu.memref_slice %arg2[%dma_wait3A_1142, %dma_wait3A_1143] : memref<12288x64xf32, #tpu.memory_space<hbm>> -> memref<12288x64xf32, #tpu.memory_space<hbm>>
    tpu.wait_indirect_dma semaphore(%arg9 : memref<!tpu.dma_semaphore, #tpu.memory_space<semaphore_mem>>) src(%dma_wait3A_1144 : memref<12288x64xf32, #tpu.memory_space<hbm>>) dst(%dma_wait3A_1139 : memref<96x64xf32, #tpu.memory_space<vmem>>)
    %dma_wait3A_1145 = arith.constant 288 : i32
    %dma_wait3A_1146 = arith.constant 0 : i32
    %dma_wait3A_1147 = tpu.memref_slice %arg8[%dma_wait3A_1145, %dma_wait3A_1146] : memref<576x64xf32, #tpu.memory_space<vmem>> -> memref<96x64xf32, #tpu.memory_space<vmem>>
    %dma_wait3A_1148 = arith.constant 288 : i32
    %dma_wait3A_1149 = tpu.memref_slice %arg6[%dma_wait3A_1148] : memref<576xi32, #tpu.memory_space<vmem>> -> memref<96xi32, #tpu.memory_space<vmem>>
    %dma_wait3A_1150 = arith.constant 0 : i32
    %dma_wait3A_1151 = arith.constant 0 : i32
    %dma_wait3A_1152 = tpu.memref_slice %arg2[%dma_wait3A_1150, %dma_wait3A_1151] : memref<12288x64xf32, #tpu.memory_space<hbm>> -> memref<12288x64xf32, #tpu.memory_space<hbm>>
    tpu.wait_indirect_dma semaphore(%arg9 : memref<!tpu.dma_semaphore, #tpu.memory_space<semaphore_mem>>) src(%dma_wait3A_1152 : memref<12288x64xf32, #tpu.memory_space<hbm>>) dst(%dma_wait3A_1147 : memref<96x64xf32, #tpu.memory_space<vmem>>)
    %dma_wait3A_1153 = arith.constant 384 : i32
    %dma_wait3A_1154 = arith.constant 0 : i32
    %dma_wait3A_1155 = tpu.memref_slice %arg8[%dma_wait3A_1153, %dma_wait3A_1154] : memref<576x64xf32, #tpu.memory_space<vmem>> -> memref<96x64xf32, #tpu.memory_space<vmem>>
    %dma_wait3A_1156 = arith.constant 384 : i32
    %dma_wait3A_1157 = tpu.memref_slice %arg6[%dma_wait3A_1156] : memref<576xi32, #tpu.memory_space<vmem>> -> memref<96xi32, #tpu.memory_space<vmem>>
    %dma_wait3A_1158 = arith.constant 0 : i32
    %dma_wait3A_1159 = arith.constant 0 : i32
    %dma_wait3A_1160 = tpu.memref_slice %arg2[%dma_wait3A_1158, %dma_wait3A_1159] : memref<12288x64xf32, #tpu.memory_space<hbm>> -> memref<12288x64xf32, #tpu.memory_space<hbm>>
    tpu.wait_indirect_dma semaphore(%arg9 : memref<!tpu.dma_semaphore, #tpu.memory_space<semaphore_mem>>) src(%dma_wait3A_1160 : memref<12288x64xf32, #tpu.memory_space<hbm>>) dst(%dma_wait3A_1155 : memref<96x64xf32, #tpu.memory_space<vmem>>)
    %dma_wait3A_1161 = arith.constant 480 : i32
    %dma_wait3A_1162 = arith.constant 0 : i32
    %dma_wait3A_1163 = tpu.memref_slice %arg8[%dma_wait3A_1161, %dma_wait3A_1162] : memref<576x64xf32, #tpu.memory_space<vmem>> -> memref<96x64xf32, #tpu.memory_space<vmem>>
    %dma_wait3A_1164 = arith.constant 480 : i32
    %dma_wait3A_1165 = tpu.memref_slice %arg6[%dma_wait3A_1164] : memref<576xi32, #tpu.memory_space<vmem>> -> memref<96xi32, #tpu.memory_space<vmem>>
    %dma_wait3A_1166 = arith.constant 0 : i32
    %dma_wait3A_1167 = arith.constant 0 : i32
    %dma_wait3A_1168 = tpu.memref_slice %arg2[%dma_wait3A_1166, %dma_wait3A_1167] : memref<12288x64xf32, #tpu.memory_space<hbm>> -> memref<12288x64xf32, #tpu.memory_space<hbm>>
    tpu.wait_indirect_dma semaphore(%arg9 : memref<!tpu.dma_semaphore, #tpu.memory_space<semaphore_mem>>) src(%dma_wait3A_1168 : memref<12288x64xf32, #tpu.memory_space<hbm>>) dst(%dma_wait3A_1163 : memref<96x64xf32, #tpu.memory_space<vmem>>)
    %mul3A_1169 = arith.constant 576 : i32
    %mul3A_1170 = arith.muli %select_n3A_1066, %mul3A_1169 : i32
    %dma_start3A_1171 = arith.constant 0 : i32
    %dma_start3A_1172 = tpu.memref_slice %arg4[%mul3A_1170, %select_n3A_1050, %dma_start3A_1171] : memref<9216x12x64xf32, #tpu.memory_space<hbm>> -> memref<576x1x64xf32, #tpu.memory_space<hbm>>
    %dma_start3A_1173 = tpu.memref_squeeze %dma_start3A_1172 : memref<576x1x64xf32, #tpu.memory_space<hbm>> -> memref<576x64xf32, #tpu.memory_space<hbm>>
    %dma_start3A_1174 = arith.constant 0 : i32
    %dma_start3A_1175 = tpu.memref_slice %arg4[%mul3A_1170, %select_n3A_1050, %dma_start3A_1174] : memref<9216x12x64xf32, #tpu.memory_space<hbm>> -> memref<576x1x64xf32, #tpu.memory_space<hbm>>
    %dma_start3A_1176 = tpu.memref_squeeze %dma_start3A_1175 : memref<576x1x64xf32, #tpu.memory_space<hbm>> -> memref<576x64xf32, #tpu.memory_space<hbm>>
    tpu.enqueue_dma source(%arg8 : memref<576x64xf32, #tpu.memory_space<vmem>>) target(%dma_start3A_1176 : memref<576x64xf32, #tpu.memory_space<hbm>>) target_semaphore(%arg10 : memref<!tpu.dma_semaphore, #tpu.memory_space<semaphore_mem>>)
    %dma_wait3A_1177 = arith.constant 0 : i32
    %dma_wait3A_1178 = tpu.memref_slice %arg4[%mul3A_1016, %select_n3A_850, %dma_wait3A_1177] : memref<9216x12x64xf32, #tpu.memory_space<hbm>> -> memref<576x1x64xf32, #tpu.memory_space<hbm>>
    %dma_wait3A_1179 = tpu.memref_squeeze %dma_wait3A_1178 : memref<576x1x64xf32, #tpu.memory_space<hbm>> -> memref<576x64xf32, #tpu.memory_space<hbm>>
    %dma_wait3A_1180 = arith.constant 0 : i32
    %dma_wait3A_1181 = tpu.memref_slice %arg4[%mul3A_1016, %select_n3A_850, %dma_wait3A_1180] : memref<9216x12x64xf32, #tpu.memory_space<hbm>> -> memref<576x1x64xf32, #tpu.memory_space<hbm>>
    %dma_wait3A_1182 = tpu.memref_squeeze %dma_wait3A_1181 : memref<576x1x64xf32, #tpu.memory_space<hbm>> -> memref<576x64xf32, #tpu.memory_space<hbm>>
    tpu.wait_dma2 semaphore(%arg10 : memref<!tpu.dma_semaphore, #tpu.memory_space<semaphore_mem>>) src(%arg7 : memref<576x64xf32, #tpu.memory_space<vmem>>) dst(%dma_wait3A_1182 : memref<576x64xf32, #tpu.memory_space<hbm>>)
    %dma_wait3A_1183 = arith.constant 0 : i32
    %dma_wait3A_1184 = tpu.memref_slice %arg4[%mul3A_1170, %select_n3A_1050, %dma_wait3A_1183] : memref<9216x12x64xf32, #tpu.memory_space<hbm>> -> memref<576x1x64xf32, #tpu.memory_space<hbm>>
    %dma_wait3A_1185 = tpu.memref_squeeze %dma_wait3A_1184 : memref<576x1x64xf32, #tpu.memory_space<hbm>> -> memref<576x64xf32, #tpu.memory_space<hbm>>
    %dma_wait3A_1186 = arith.constant 0 : i32
    %dma_wait3A_1187 = tpu.memref_slice %arg4[%mul3A_1170, %select_n3A_1050, %dma_wait3A_1186] : memref<9216x12x64xf32, #tpu.memory_space<hbm>> -> memref<576x1x64xf32, #tpu.memory_space<hbm>>
    %dma_wait3A_1188 = tpu.memref_squeeze %dma_wait3A_1187 : memref<576x1x64xf32, #tpu.memory_space<hbm>> -> memref<576x64xf32, #tpu.memory_space<hbm>>
    tpu.wait_dma2 semaphore(%arg10 : memref<!tpu.dma_semaphore, #tpu.memory_space<semaphore_mem>>) src(%arg8 : memref<576x64xf32, #tpu.memory_space<vmem>>) dst(%dma_wait3A_1188 : memref<576x64xf32, #tpu.memory_space<hbm>>)
    return
  }
}

module attributes {stable_mosaic.version = 14 : i64} {
  func.func @_vq_body(%arg0: i32, %arg1: memref<768x768xf32, #tpu.memory_space<vmem>>, %arg2: memref<12x64x1024xf32, #tpu.memory_space<vmem>>, %arg3: memref<12x1024xf32, #tpu.memory_space<vmem>>, %arg4: memref<16x768xi32, #tpu.memory_space<vmem>>, %arg5: memref<1x1xf32, #tpu.memory_space<smem>>, %arg6: memref<12x128xf32, #tpu.memory_space<vmem>>, %arg7: memref<12x128xi32, #tpu.memory_space<vmem>>, %arg8: memref<12x1024xf32, #tpu.memory_space<vmem>>, %arg9: memref<1xf32, #tpu.memory_space<smem>>, %arg10: memref<12x1024xf32, #tpu.memory_space<vmem>>, %arg11: memref<768x16xi32, #tpu.memory_space<vmem>>) attributes {dimension_semantics = [#tpu.dimension_semantics<arbitrary>], iteration_bounds = array<i64: 12>, scalar_prefetch = 0 : i64, scratch_operands = 4 : i64, tpu.core_type = #tpu.core_type<tc>, window_params = [{transform_indices = @transform_0, window_bounds = array<i64: 768, 768>}, {pipeline_mode = #tpu.pipeline_mode<synchronous>, transform_indices = @transform_1, window_bounds = array<i64: 12, 64, 1024>}, {pipeline_mode = #tpu.pipeline_mode<synchronous>, transform_indices = @transform_2, window_bounds = array<i64: 12, 1024>}, {transform_indices = @transform_3, window_bounds = array<i64: 16, 768>}, {transform_indices = @transform_4, window_bounds = array<i64: 1, 1>}, {pipeline_mode = #tpu.pipeline_mode<synchronous>, transform_indices = @transform_5, window_bounds = array<i64: 12, 128>}, {pipeline_mode = #tpu.pipeline_mode<synchronous>, transform_indices = @transform_6, window_bounds = array<i64: 12, 128>}]} {
    %eq3A = arith.constant 0 : i32
    %eq3A_0 = arith.cmpi eq, %arg0, %eq3A : i32
    %convert_element_type3A = arith.extui %eq3A_0 : i1 to i32
    %cond3A = arith.constant 0 : i32
    %cond3A_1 = arith.cmpi ne, %convert_element_type3A, %cond3A : i32
    scf.if %cond3A_1 {
      %broadcast_in_dim3A_672 = arith.constant 0.000000e+00 : f32
      %broadcast_in_dim3A_673 = vector.broadcast %broadcast_in_dim3A_672 : f32 to vector<12x1024xf32>
      %swap3A_674 = arith.constant 0 : index
      %swap3A_675 = arith.constant 0 : index
      %swap3A_676 = vector.load %arg8[%swap3A_674, %swap3A_675] : memref<12x1024xf32, #tpu.memory_space<vmem>>, vector<12x1024xf32>
      tpu.vector_store %arg8[%swap3A_674, %swap3A_675], %broadcast_in_dim3A_673 {strides = array<i32>} : memref<12x1024xf32, #tpu.memory_space<vmem>>, vector<12x1024xf32>,
      %swap3A_677 = arith.constant 0.000000e+00 : f32
      %swap3A_678 = arith.constant 0 : index
      %swap3A_679 = memref.load %arg9[%swap3A_678] : memref<1xf32, #tpu.memory_space<smem>>
      memref.store %swap3A_677, %arg9[%swap3A_678] : memref<1xf32, #tpu.memory_space<smem>>
      %get3A_680 = arith.constant 0 : index
      %get3A_681 = arith.constant 0 : index
      %get3A_682 = arith.constant 0 : index
      %get3A_683 = vector.load %arg2[%get3A_680, %get3A_681, %get3A_682] : memref<12x64x1024xf32, #tpu.memory_space<vmem>>, vector<1x64x1024xf32>
      %get3A_684 = vector.shape_cast %get3A_683 : vector<1x64x1024xf32> to vector<64x1024xf32>
      %mul3A_685 = arith.mulf %get3A_684, %get3A_684 : vector<64x1024xf32>
      %reduce_sum3A_686 = arith.constant dense<0.000000e+00> : vector<1024xf32>
      %reduce_sum3A_687 = vector.multi_reduction <add>, %mul3A_685, %reduce_sum3A_686 [0] : vector<64x1024xf32> to vector<1024xf32>
      %broadcast_in_dim3A_688 = vector.shape_cast %reduce_sum3A_687 : vector<1024xf32> to vector<1x1024xf32>
      %mul3A_689 = arith.constant 2.500000e-01 : f32
      %mul3A_690 = vector.broadcast %mul3A_689 : f32 to vector<1x1024xf32>
      %mul3A_691 = arith.mulf %mul3A_690, %broadcast_in_dim3A_688 : vector<1x1024xf32>
      %swap3A_692 = arith.constant 0 : index
      %swap3A_693 = arith.constant 0 : index
      %swap3A_694 = vector.load %arg10[%swap3A_692, %swap3A_693] : memref<12x1024xf32, #tpu.memory_space<vmem>>, vector<1x1024xf32>
      tpu.vector_store %arg10[%swap3A_692, %swap3A_693], %mul3A_691 {strides = array<i32>} : memref<12x1024xf32, #tpu.memory_space<vmem>>, vector<1x1024xf32>,
      %get3A_695 = arith.constant 1 : index
      %get3A_696 = arith.constant 0 : index
      %get3A_697 = arith.constant 0 : index
      %get3A_698 = vector.load %arg2[%get3A_695, %get3A_696, %get3A_697] : memref<12x64x1024xf32, #tpu.memory_space<vmem>>, vector<1x64x1024xf32>
      %get3A_699 = vector.shape_cast %get3A_698 : vector<1x64x1024xf32> to vector<64x1024xf32>
      %mul3A_700 = arith.mulf %get3A_699, %get3A_699 : vector<64x1024xf32>
      %reduce_sum3A_701 = arith.constant dense<0.000000e+00> : vector<1024xf32>
      %reduce_sum3A_702 = vector.multi_reduction <add>, %mul3A_700, %reduce_sum3A_701 [0] : vector<64x1024xf32> to vector<1024xf32>
      %broadcast_in_dim3A_703 = vector.shape_cast %reduce_sum3A_702 : vector<1024xf32> to vector<1x1024xf32>
      %mul3A_704 = arith.constant 2.500000e-01 : f32
      %mul3A_705 = vector.broadcast %mul3A_704 : f32 to vector<1x1024xf32>
      %mul3A_706 = arith.mulf %mul3A_705, %broadcast_in_dim3A_703 : vector<1x1024xf32>
      %swap3A_707 = arith.constant 1 : index
      %swap3A_708 = arith.constant 0 : index
      %swap3A_709 = vector.load %arg10[%swap3A_707, %swap3A_708] : memref<12x1024xf32, #tpu.memory_space<vmem>>, vector<1x1024xf32>
      tpu.vector_store %arg10[%swap3A_707, %swap3A_708], %mul3A_706 {strides = array<i32>} : memref<12x1024xf32, #tpu.memory_space<vmem>>, vector<1x1024xf32>,
      %get3A_710 = arith.constant 2 : index
      %get3A_711 = arith.constant 0 : index
      %get3A_712 = arith.constant 0 : index
      %get3A_713 = vector.load %arg2[%get3A_710, %get3A_711, %get3A_712] : memref<12x64x1024xf32, #tpu.memory_space<vmem>>, vector<1x64x1024xf32>
      %get3A_714 = vector.shape_cast %get3A_713 : vector<1x64x1024xf32> to vector<64x1024xf32>
      %mul3A_715 = arith.mulf %get3A_714, %get3A_714 : vector<64x1024xf32>
      %reduce_sum3A_716 = arith.constant dense<0.000000e+00> : vector<1024xf32>
      %reduce_sum3A_717 = vector.multi_reduction <add>, %mul3A_715, %reduce_sum3A_716 [0] : vector<64x1024xf32> to vector<1024xf32>
      %broadcast_in_dim3A_718 = vector.shape_cast %reduce_sum3A_717 : vector<1024xf32> to vector<1x1024xf32>
      %mul3A_719 = arith.constant 2.500000e-01 : f32
      %mul3A_720 = vector.broadcast %mul3A_719 : f32 to vector<1x1024xf32>
      %mul3A_721 = arith.mulf %mul3A_720, %broadcast_in_dim3A_718 : vector<1x1024xf32>
      %swap3A_722 = arith.constant 2 : index
      %swap3A_723 = arith.constant 0 : index
      %swap3A_724 = vector.load %arg10[%swap3A_722, %swap3A_723] : memref<12x1024xf32, #tpu.memory_space<vmem>>, vector<1x1024xf32>
      tpu.vector_store %arg10[%swap3A_722, %swap3A_723], %mul3A_721 {strides = array<i32>} : memref<12x1024xf32, #tpu.memory_space<vmem>>, vector<1x1024xf32>,
      %get3A_725 = arith.constant 3 : index
      %get3A_726 = arith.constant 0 : index
      %get3A_727 = arith.constant 0 : index
      %get3A_728 = vector.load %arg2[%get3A_725, %get3A_726, %get3A_727] : memref<12x64x1024xf32, #tpu.memory_space<vmem>>, vector<1x64x1024xf32>
      %get3A_729 = vector.shape_cast %get3A_728 : vector<1x64x1024xf32> to vector<64x1024xf32>
      %mul3A_730 = arith.mulf %get3A_729, %get3A_729 : vector<64x1024xf32>
      %reduce_sum3A_731 = arith.constant dense<0.000000e+00> : vector<1024xf32>
      %reduce_sum3A_732 = vector.multi_reduction <add>, %mul3A_730, %reduce_sum3A_731 [0] : vector<64x1024xf32> to vector<1024xf32>
      %broadcast_in_dim3A_733 = vector.shape_cast %reduce_sum3A_732 : vector<1024xf32> to vector<1x1024xf32>
      %mul3A_734 = arith.constant 2.500000e-01 : f32
      %mul3A_735 = vector.broadcast %mul3A_734 : f32 to vector<1x1024xf32>
      %mul3A_736 = arith.mulf %mul3A_735, %broadcast_in_dim3A_733 : vector<1x1024xf32>
      %swap3A_737 = arith.constant 3 : index
      %swap3A_738 = arith.constant 0 : index
      %swap3A_739 = vector.load %arg10[%swap3A_737, %swap3A_738] : memref<12x1024xf32, #tpu.memory_space<vmem>>, vector<1x1024xf32>
      tpu.vector_store %arg10[%swap3A_737, %swap3A_738], %mul3A_736 {strides = array<i32>} : memref<12x1024xf32, #tpu.memory_space<vmem>>, vector<1x1024xf32>,
      %get3A_740 = arith.constant 4 : index
      %get3A_741 = arith.constant 0 : index
      %get3A_742 = arith.constant 0 : index
      %get3A_743 = vector.load %arg2[%get3A_740, %get3A_741, %get3A_742] : memref<12x64x1024xf32, #tpu.memory_space<vmem>>, vector<1x64x1024xf32>
      %get3A_744 = vector.shape_cast %get3A_743 : vector<1x64x1024xf32> to vector<64x1024xf32>
      %mul3A_745 = arith.mulf %get3A_744, %get3A_744 : vector<64x1024xf32>
      %reduce_sum3A_746 = arith.constant dense<0.000000e+00> : vector<1024xf32>
      %reduce_sum3A_747 = vector.multi_reduction <add>, %mul3A_745, %reduce_sum3A_746 [0] : vector<64x1024xf32> to vector<1024xf32>
      %broadcast_in_dim3A_748 = vector.shape_cast %reduce_sum3A_747 : vector<1024xf32> to vector<1x1024xf32>
      %mul3A_749 = arith.constant 2.500000e-01 : f32
      %mul3A_750 = vector.broadcast %mul3A_749 : f32 to vector<1x1024xf32>
      %mul3A_751 = arith.mulf %mul3A_750, %broadcast_in_dim3A_748 : vector<1x1024xf32>
      %swap3A_752 = arith.constant 4 : index
      %swap3A_753 = arith.constant 0 : index
      %swap3A_754 = vector.load %arg10[%swap3A_752, %swap3A_753] : memref<12x1024xf32, #tpu.memory_space<vmem>>, vector<1x1024xf32>
      tpu.vector_store %arg10[%swap3A_752, %swap3A_753], %mul3A_751 {strides = array<i32>} : memref<12x1024xf32, #tpu.memory_space<vmem>>, vector<1x1024xf32>,
      %get3A_755 = arith.constant 5 : index
      %get3A_756 = arith.constant 0 : index
      %get3A_757 = arith.constant 0 : index
      %get3A_758 = vector.load %arg2[%get3A_755, %get3A_756, %get3A_757] : memref<12x64x1024xf32, #tpu.memory_space<vmem>>, vector<1x64x1024xf32>
      %get3A_759 = vector.shape_cast %get3A_758 : vector<1x64x1024xf32> to vector<64x1024xf32>
      %mul3A_760 = arith.mulf %get3A_759, %get3A_759 : vector<64x1024xf32>
      %reduce_sum3A_761 = arith.constant dense<0.000000e+00> : vector<1024xf32>
      %reduce_sum3A_762 = vector.multi_reduction <add>, %mul3A_760, %reduce_sum3A_761 [0] : vector<64x1024xf32> to vector<1024xf32>
      %broadcast_in_dim3A_763 = vector.shape_cast %reduce_sum3A_762 : vector<1024xf32> to vector<1x1024xf32>
      %mul3A_764 = arith.constant 2.500000e-01 : f32
      %mul3A_765 = vector.broadcast %mul3A_764 : f32 to vector<1x1024xf32>
      %mul3A_766 = arith.mulf %mul3A_765, %broadcast_in_dim3A_763 : vector<1x1024xf32>
      %swap3A_767 = arith.constant 5 : index
      %swap3A_768 = arith.constant 0 : index
      %swap3A_769 = vector.load %arg10[%swap3A_767, %swap3A_768] : memref<12x1024xf32, #tpu.memory_space<vmem>>, vector<1x1024xf32>
      tpu.vector_store %arg10[%swap3A_767, %swap3A_768], %mul3A_766 {strides = array<i32>} : memref<12x1024xf32, #tpu.memory_space<vmem>>, vector<1x1024xf32>,
      %get3A_770 = arith.constant 6 : index
      %get3A_771 = arith.constant 0 : index
      %get3A_772 = arith.constant 0 : index
      %get3A_773 = vector.load %arg2[%get3A_770, %get3A_771, %get3A_772] : memref<12x64x1024xf32, #tpu.memory_space<vmem>>, vector<1x64x1024xf32>
      %get3A_774 = vector.shape_cast %get3A_773 : vector<1x64x1024xf32> to vector<64x1024xf32>
      %mul3A_775 = arith.mulf %get3A_774, %get3A_774 : vector<64x1024xf32>
      %reduce_sum3A_776 = arith.constant dense<0.000000e+00> : vector<1024xf32>
      %reduce_sum3A_777 = vector.multi_reduction <add>, %mul3A_775, %reduce_sum3A_776 [0] : vector<64x1024xf32> to vector<1024xf32>
      %broadcast_in_dim3A_778 = vector.shape_cast %reduce_sum3A_777 : vector<1024xf32> to vector<1x1024xf32>
      %mul3A_779 = arith.constant 2.500000e-01 : f32
      %mul3A_780 = vector.broadcast %mul3A_779 : f32 to vector<1x1024xf32>
      %mul3A_781 = arith.mulf %mul3A_780, %broadcast_in_dim3A_778 : vector<1x1024xf32>
      %swap3A_782 = arith.constant 6 : index
      %swap3A_783 = arith.constant 0 : index
      %swap3A_784 = vector.load %arg10[%swap3A_782, %swap3A_783] : memref<12x1024xf32, #tpu.memory_space<vmem>>, vector<1x1024xf32>
      tpu.vector_store %arg10[%swap3A_782, %swap3A_783], %mul3A_781 {strides = array<i32>} : memref<12x1024xf32, #tpu.memory_space<vmem>>, vector<1x1024xf32>,
      %get3A_785 = arith.constant 7 : index
      %get3A_786 = arith.constant 0 : index
      %get3A_787 = arith.constant 0 : index
      %get3A_788 = vector.load %arg2[%get3A_785, %get3A_786, %get3A_787] : memref<12x64x1024xf32, #tpu.memory_space<vmem>>, vector<1x64x1024xf32>
      %get3A_789 = vector.shape_cast %get3A_788 : vector<1x64x1024xf32> to vector<64x1024xf32>
      %mul3A_790 = arith.mulf %get3A_789, %get3A_789 : vector<64x1024xf32>
      %reduce_sum3A_791 = arith.constant dense<0.000000e+00> : vector<1024xf32>
      %reduce_sum3A_792 = vector.multi_reduction <add>, %mul3A_790, %reduce_sum3A_791 [0] : vector<64x1024xf32> to vector<1024xf32>
      %broadcast_in_dim3A_793 = vector.shape_cast %reduce_sum3A_792 : vector<1024xf32> to vector<1x1024xf32>
      %mul3A_794 = arith.constant 2.500000e-01 : f32
      %mul3A_795 = vector.broadcast %mul3A_794 : f32 to vector<1x1024xf32>
      %mul3A_796 = arith.mulf %mul3A_795, %broadcast_in_dim3A_793 : vector<1x1024xf32>
      %swap3A_797 = arith.constant 7 : index
      %swap3A_798 = arith.constant 0 : index
      %swap3A_799 = vector.load %arg10[%swap3A_797, %swap3A_798] : memref<12x1024xf32, #tpu.memory_space<vmem>>, vector<1x1024xf32>
      tpu.vector_store %arg10[%swap3A_797, %swap3A_798], %mul3A_796 {strides = array<i32>} : memref<12x1024xf32, #tpu.memory_space<vmem>>, vector<1x1024xf32>,
      %get3A_800 = arith.constant 8 : index
      %get3A_801 = arith.constant 0 : index
      %get3A_802 = arith.constant 0 : index
      %get3A_803 = vector.load %arg2[%get3A_800, %get3A_801, %get3A_802] : memref<12x64x1024xf32, #tpu.memory_space<vmem>>, vector<1x64x1024xf32>
      %get3A_804 = vector.shape_cast %get3A_803 : vector<1x64x1024xf32> to vector<64x1024xf32>
      %mul3A_805 = arith.mulf %get3A_804, %get3A_804 : vector<64x1024xf32>
      %reduce_sum3A_806 = arith.constant dense<0.000000e+00> : vector<1024xf32>
      %reduce_sum3A_807 = vector.multi_reduction <add>, %mul3A_805, %reduce_sum3A_806 [0] : vector<64x1024xf32> to vector<1024xf32>
      %broadcast_in_dim3A_808 = vector.shape_cast %reduce_sum3A_807 : vector<1024xf32> to vector<1x1024xf32>
      %mul3A_809 = arith.constant 2.500000e-01 : f32
      %mul3A_810 = vector.broadcast %mul3A_809 : f32 to vector<1x1024xf32>
      %mul3A_811 = arith.mulf %mul3A_810, %broadcast_in_dim3A_808 : vector<1x1024xf32>
      %swap3A_812 = arith.constant 8 : index
      %swap3A_813 = arith.constant 0 : index
      %swap3A_814 = vector.load %arg10[%swap3A_812, %swap3A_813] : memref<12x1024xf32, #tpu.memory_space<vmem>>, vector<1x1024xf32>
      tpu.vector_store %arg10[%swap3A_812, %swap3A_813], %mul3A_811 {strides = array<i32>} : memref<12x1024xf32, #tpu.memory_space<vmem>>, vector<1x1024xf32>,
      %get3A_815 = arith.constant 9 : index
      %get3A_816 = arith.constant 0 : index
      %get3A_817 = arith.constant 0 : index
      %get3A_818 = vector.load %arg2[%get3A_815, %get3A_816, %get3A_817] : memref<12x64x1024xf32, #tpu.memory_space<vmem>>, vector<1x64x1024xf32>
      %get3A_819 = vector.shape_cast %get3A_818 : vector<1x64x1024xf32> to vector<64x1024xf32>
      %mul3A_820 = arith.mulf %get3A_819, %get3A_819 : vector<64x1024xf32>
      %reduce_sum3A_821 = arith.constant dense<0.000000e+00> : vector<1024xf32>
      %reduce_sum3A_822 = vector.multi_reduction <add>, %mul3A_820, %reduce_sum3A_821 [0] : vector<64x1024xf32> to vector<1024xf32>
      %broadcast_in_dim3A_823 = vector.shape_cast %reduce_sum3A_822 : vector<1024xf32> to vector<1x1024xf32>
      %mul3A_824 = arith.constant 2.500000e-01 : f32
      %mul3A_825 = vector.broadcast %mul3A_824 : f32 to vector<1x1024xf32>
      %mul3A_826 = arith.mulf %mul3A_825, %broadcast_in_dim3A_823 : vector<1x1024xf32>
      %swap3A_827 = arith.constant 9 : index
      %swap3A_828 = arith.constant 0 : index
      %swap3A_829 = vector.load %arg10[%swap3A_827, %swap3A_828] : memref<12x1024xf32, #tpu.memory_space<vmem>>, vector<1x1024xf32>
      tpu.vector_store %arg10[%swap3A_827, %swap3A_828], %mul3A_826 {strides = array<i32>} : memref<12x1024xf32, #tpu.memory_space<vmem>>, vector<1x1024xf32>,
      %get3A_830 = arith.constant 10 : index
      %get3A_831 = arith.constant 0 : index
      %get3A_832 = arith.constant 0 : index
      %get3A_833 = vector.load %arg2[%get3A_830, %get3A_831, %get3A_832] : memref<12x64x1024xf32, #tpu.memory_space<vmem>>, vector<1x64x1024xf32>
      %get3A_834 = vector.shape_cast %get3A_833 : vector<1x64x1024xf32> to vector<64x1024xf32>
      %mul3A_835 = arith.mulf %get3A_834, %get3A_834 : vector<64x1024xf32>
      %reduce_sum3A_836 = arith.constant dense<0.000000e+00> : vector<1024xf32>
      %reduce_sum3A_837 = vector.multi_reduction <add>, %mul3A_835, %reduce_sum3A_836 [0] : vector<64x1024xf32> to vector<1024xf32>
      %broadcast_in_dim3A_838 = vector.shape_cast %reduce_sum3A_837 : vector<1024xf32> to vector<1x1024xf32>
      %mul3A_839 = arith.constant 2.500000e-01 : f32
      %mul3A_840 = vector.broadcast %mul3A_839 : f32 to vector<1x1024xf32>
      %mul3A_841 = arith.mulf %mul3A_840, %broadcast_in_dim3A_838 : vector<1x1024xf32>
      %swap3A_842 = arith.constant 10 : index
      %swap3A_843 = arith.constant 0 : index
      %swap3A_844 = vector.load %arg10[%swap3A_842, %swap3A_843] : memref<12x1024xf32, #tpu.memory_space<vmem>>, vector<1x1024xf32>
      tpu.vector_store %arg10[%swap3A_842, %swap3A_843], %mul3A_841 {strides = array<i32>} : memref<12x1024xf32, #tpu.memory_space<vmem>>, vector<1x1024xf32>,
      %get3A_845 = arith.constant 11 : index
      %get3A_846 = arith.constant 0 : index
      %get3A_847 = arith.constant 0 : index
      %get3A_848 = vector.load %arg2[%get3A_845, %get3A_846, %get3A_847] : memref<12x64x1024xf32, #tpu.memory_space<vmem>>, vector<1x64x1024xf32>
      %get3A_849 = vector.shape_cast %get3A_848 : vector<1x64x1024xf32> to vector<64x1024xf32>
      %mul3A_850 = arith.mulf %get3A_849, %get3A_849 : vector<64x1024xf32>
      %reduce_sum3A_851 = arith.constant dense<0.000000e+00> : vector<1024xf32>
      %reduce_sum3A_852 = vector.multi_reduction <add>, %mul3A_850, %reduce_sum3A_851 [0] : vector<64x1024xf32> to vector<1024xf32>
      %broadcast_in_dim3A_853 = vector.shape_cast %reduce_sum3A_852 : vector<1024xf32> to vector<1x1024xf32>
      %mul3A_854 = arith.constant 2.500000e-01 : f32
      %mul3A_855 = vector.broadcast %mul3A_854 : f32 to vector<1x1024xf32>
      %mul3A_856 = arith.mulf %mul3A_855, %broadcast_in_dim3A_853 : vector<1x1024xf32>
      %swap3A_857 = arith.constant 11 : index
      %swap3A_858 = arith.constant 0 : index
      %swap3A_859 = vector.load %arg10[%swap3A_857, %swap3A_858] : memref<12x1024xf32, #tpu.memory_space<vmem>>, vector<1x1024xf32>
      tpu.vector_store %arg10[%swap3A_857, %swap3A_858], %mul3A_856 {strides = array<i32>} : memref<12x1024xf32, #tpu.memory_space<vmem>>, vector<1x1024xf32>,
    } else {
    }
    %get3A = arith.constant 0 : index
    %get3A_2 = arith.constant 0 : index
    %get3A_3 = vector.load %arg1[%get3A, %get3A_2] : memref<768x768xf32, #tpu.memory_space<vmem>>, vector<768x768xf32>
    %broadcast_in_dim3A = arith.constant 1.000000e+00 : f32
    %broadcast_in_dim3A_4 = vector.broadcast %broadcast_in_dim3A : f32 to vector<1x768xf32>
    %iota3A = tpu.iota {dimensions = array<i32: 1>} : vector<768x1024xi32>
    %slice3A = vector.extract_strided_slice %get3A_3 {offsets = [0, 0], sizes = [768, 64], strides = [1, 1]} : vector<768x768xf32> to vector<768x64xf32>
    %get3A_5 = arith.constant 0 : index
    %get3A_6 = arith.constant 0 : index
    %get3A_7 = arith.constant 0 : index
    %get3A_8 = vector.load %arg2[%get3A_5, %get3A_6, %get3A_7] : memref<12x64x1024xf32, #tpu.memory_space<vmem>>, vector<1x64x1024xf32>
    %get3A_9 = vector.shape_cast %get3A_8 : vector<1x64x1024xf32> to vector<64x1024xf32>
    %dot_general3A = arith.constant dense<0.000000e+00> : vector<768x1024xf32>
    %dot_general3A_10 = tpu.matmul %slice3A, %get3A_9, %dot_general3A {dimension_numbers = #tpu.dot_dimension_numbers<[1], [0], [0], [1], [0, 0, 1, 1], [], []>, transpose_lhs_hint = false} : vector<768x64xf32>, vector<64x1024xf32>, vector<768x1024xf32> -> vector<768x1024xf32>
    %get3A_11 = arith.constant 0 : index
    %get3A_12 = arith.constant 0 : index
    %get3A_13 = vector.load %arg10[%get3A_11, %get3A_12] : memref<12x1024xf32, #tpu.memory_space<vmem>>, vector<1x1024xf32>
    %add3A = vector.broadcast %get3A_13 : vector<1x1024xf32> to vector<768x1024xf32>
    %add3A_14 = arith.addf %add3A, %dot_general3A_10 : vector<768x1024xf32>
    %reduce_min3A = arith.constant dense<0x7F800000> : vector<768xf32>
    %reduce_min3A_15 = vector.multi_reduction <minimumf>, %add3A_14, %reduce_min3A [1] : vector<768x1024xf32> to vector<768xf32>
    %broadcast_in_dim3A_16 = vector.shape_cast %reduce_min3A_15 : vector<768xf32> to vector<768x1xf32>
    %eq3A_17 = vector.broadcast %broadcast_in_dim3A_16 : vector<768x1xf32> to vector<768x1024xf32>
    %eq3A_18 = arith.cmpf oeq, %add3A_14, %eq3A_17 : vector<768x1024xf32>
    %jit3A = arith.constant 1024 : i32
    %broadcast_in_dim3A_19 = vector.broadcast %jit3A : i32 to vector<768x1024xi32>
    %select_n3A = arith.select %eq3A_18, %iota3A, %broadcast_in_dim3A_19 : vector<768x1024xi1>, vector<768x1024xi32>
    %reduce_min3A_20 = arith.constant dense<2147483647> : vector<768xi32>
    %reduce_min3A_21 = vector.multi_reduction <minsi>, %select_n3A, %reduce_min3A_20 [1] : vector<768x1024xi32> to vector<768xi32>
    %broadcast_in_dim3A_22 = vector.shape_cast %reduce_min3A_21 : vector<768xi32> to vector<768x1xi32>
    %add3A_23 = arith.constant 0 : i32
    %add3A_24 = vector.broadcast %add3A_23 : i32 to vector<768x1xi32>
    %add3A_25 = arith.addi %broadcast_in_dim3A_22, %add3A_24 : vector<768x1xi32>
    %swap3A = arith.constant 0 : index
    %swap3A_26 = arith.constant 0 : index
    %swap3A_27 = vector.load %arg11[%swap3A, %swap3A_26] : memref<768x16xi32, #tpu.memory_space<vmem>>, vector<768x1xi32>
    tpu.vector_store %arg11[%swap3A, %swap3A_26], %add3A_25 {strides = array<i32>} : memref<768x16xi32, #tpu.memory_space<vmem>>, vector<768x1xi32>,
    %convert_element_type3A_28 = arith.extui %eq3A_18 : vector<768x1024xi1> to vector<768x1024xi32>
    %convert_element_type3A_29 = arith.sitofp %convert_element_type3A_28 : vector<768x1024xi32> to vector<768x1024xf32>
    %dot_general3A_30 = arith.constant dense<0.000000e+00> : vector<1x1024xf32>
    %dot_general3A_31 = tpu.matmul %broadcast_in_dim3A_4, %convert_element_type3A_29, %dot_general3A_30 {dimension_numbers = #tpu.dot_dimension_numbers<[1], [0], [0], [1], [0, 0, 1, 1], [], []>, transpose_lhs_hint = false} : vector<1x768xf32>, vector<768x1024xf32>, vector<1x1024xf32> -> vector<1x1024xf32>
    %get3A_32 = arith.constant 0 : index
    %get3A_33 = arith.constant 0 : index
    %get3A_34 = vector.load %arg8[%get3A_32, %get3A_33] : memref<12x1024xf32, #tpu.memory_space<vmem>>, vector<1x1024xf32>
    %add3A_35 = arith.addf %get3A_34, %dot_general3A_31 : vector<1x1024xf32>
    %swap3A_36 = arith.constant 0 : index
    %swap3A_37 = arith.constant 0 : index
    %swap3A_38 = vector.load %arg8[%swap3A_36, %swap3A_37] : memref<12x1024xf32, #tpu.memory_space<vmem>>, vector<1x1024xf32>
    tpu.vector_store %arg8[%swap3A_36, %swap3A_37], %add3A_35 {strides = array<i32>} : memref<12x1024xf32, #tpu.memory_space<vmem>>, vector<1x1024xf32>,
    %mul3A = arith.mulf %slice3A, %slice3A : vector<768x64xf32>
    %reduce_sum3A = arith.constant dense<0.000000e+00> : vector<768xf32>
    %reduce_sum3A_39 = vector.multi_reduction <add>, %mul3A, %reduce_sum3A [1] : vector<768x64xf32> to vector<768xf32>
    %broadcast_in_dim3A_40 = vector.shape_cast %reduce_sum3A_39 : vector<768xf32> to vector<768x1xf32>
    %add3A_41 = arith.addf %broadcast_in_dim3A_40, %broadcast_in_dim3A_16 : vector<768x1xf32>
    %max3A = arith.constant 0.000000e+00 : f32
    %max3A_42 = vector.broadcast %max3A : f32 to vector<768x1xf32>
    %max3A_43 = arith.maximumf %add3A_41, %max3A_42 : vector<768x1xf32>
    %reduce_sum3A_44 = vector.shape_cast %max3A_43 : vector<768x1xf32> to vector<1x768x1xf32>
    %reduce_sum3A_45 = arith.constant dense<0.000000e+00> : vector<1xf32>
    %reduce_sum3A_46 = vector.multi_reduction <add>, %reduce_sum3A_44, %reduce_sum3A_45 [1, 2] : vector<1x768x1xf32> to vector<1xf32>
    %reduce_sum3A_47 = vector.shape_cast %reduce_sum3A_46 : vector<1xf32> to vector<1x1x1xf32>
    %reduce_sum3A_48 = vector.extract %reduce_sum3A_47[0, 0, 0] : f32 from vector<1x1x1xf32>
    %add3A_49 = arith.constant 0.000000e+00 : f32
    %add3A_50 = arith.addf %add3A_49, %reduce_sum3A_48 : f32
    %slice3A_51 = vector.extract_strided_slice %get3A_3 {offsets = [0, 64], sizes = [768, 64], strides = [1, 1]} : vector<768x768xf32> to vector<768x64xf32>
    %get3A_52 = arith.constant 1 : index
    %get3A_53 = arith.constant 0 : index
    %get3A_54 = arith.constant 0 : index
    %get3A_55 = vector.load %arg2[%get3A_52, %get3A_53, %get3A_54] : memref<12x64x1024xf32, #tpu.memory_space<vmem>>, vector<1x64x1024xf32>
    %get3A_56 = vector.shape_cast %get3A_55 : vector<1x64x1024xf32> to vector<64x1024xf32>
    %dot_general3A_57 = arith.constant dense<0.000000e+00> : vector<768x1024xf32>
    %dot_general3A_58 = tpu.matmul %slice3A_51, %get3A_56, %dot_general3A_57 {dimension_numbers = #tpu.dot_dimension_numbers<[1], [0], [0], [1], [0, 0, 1, 1], [], []>, transpose_lhs_hint = false} : vector<768x64xf32>, vector<64x1024xf32>, vector<768x1024xf32> -> vector<768x1024xf32>
    %get3A_59 = arith.constant 1 : index
    %get3A_60 = arith.constant 0 : index
    %get3A_61 = vector.load %arg10[%get3A_59, %get3A_60] : memref<12x1024xf32, #tpu.memory_space<vmem>>, vector<1x1024xf32>
    %add3A_62 = vector.broadcast %get3A_61 : vector<1x1024xf32> to vector<768x1024xf32>
    %add3A_63 = arith.addf %add3A_62, %dot_general3A_58 : vector<768x1024xf32>
    %reduce_min3A_64 = arith.constant dense<0x7F800000> : vector<768xf32>
    %reduce_min3A_65 = vector.multi_reduction <minimumf>, %add3A_63, %reduce_min3A_64 [1] : vector<768x1024xf32> to vector<768xf32>
    %broadcast_in_dim3A_66 = vector.shape_cast %reduce_min3A_65 : vector<768xf32> to vector<768x1xf32>
    %eq3A_67 = vector.broadcast %broadcast_in_dim3A_66 : vector<768x1xf32> to vector<768x1024xf32>
    %eq3A_68 = arith.cmpf oeq, %add3A_63, %eq3A_67 : vector<768x1024xf32>
    %jit3A_69 = arith.constant 1024 : i32
    %broadcast_in_dim3A_70 = vector.broadcast %jit3A_69 : i32 to vector<768x1024xi32>
    %select_n3A_71 = arith.select %eq3A_68, %iota3A, %broadcast_in_dim3A_70 : vector<768x1024xi1>, vector<768x1024xi32>
    %reduce_min3A_72 = arith.constant dense<2147483647> : vector<768xi32>
    %reduce_min3A_73 = vector.multi_reduction <minsi>, %select_n3A_71, %reduce_min3A_72 [1] : vector<768x1024xi32> to vector<768xi32>
    %broadcast_in_dim3A_74 = vector.shape_cast %reduce_min3A_73 : vector<768xi32> to vector<768x1xi32>
    %add3A_75 = arith.constant 1024 : i32
    %add3A_76 = vector.broadcast %add3A_75 : i32 to vector<768x1xi32>
    %add3A_77 = arith.addi %broadcast_in_dim3A_74, %add3A_76 : vector<768x1xi32>
    %swap3A_78 = arith.constant 0 : index
    %swap3A_79 = arith.constant 1 : index
    %swap3A_80 = vector.load %arg11[%swap3A_78, %swap3A_79] : memref<768x16xi32, #tpu.memory_space<vmem>>, vector<768x1xi32>
    tpu.vector_store %arg11[%swap3A_78, %swap3A_79], %add3A_77 {strides = array<i32>} : memref<768x16xi32, #tpu.memory_space<vmem>>, vector<768x1xi32>,
    %convert_element_type3A_81 = arith.extui %eq3A_68 : vector<768x1024xi1> to vector<768x1024xi32>
    %convert_element_type3A_82 = arith.sitofp %convert_element_type3A_81 : vector<768x1024xi32> to vector<768x1024xf32>
    %dot_general3A_83 = arith.constant dense<0.000000e+00> : vector<1x1024xf32>
    %dot_general3A_84 = tpu.matmul %broadcast_in_dim3A_4, %convert_element_type3A_82, %dot_general3A_83 {dimension_numbers = #tpu.dot_dimension_numbers<[1], [0], [0], [1], [0, 0, 1, 1], [], []>, transpose_lhs_hint = false} : vector<1x768xf32>, vector<768x1024xf32>, vector<1x1024xf32> -> vector<1x1024xf32>
    %get3A_85 = arith.constant 1 : index
    %get3A_86 = arith.constant 0 : index
    %get3A_87 = vector.load %arg8[%get3A_85, %get3A_86] : memref<12x1024xf32, #tpu.memory_space<vmem>>, vector<1x1024xf32>
    %add3A_88 = arith.addf %get3A_87, %dot_general3A_84 : vector<1x1024xf32>
    %swap3A_89 = arith.constant 1 : index
    %swap3A_90 = arith.constant 0 : index
    %swap3A_91 = vector.load %arg8[%swap3A_89, %swap3A_90] : memref<12x1024xf32, #tpu.memory_space<vmem>>, vector<1x1024xf32>
    tpu.vector_store %arg8[%swap3A_89, %swap3A_90], %add3A_88 {strides = array<i32>} : memref<12x1024xf32, #tpu.memory_space<vmem>>, vector<1x1024xf32>,
    %mul3A_92 = arith.mulf %slice3A_51, %slice3A_51 : vector<768x64xf32>
    %reduce_sum3A_93 = arith.constant dense<0.000000e+00> : vector<768xf32>
    %reduce_sum3A_94 = vector.multi_reduction <add>, %mul3A_92, %reduce_sum3A_93 [1] : vector<768x64xf32> to vector<768xf32>
    %broadcast_in_dim3A_95 = vector.shape_cast %reduce_sum3A_94 : vector<768xf32> to vector<768x1xf32>
    %add3A_96 = arith.addf %broadcast_in_dim3A_95, %broadcast_in_dim3A_66 : vector<768x1xf32>
    %max3A_97 = arith.constant 0.000000e+00 : f32
    %max3A_98 = vector.broadcast %max3A_97 : f32 to vector<768x1xf32>
    %max3A_99 = arith.maximumf %add3A_96, %max3A_98 : vector<768x1xf32>
    %reduce_sum3A_100 = vector.shape_cast %max3A_99 : vector<768x1xf32> to vector<1x768x1xf32>
    %reduce_sum3A_101 = arith.constant dense<0.000000e+00> : vector<1xf32>
    %reduce_sum3A_102 = vector.multi_reduction <add>, %reduce_sum3A_100, %reduce_sum3A_101 [1, 2] : vector<1x768x1xf32> to vector<1xf32>
    %reduce_sum3A_103 = vector.shape_cast %reduce_sum3A_102 : vector<1xf32> to vector<1x1x1xf32>
    %reduce_sum3A_104 = vector.extract %reduce_sum3A_103[0, 0, 0] : f32 from vector<1x1x1xf32>
    %add3A_105 = arith.addf %add3A_50, %reduce_sum3A_104 : f32
    %slice3A_106 = vector.extract_strided_slice %get3A_3 {offsets = [0, 128], sizes = [768, 64], strides = [1, 1]} : vector<768x768xf32> to vector<768x64xf32>
    %get3A_107 = arith.constant 2 : index
    %get3A_108 = arith.constant 0 : index
    %get3A_109 = arith.constant 0 : index
    %get3A_110 = vector.load %arg2[%get3A_107, %get3A_108, %get3A_109] : memref<12x64x1024xf32, #tpu.memory_space<vmem>>, vector<1x64x1024xf32>
    %get3A_111 = vector.shape_cast %get3A_110 : vector<1x64x1024xf32> to vector<64x1024xf32>
    %dot_general3A_112 = arith.constant dense<0.000000e+00> : vector<768x1024xf32>
    %dot_general3A_113 = tpu.matmul %slice3A_106, %get3A_111, %dot_general3A_112 {dimension_numbers = #tpu.dot_dimension_numbers<[1], [0], [0], [1], [0, 0, 1, 1], [], []>, transpose_lhs_hint = false} : vector<768x64xf32>, vector<64x1024xf32>, vector<768x1024xf32> -> vector<768x1024xf32>
    %get3A_114 = arith.constant 2 : index
    %get3A_115 = arith.constant 0 : index
    %get3A_116 = vector.load %arg10[%get3A_114, %get3A_115] : memref<12x1024xf32, #tpu.memory_space<vmem>>, vector<1x1024xf32>
    %add3A_117 = vector.broadcast %get3A_116 : vector<1x1024xf32> to vector<768x1024xf32>
    %add3A_118 = arith.addf %add3A_117, %dot_general3A_113 : vector<768x1024xf32>
    %reduce_min3A_119 = arith.constant dense<0x7F800000> : vector<768xf32>
    %reduce_min3A_120 = vector.multi_reduction <minimumf>, %add3A_118, %reduce_min3A_119 [1] : vector<768x1024xf32> to vector<768xf32>
    %broadcast_in_dim3A_121 = vector.shape_cast %reduce_min3A_120 : vector<768xf32> to vector<768x1xf32>
    %eq3A_122 = vector.broadcast %broadcast_in_dim3A_121 : vector<768x1xf32> to vector<768x1024xf32>
    %eq3A_123 = arith.cmpf oeq, %add3A_118, %eq3A_122 : vector<768x1024xf32>
    %jit3A_124 = arith.constant 1024 : i32
    %broadcast_in_dim3A_125 = vector.broadcast %jit3A_124 : i32 to vector<768x1024xi32>
    %select_n3A_126 = arith.select %eq3A_123, %iota3A, %broadcast_in_dim3A_125 : vector<768x1024xi1>, vector<768x1024xi32>
    %reduce_min3A_127 = arith.constant dense<2147483647> : vector<768xi32>
    %reduce_min3A_128 = vector.multi_reduction <minsi>, %select_n3A_126, %reduce_min3A_127 [1] : vector<768x1024xi32> to vector<768xi32>
    %broadcast_in_dim3A_129 = vector.shape_cast %reduce_min3A_128 : vector<768xi32> to vector<768x1xi32>
    %add3A_130 = arith.constant 2048 : i32
    %add3A_131 = vector.broadcast %add3A_130 : i32 to vector<768x1xi32>
    %add3A_132 = arith.addi %broadcast_in_dim3A_129, %add3A_131 : vector<768x1xi32>
    %swap3A_133 = arith.constant 0 : index
    %swap3A_134 = arith.constant 2 : index
    %swap3A_135 = vector.load %arg11[%swap3A_133, %swap3A_134] : memref<768x16xi32, #tpu.memory_space<vmem>>, vector<768x1xi32>
    tpu.vector_store %arg11[%swap3A_133, %swap3A_134], %add3A_132 {strides = array<i32>} : memref<768x16xi32, #tpu.memory_space<vmem>>, vector<768x1xi32>,
    %convert_element_type3A_136 = arith.extui %eq3A_123 : vector<768x1024xi1> to vector<768x1024xi32>
    %convert_element_type3A_137 = arith.sitofp %convert_element_type3A_136 : vector<768x1024xi32> to vector<768x1024xf32>
    %dot_general3A_138 = arith.constant dense<0.000000e+00> : vector<1x1024xf32>
    %dot_general3A_139 = tpu.matmul %broadcast_in_dim3A_4, %convert_element_type3A_137, %dot_general3A_138 {dimension_numbers = #tpu.dot_dimension_numbers<[1], [0], [0], [1], [0, 0, 1, 1], [], []>, transpose_lhs_hint = false} : vector<1x768xf32>, vector<768x1024xf32>, vector<1x1024xf32> -> vector<1x1024xf32>
    %get3A_140 = arith.constant 2 : index
    %get3A_141 = arith.constant 0 : index
    %get3A_142 = vector.load %arg8[%get3A_140, %get3A_141] : memref<12x1024xf32, #tpu.memory_space<vmem>>, vector<1x1024xf32>
    %add3A_143 = arith.addf %get3A_142, %dot_general3A_139 : vector<1x1024xf32>
    %swap3A_144 = arith.constant 2 : index
    %swap3A_145 = arith.constant 0 : index
    %swap3A_146 = vector.load %arg8[%swap3A_144, %swap3A_145] : memref<12x1024xf32, #tpu.memory_space<vmem>>, vector<1x1024xf32>
    tpu.vector_store %arg8[%swap3A_144, %swap3A_145], %add3A_143 {strides = array<i32>} : memref<12x1024xf32, #tpu.memory_space<vmem>>, vector<1x1024xf32>,
    %mul3A_147 = arith.mulf %slice3A_106, %slice3A_106 : vector<768x64xf32>
    %reduce_sum3A_148 = arith.constant dense<0.000000e+00> : vector<768xf32>
    %reduce_sum3A_149 = vector.multi_reduction <add>, %mul3A_147, %reduce_sum3A_148 [1] : vector<768x64xf32> to vector<768xf32>
    %broadcast_in_dim3A_150 = vector.shape_cast %reduce_sum3A_149 : vector<768xf32> to vector<768x1xf32>
    %add3A_151 = arith.addf %broadcast_in_dim3A_150, %broadcast_in_dim3A_121 : vector<768x1xf32>
    %max3A_152 = arith.constant 0.000000e+00 : f32
    %max3A_153 = vector.broadcast %max3A_152 : f32 to vector<768x1xf32>
    %max3A_154 = arith.maximumf %add3A_151, %max3A_153 : vector<768x1xf32>
    %reduce_sum3A_155 = vector.shape_cast %max3A_154 : vector<768x1xf32> to vector<1x768x1xf32>
    %reduce_sum3A_156 = arith.constant dense<0.000000e+00> : vector<1xf32>
    %reduce_sum3A_157 = vector.multi_reduction <add>, %reduce_sum3A_155, %reduce_sum3A_156 [1, 2] : vector<1x768x1xf32> to vector<1xf32>
    %reduce_sum3A_158 = vector.shape_cast %reduce_sum3A_157 : vector<1xf32> to vector<1x1x1xf32>
    %reduce_sum3A_159 = vector.extract %reduce_sum3A_158[0, 0, 0] : f32 from vector<1x1x1xf32>
    %add3A_160 = arith.addf %add3A_105, %reduce_sum3A_159 : f32
    %slice3A_161 = vector.extract_strided_slice %get3A_3 {offsets = [0, 192], sizes = [768, 64], strides = [1, 1]} : vector<768x768xf32> to vector<768x64xf32>
    %get3A_162 = arith.constant 3 : index
    %get3A_163 = arith.constant 0 : index
    %get3A_164 = arith.constant 0 : index
    %get3A_165 = vector.load %arg2[%get3A_162, %get3A_163, %get3A_164] : memref<12x64x1024xf32, #tpu.memory_space<vmem>>, vector<1x64x1024xf32>
    %get3A_166 = vector.shape_cast %get3A_165 : vector<1x64x1024xf32> to vector<64x1024xf32>
    %dot_general3A_167 = arith.constant dense<0.000000e+00> : vector<768x1024xf32>
    %dot_general3A_168 = tpu.matmul %slice3A_161, %get3A_166, %dot_general3A_167 {dimension_numbers = #tpu.dot_dimension_numbers<[1], [0], [0], [1], [0, 0, 1, 1], [], []>, transpose_lhs_hint = false} : vector<768x64xf32>, vector<64x1024xf32>, vector<768x1024xf32> -> vector<768x1024xf32>
    %get3A_169 = arith.constant 3 : index
    %get3A_170 = arith.constant 0 : index
    %get3A_171 = vector.load %arg10[%get3A_169, %get3A_170] : memref<12x1024xf32, #tpu.memory_space<vmem>>, vector<1x1024xf32>
    %add3A_172 = vector.broadcast %get3A_171 : vector<1x1024xf32> to vector<768x1024xf32>
    %add3A_173 = arith.addf %add3A_172, %dot_general3A_168 : vector<768x1024xf32>
    %reduce_min3A_174 = arith.constant dense<0x7F800000> : vector<768xf32>
    %reduce_min3A_175 = vector.multi_reduction <minimumf>, %add3A_173, %reduce_min3A_174 [1] : vector<768x1024xf32> to vector<768xf32>
    %broadcast_in_dim3A_176 = vector.shape_cast %reduce_min3A_175 : vector<768xf32> to vector<768x1xf32>
    %eq3A_177 = vector.broadcast %broadcast_in_dim3A_176 : vector<768x1xf32> to vector<768x1024xf32>
    %eq3A_178 = arith.cmpf oeq, %add3A_173, %eq3A_177 : vector<768x1024xf32>
    %jit3A_179 = arith.constant 1024 : i32
    %broadcast_in_dim3A_180 = vector.broadcast %jit3A_179 : i32 to vector<768x1024xi32>
    %select_n3A_181 = arith.select %eq3A_178, %iota3A, %broadcast_in_dim3A_180 : vector<768x1024xi1>, vector<768x1024xi32>
    %reduce_min3A_182 = arith.constant dense<2147483647> : vector<768xi32>
    %reduce_min3A_183 = vector.multi_reduction <minsi>, %select_n3A_181, %reduce_min3A_182 [1] : vector<768x1024xi32> to vector<768xi32>
    %broadcast_in_dim3A_184 = vector.shape_cast %reduce_min3A_183 : vector<768xi32> to vector<768x1xi32>
    %add3A_185 = arith.constant 3072 : i32
    %add3A_186 = vector.broadcast %add3A_185 : i32 to vector<768x1xi32>
    %add3A_187 = arith.addi %broadcast_in_dim3A_184, %add3A_186 : vector<768x1xi32>
    %swap3A_188 = arith.constant 0 : index
    %swap3A_189 = arith.constant 3 : index
    %swap3A_190 = vector.load %arg11[%swap3A_188, %swap3A_189] : memref<768x16xi32, #tpu.memory_space<vmem>>, vector<768x1xi32>
    tpu.vector_store %arg11[%swap3A_188, %swap3A_189], %add3A_187 {strides = array<i32>} : memref<768x16xi32, #tpu.memory_space<vmem>>, vector<768x1xi32>,
    %convert_element_type3A_191 = arith.extui %eq3A_178 : vector<768x1024xi1> to vector<768x1024xi32>
    %convert_element_type3A_192 = arith.sitofp %convert_element_type3A_191 : vector<768x1024xi32> to vector<768x1024xf32>
    %dot_general3A_193 = arith.constant dense<0.000000e+00> : vector<1x1024xf32>
    %dot_general3A_194 = tpu.matmul %broadcast_in_dim3A_4, %convert_element_type3A_192, %dot_general3A_193 {dimension_numbers = #tpu.dot_dimension_numbers<[1], [0], [0], [1], [0, 0, 1, 1], [], []>, transpose_lhs_hint = false} : vector<1x768xf32>, vector<768x1024xf32>, vector<1x1024xf32> -> vector<1x1024xf32>
    %get3A_195 = arith.constant 3 : index
    %get3A_196 = arith.constant 0 : index
    %get3A_197 = vector.load %arg8[%get3A_195, %get3A_196] : memref<12x1024xf32, #tpu.memory_space<vmem>>, vector<1x1024xf32>
    %add3A_198 = arith.addf %get3A_197, %dot_general3A_194 : vector<1x1024xf32>
    %swap3A_199 = arith.constant 3 : index
    %swap3A_200 = arith.constant 0 : index
    %swap3A_201 = vector.load %arg8[%swap3A_199, %swap3A_200] : memref<12x1024xf32, #tpu.memory_space<vmem>>, vector<1x1024xf32>
    tpu.vector_store %arg8[%swap3A_199, %swap3A_200], %add3A_198 {strides = array<i32>} : memref<12x1024xf32, #tpu.memory_space<vmem>>, vector<1x1024xf32>,
    %mul3A_202 = arith.mulf %slice3A_161, %slice3A_161 : vector<768x64xf32>
    %reduce_sum3A_203 = arith.constant dense<0.000000e+00> : vector<768xf32>
    %reduce_sum3A_204 = vector.multi_reduction <add>, %mul3A_202, %reduce_sum3A_203 [1] : vector<768x64xf32> to vector<768xf32>
    %broadcast_in_dim3A_205 = vector.shape_cast %reduce_sum3A_204 : vector<768xf32> to vector<768x1xf32>
    %add3A_206 = arith.addf %broadcast_in_dim3A_205, %broadcast_in_dim3A_176 : vector<768x1xf32>
    %max3A_207 = arith.constant 0.000000e+00 : f32
    %max3A_208 = vector.broadcast %max3A_207 : f32 to vector<768x1xf32>
    %max3A_209 = arith.maximumf %add3A_206, %max3A_208 : vector<768x1xf32>
    %reduce_sum3A_210 = vector.shape_cast %max3A_209 : vector<768x1xf32> to vector<1x768x1xf32>
    %reduce_sum3A_211 = arith.constant dense<0.000000e+00> : vector<1xf32>
    %reduce_sum3A_212 = vector.multi_reduction <add>, %reduce_sum3A_210, %reduce_sum3A_211 [1, 2] : vector<1x768x1xf32> to vector<1xf32>
    %reduce_sum3A_213 = vector.shape_cast %reduce_sum3A_212 : vector<1xf32> to vector<1x1x1xf32>
    %reduce_sum3A_214 = vector.extract %reduce_sum3A_213[0, 0, 0] : f32 from vector<1x1x1xf32>
    %add3A_215 = arith.addf %add3A_160, %reduce_sum3A_214 : f32
    %slice3A_216 = vector.extract_strided_slice %get3A_3 {offsets = [0, 256], sizes = [768, 64], strides = [1, 1]} : vector<768x768xf32> to vector<768x64xf32>
    %get3A_217 = arith.constant 4 : index
    %get3A_218 = arith.constant 0 : index
    %get3A_219 = arith.constant 0 : index
    %get3A_220 = vector.load %arg2[%get3A_217, %get3A_218, %get3A_219] : memref<12x64x1024xf32, #tpu.memory_space<vmem>>, vector<1x64x1024xf32>
    %get3A_221 = vector.shape_cast %get3A_220 : vector<1x64x1024xf32> to vector<64x1024xf32>
    %dot_general3A_222 = arith.constant dense<0.000000e+00> : vector<768x1024xf32>
    %dot_general3A_223 = tpu.matmul %slice3A_216, %get3A_221, %dot_general3A_222 {dimension_numbers = #tpu.dot_dimension_numbers<[1], [0], [0], [1], [0, 0, 1, 1], [], []>, transpose_lhs_hint = false} : vector<768x64xf32>, vector<64x1024xf32>, vector<768x1024xf32> -> vector<768x1024xf32>
    %get3A_224 = arith.constant 4 : index
    %get3A_225 = arith.constant 0 : index
    %get3A_226 = vector.load %arg10[%get3A_224, %get3A_225] : memref<12x1024xf32, #tpu.memory_space<vmem>>, vector<1x1024xf32>
    %add3A_227 = vector.broadcast %get3A_226 : vector<1x1024xf32> to vector<768x1024xf32>
    %add3A_228 = arith.addf %add3A_227, %dot_general3A_223 : vector<768x1024xf32>
    %reduce_min3A_229 = arith.constant dense<0x7F800000> : vector<768xf32>
    %reduce_min3A_230 = vector.multi_reduction <minimumf>, %add3A_228, %reduce_min3A_229 [1] : vector<768x1024xf32> to vector<768xf32>
    %broadcast_in_dim3A_231 = vector.shape_cast %reduce_min3A_230 : vector<768xf32> to vector<768x1xf32>
    %eq3A_232 = vector.broadcast %broadcast_in_dim3A_231 : vector<768x1xf32> to vector<768x1024xf32>
    %eq3A_233 = arith.cmpf oeq, %add3A_228, %eq3A_232 : vector<768x1024xf32>
    %jit3A_234 = arith.constant 1024 : i32
    %broadcast_in_dim3A_235 = vector.broadcast %jit3A_234 : i32 to vector<768x1024xi32>
    %select_n3A_236 = arith.select %eq3A_233, %iota3A, %broadcast_in_dim3A_235 : vector<768x1024xi1>, vector<768x1024xi32>
    %reduce_min3A_237 = arith.constant dense<2147483647> : vector<768xi32>
    %reduce_min3A_238 = vector.multi_reduction <minsi>, %select_n3A_236, %reduce_min3A_237 [1] : vector<768x1024xi32> to vector<768xi32>
    %broadcast_in_dim3A_239 = vector.shape_cast %reduce_min3A_238 : vector<768xi32> to vector<768x1xi32>
    %add3A_240 = arith.constant 4096 : i32
    %add3A_241 = vector.broadcast %add3A_240 : i32 to vector<768x1xi32>
    %add3A_242 = arith.addi %broadcast_in_dim3A_239, %add3A_241 : vector<768x1xi32>
    %swap3A_243 = arith.constant 0 : index
    %swap3A_244 = arith.constant 4 : index
    %swap3A_245 = vector.load %arg11[%swap3A_243, %swap3A_244] : memref<768x16xi32, #tpu.memory_space<vmem>>, vector<768x1xi32>
    tpu.vector_store %arg11[%swap3A_243, %swap3A_244], %add3A_242 {strides = array<i32>} : memref<768x16xi32, #tpu.memory_space<vmem>>, vector<768x1xi32>,
    %convert_element_type3A_246 = arith.extui %eq3A_233 : vector<768x1024xi1> to vector<768x1024xi32>
    %convert_element_type3A_247 = arith.sitofp %convert_element_type3A_246 : vector<768x1024xi32> to vector<768x1024xf32>
    %dot_general3A_248 = arith.constant dense<0.000000e+00> : vector<1x1024xf32>
    %dot_general3A_249 = tpu.matmul %broadcast_in_dim3A_4, %convert_element_type3A_247, %dot_general3A_248 {dimension_numbers = #tpu.dot_dimension_numbers<[1], [0], [0], [1], [0, 0, 1, 1], [], []>, transpose_lhs_hint = false} : vector<1x768xf32>, vector<768x1024xf32>, vector<1x1024xf32> -> vector<1x1024xf32>
    %get3A_250 = arith.constant 4 : index
    %get3A_251 = arith.constant 0 : index
    %get3A_252 = vector.load %arg8[%get3A_250, %get3A_251] : memref<12x1024xf32, #tpu.memory_space<vmem>>, vector<1x1024xf32>
    %add3A_253 = arith.addf %get3A_252, %dot_general3A_249 : vector<1x1024xf32>
    %swap3A_254 = arith.constant 4 : index
    %swap3A_255 = arith.constant 0 : index
    %swap3A_256 = vector.load %arg8[%swap3A_254, %swap3A_255] : memref<12x1024xf32, #tpu.memory_space<vmem>>, vector<1x1024xf32>
    tpu.vector_store %arg8[%swap3A_254, %swap3A_255], %add3A_253 {strides = array<i32>} : memref<12x1024xf32, #tpu.memory_space<vmem>>, vector<1x1024xf32>,
    %mul3A_257 = arith.mulf %slice3A_216, %slice3A_216 : vector<768x64xf32>
    %reduce_sum3A_258 = arith.constant dense<0.000000e+00> : vector<768xf32>
    %reduce_sum3A_259 = vector.multi_reduction <add>, %mul3A_257, %reduce_sum3A_258 [1] : vector<768x64xf32> to vector<768xf32>
    %broadcast_in_dim3A_260 = vector.shape_cast %reduce_sum3A_259 : vector<768xf32> to vector<768x1xf32>
    %add3A_261 = arith.addf %broadcast_in_dim3A_260, %broadcast_in_dim3A_231 : vector<768x1xf32>
    %max3A_262 = arith.constant 0.000000e+00 : f32
    %max3A_263 = vector.broadcast %max3A_262 : f32 to vector<768x1xf32>
    %max3A_264 = arith.maximumf %add3A_261, %max3A_263 : vector<768x1xf32>
    %reduce_sum3A_265 = vector.shape_cast %max3A_264 : vector<768x1xf32> to vector<1x768x1xf32>
    %reduce_sum3A_266 = arith.constant dense<0.000000e+00> : vector<1xf32>
    %reduce_sum3A_267 = vector.multi_reduction <add>, %reduce_sum3A_265, %reduce_sum3A_266 [1, 2] : vector<1x768x1xf32> to vector<1xf32>
    %reduce_sum3A_268 = vector.shape_cast %reduce_sum3A_267 : vector<1xf32> to vector<1x1x1xf32>
    %reduce_sum3A_269 = vector.extract %reduce_sum3A_268[0, 0, 0] : f32 from vector<1x1x1xf32>
    %add3A_270 = arith.addf %add3A_215, %reduce_sum3A_269 : f32
    %slice3A_271 = vector.extract_strided_slice %get3A_3 {offsets = [0, 320], sizes = [768, 64], strides = [1, 1]} : vector<768x768xf32> to vector<768x64xf32>
    %get3A_272 = arith.constant 5 : index
    %get3A_273 = arith.constant 0 : index
    %get3A_274 = arith.constant 0 : index
    %get3A_275 = vector.load %arg2[%get3A_272, %get3A_273, %get3A_274] : memref<12x64x1024xf32, #tpu.memory_space<vmem>>, vector<1x64x1024xf32>
    %get3A_276 = vector.shape_cast %get3A_275 : vector<1x64x1024xf32> to vector<64x1024xf32>
    %dot_general3A_277 = arith.constant dense<0.000000e+00> : vector<768x1024xf32>
    %dot_general3A_278 = tpu.matmul %slice3A_271, %get3A_276, %dot_general3A_277 {dimension_numbers = #tpu.dot_dimension_numbers<[1], [0], [0], [1], [0, 0, 1, 1], [], []>, transpose_lhs_hint = false} : vector<768x64xf32>, vector<64x1024xf32>, vector<768x1024xf32> -> vector<768x1024xf32>
    %get3A_279 = arith.constant 5 : index
    %get3A_280 = arith.constant 0 : index
    %get3A_281 = vector.load %arg10[%get3A_279, %get3A_280] : memref<12x1024xf32, #tpu.memory_space<vmem>>, vector<1x1024xf32>
    %add3A_282 = vector.broadcast %get3A_281 : vector<1x1024xf32> to vector<768x1024xf32>
    %add3A_283 = arith.addf %add3A_282, %dot_general3A_278 : vector<768x1024xf32>
    %reduce_min3A_284 = arith.constant dense<0x7F800000> : vector<768xf32>
    %reduce_min3A_285 = vector.multi_reduction <minimumf>, %add3A_283, %reduce_min3A_284 [1] : vector<768x1024xf32> to vector<768xf32>
    %broadcast_in_dim3A_286 = vector.shape_cast %reduce_min3A_285 : vector<768xf32> to vector<768x1xf32>
    %eq3A_287 = vector.broadcast %broadcast_in_dim3A_286 : vector<768x1xf32> to vector<768x1024xf32>
    %eq3A_288 = arith.cmpf oeq, %add3A_283, %eq3A_287 : vector<768x1024xf32>
    %jit3A_289 = arith.constant 1024 : i32
    %broadcast_in_dim3A_290 = vector.broadcast %jit3A_289 : i32 to vector<768x1024xi32>
    %select_n3A_291 = arith.select %eq3A_288, %iota3A, %broadcast_in_dim3A_290 : vector<768x1024xi1>, vector<768x1024xi32>
    %reduce_min3A_292 = arith.constant dense<2147483647> : vector<768xi32>
    %reduce_min3A_293 = vector.multi_reduction <minsi>, %select_n3A_291, %reduce_min3A_292 [1] : vector<768x1024xi32> to vector<768xi32>
    %broadcast_in_dim3A_294 = vector.shape_cast %reduce_min3A_293 : vector<768xi32> to vector<768x1xi32>
    %add3A_295 = arith.constant 5120 : i32
    %add3A_296 = vector.broadcast %add3A_295 : i32 to vector<768x1xi32>
    %add3A_297 = arith.addi %broadcast_in_dim3A_294, %add3A_296 : vector<768x1xi32>
    %swap3A_298 = arith.constant 0 : index
    %swap3A_299 = arith.constant 5 : index
    %swap3A_300 = vector.load %arg11[%swap3A_298, %swap3A_299] : memref<768x16xi32, #tpu.memory_space<vmem>>, vector<768x1xi32>
    tpu.vector_store %arg11[%swap3A_298, %swap3A_299], %add3A_297 {strides = array<i32>} : memref<768x16xi32, #tpu.memory_space<vmem>>, vector<768x1xi32>,
    %convert_element_type3A_301 = arith.extui %eq3A_288 : vector<768x1024xi1> to vector<768x1024xi32>
    %convert_element_type3A_302 = arith.sitofp %convert_element_type3A_301 : vector<768x1024xi32> to vector<768x1024xf32>
    %dot_general3A_303 = arith.constant dense<0.000000e+00> : vector<1x1024xf32>
    %dot_general3A_304 = tpu.matmul %broadcast_in_dim3A_4, %convert_element_type3A_302, %dot_general3A_303 {dimension_numbers = #tpu.dot_dimension_numbers<[1], [0], [0], [1], [0, 0, 1, 1], [], []>, transpose_lhs_hint = false} : vector<1x768xf32>, vector<768x1024xf32>, vector<1x1024xf32> -> vector<1x1024xf32>
    %get3A_305 = arith.constant 5 : index
    %get3A_306 = arith.constant 0 : index
    %get3A_307 = vector.load %arg8[%get3A_305, %get3A_306] : memref<12x1024xf32, #tpu.memory_space<vmem>>, vector<1x1024xf32>
    %add3A_308 = arith.addf %get3A_307, %dot_general3A_304 : vector<1x1024xf32>
    %swap3A_309 = arith.constant 5 : index
    %swap3A_310 = arith.constant 0 : index
    %swap3A_311 = vector.load %arg8[%swap3A_309, %swap3A_310] : memref<12x1024xf32, #tpu.memory_space<vmem>>, vector<1x1024xf32>
    tpu.vector_store %arg8[%swap3A_309, %swap3A_310], %add3A_308 {strides = array<i32>} : memref<12x1024xf32, #tpu.memory_space<vmem>>, vector<1x1024xf32>,
    %mul3A_312 = arith.mulf %slice3A_271, %slice3A_271 : vector<768x64xf32>
    %reduce_sum3A_313 = arith.constant dense<0.000000e+00> : vector<768xf32>
    %reduce_sum3A_314 = vector.multi_reduction <add>, %mul3A_312, %reduce_sum3A_313 [1] : vector<768x64xf32> to vector<768xf32>
    %broadcast_in_dim3A_315 = vector.shape_cast %reduce_sum3A_314 : vector<768xf32> to vector<768x1xf32>
    %add3A_316 = arith.addf %broadcast_in_dim3A_315, %broadcast_in_dim3A_286 : vector<768x1xf32>
    %max3A_317 = arith.constant 0.000000e+00 : f32
    %max3A_318 = vector.broadcast %max3A_317 : f32 to vector<768x1xf32>
    %max3A_319 = arith.maximumf %add3A_316, %max3A_318 : vector<768x1xf32>
    %reduce_sum3A_320 = vector.shape_cast %max3A_319 : vector<768x1xf32> to vector<1x768x1xf32>
    %reduce_sum3A_321 = arith.constant dense<0.000000e+00> : vector<1xf32>
    %reduce_sum3A_322 = vector.multi_reduction <add>, %reduce_sum3A_320, %reduce_sum3A_321 [1, 2] : vector<1x768x1xf32> to vector<1xf32>
    %reduce_sum3A_323 = vector.shape_cast %reduce_sum3A_322 : vector<1xf32> to vector<1x1x1xf32>
    %reduce_sum3A_324 = vector.extract %reduce_sum3A_323[0, 0, 0] : f32 from vector<1x1x1xf32>
    %add3A_325 = arith.addf %add3A_270, %reduce_sum3A_324 : f32
    %slice3A_326 = vector.extract_strided_slice %get3A_3 {offsets = [0, 384], sizes = [768, 64], strides = [1, 1]} : vector<768x768xf32> to vector<768x64xf32>
    %get3A_327 = arith.constant 6 : index
    %get3A_328 = arith.constant 0 : index
    %get3A_329 = arith.constant 0 : index
    %get3A_330 = vector.load %arg2[%get3A_327, %get3A_328, %get3A_329] : memref<12x64x1024xf32, #tpu.memory_space<vmem>>, vector<1x64x1024xf32>
    %get3A_331 = vector.shape_cast %get3A_330 : vector<1x64x1024xf32> to vector<64x1024xf32>
    %dot_general3A_332 = arith.constant dense<0.000000e+00> : vector<768x1024xf32>
    %dot_general3A_333 = tpu.matmul %slice3A_326, %get3A_331, %dot_general3A_332 {dimension_numbers = #tpu.dot_dimension_numbers<[1], [0], [0], [1], [0, 0, 1, 1], [], []>, transpose_lhs_hint = false} : vector<768x64xf32>, vector<64x1024xf32>, vector<768x1024xf32> -> vector<768x1024xf32>
    %get3A_334 = arith.constant 6 : index
    %get3A_335 = arith.constant 0 : index
    %get3A_336 = vector.load %arg10[%get3A_334, %get3A_335] : memref<12x1024xf32, #tpu.memory_space<vmem>>, vector<1x1024xf32>
    %add3A_337 = vector.broadcast %get3A_336 : vector<1x1024xf32> to vector<768x1024xf32>
    %add3A_338 = arith.addf %add3A_337, %dot_general3A_333 : vector<768x1024xf32>
    %reduce_min3A_339 = arith.constant dense<0x7F800000> : vector<768xf32>
    %reduce_min3A_340 = vector.multi_reduction <minimumf>, %add3A_338, %reduce_min3A_339 [1] : vector<768x1024xf32> to vector<768xf32>
    %broadcast_in_dim3A_341 = vector.shape_cast %reduce_min3A_340 : vector<768xf32> to vector<768x1xf32>
    %eq3A_342 = vector.broadcast %broadcast_in_dim3A_341 : vector<768x1xf32> to vector<768x1024xf32>
    %eq3A_343 = arith.cmpf oeq, %add3A_338, %eq3A_342 : vector<768x1024xf32>
    %jit3A_344 = arith.constant 1024 : i32
    %broadcast_in_dim3A_345 = vector.broadcast %jit3A_344 : i32 to vector<768x1024xi32>
    %select_n3A_346 = arith.select %eq3A_343, %iota3A, %broadcast_in_dim3A_345 : vector<768x1024xi1>, vector<768x1024xi32>
    %reduce_min3A_347 = arith.constant dense<2147483647> : vector<768xi32>
    %reduce_min3A_348 = vector.multi_reduction <minsi>, %select_n3A_346, %reduce_min3A_347 [1] : vector<768x1024xi32> to vector<768xi32>
    %broadcast_in_dim3A_349 = vector.shape_cast %reduce_min3A_348 : vector<768xi32> to vector<768x1xi32>
    %add3A_350 = arith.constant 6144 : i32
    %add3A_351 = vector.broadcast %add3A_350 : i32 to vector<768x1xi32>
    %add3A_352 = arith.addi %broadcast_in_dim3A_349, %add3A_351 : vector<768x1xi32>
    %swap3A_353 = arith.constant 0 : index
    %swap3A_354 = arith.constant 6 : index
    %swap3A_355 = vector.load %arg11[%swap3A_353, %swap3A_354] : memref<768x16xi32, #tpu.memory_space<vmem>>, vector<768x1xi32>
    tpu.vector_store %arg11[%swap3A_353, %swap3A_354], %add3A_352 {strides = array<i32>} : memref<768x16xi32, #tpu.memory_space<vmem>>, vector<768x1xi32>,
    %convert_element_type3A_356 = arith.extui %eq3A_343 : vector<768x1024xi1> to vector<768x1024xi32>
    %convert_element_type3A_357 = arith.sitofp %convert_element_type3A_356 : vector<768x1024xi32> to vector<768x1024xf32>
    %dot_general3A_358 = arith.constant dense<0.000000e+00> : vector<1x1024xf32>
    %dot_general3A_359 = tpu.matmul %broadcast_in_dim3A_4, %convert_element_type3A_357, %dot_general3A_358 {dimension_numbers = #tpu.dot_dimension_numbers<[1], [0], [0], [1], [0, 0, 1, 1], [], []>, transpose_lhs_hint = false} : vector<1x768xf32>, vector<768x1024xf32>, vector<1x1024xf32> -> vector<1x1024xf32>
    %get3A_360 = arith.constant 6 : index
    %get3A_361 = arith.constant 0 : index
    %get3A_362 = vector.load %arg8[%get3A_360, %get3A_361] : memref<12x1024xf32, #tpu.memory_space<vmem>>, vector<1x1024xf32>
    %add3A_363 = arith.addf %get3A_362, %dot_general3A_359 : vector<1x1024xf32>
    %swap3A_364 = arith.constant 6 : index
    %swap3A_365 = arith.constant 0 : index
    %swap3A_366 = vector.load %arg8[%swap3A_364, %swap3A_365] : memref<12x1024xf32, #tpu.memory_space<vmem>>, vector<1x1024xf32>
    tpu.vector_store %arg8[%swap3A_364, %swap3A_365], %add3A_363 {strides = array<i32>} : memref<12x1024xf32, #tpu.memory_space<vmem>>, vector<1x1024xf32>,
    %mul3A_367 = arith.mulf %slice3A_326, %slice3A_326 : vector<768x64xf32>
    %reduce_sum3A_368 = arith.constant dense<0.000000e+00> : vector<768xf32>
    %reduce_sum3A_369 = vector.multi_reduction <add>, %mul3A_367, %reduce_sum3A_368 [1] : vector<768x64xf32> to vector<768xf32>
    %broadcast_in_dim3A_370 = vector.shape_cast %reduce_sum3A_369 : vector<768xf32> to vector<768x1xf32>
    %add3A_371 = arith.addf %broadcast_in_dim3A_370, %broadcast_in_dim3A_341 : vector<768x1xf32>
    %max3A_372 = arith.constant 0.000000e+00 : f32
    %max3A_373 = vector.broadcast %max3A_372 : f32 to vector<768x1xf32>
    %max3A_374 = arith.maximumf %add3A_371, %max3A_373 : vector<768x1xf32>
    %reduce_sum3A_375 = vector.shape_cast %max3A_374 : vector<768x1xf32> to vector<1x768x1xf32>
    %reduce_sum3A_376 = arith.constant dense<0.000000e+00> : vector<1xf32>
    %reduce_sum3A_377 = vector.multi_reduction <add>, %reduce_sum3A_375, %reduce_sum3A_376 [1, 2] : vector<1x768x1xf32> to vector<1xf32>
    %reduce_sum3A_378 = vector.shape_cast %reduce_sum3A_377 : vector<1xf32> to vector<1x1x1xf32>
    %reduce_sum3A_379 = vector.extract %reduce_sum3A_378[0, 0, 0] : f32 from vector<1x1x1xf32>
    %add3A_380 = arith.addf %add3A_325, %reduce_sum3A_379 : f32
    %slice3A_381 = vector.extract_strided_slice %get3A_3 {offsets = [0, 448], sizes = [768, 64], strides = [1, 1]} : vector<768x768xf32> to vector<768x64xf32>
    %get3A_382 = arith.constant 7 : index
    %get3A_383 = arith.constant 0 : index
    %get3A_384 = arith.constant 0 : index
    %get3A_385 = vector.load %arg2[%get3A_382, %get3A_383, %get3A_384] : memref<12x64x1024xf32, #tpu.memory_space<vmem>>, vector<1x64x1024xf32>
    %get3A_386 = vector.shape_cast %get3A_385 : vector<1x64x1024xf32> to vector<64x1024xf32>
    %dot_general3A_387 = arith.constant dense<0.000000e+00> : vector<768x1024xf32>
    %dot_general3A_388 = tpu.matmul %slice3A_381, %get3A_386, %dot_general3A_387 {dimension_numbers = #tpu.dot_dimension_numbers<[1], [0], [0], [1], [0, 0, 1, 1], [], []>, transpose_lhs_hint = false} : vector<768x64xf32>, vector<64x1024xf32>, vector<768x1024xf32> -> vector<768x1024xf32>
    %get3A_389 = arith.constant 7 : index
    %get3A_390 = arith.constant 0 : index
    %get3A_391 = vector.load %arg10[%get3A_389, %get3A_390] : memref<12x1024xf32, #tpu.memory_space<vmem>>, vector<1x1024xf32>
    %add3A_392 = vector.broadcast %get3A_391 : vector<1x1024xf32> to vector<768x1024xf32>
    %add3A_393 = arith.addf %add3A_392, %dot_general3A_388 : vector<768x1024xf32>
    %reduce_min3A_394 = arith.constant dense<0x7F800000> : vector<768xf32>
    %reduce_min3A_395 = vector.multi_reduction <minimumf>, %add3A_393, %reduce_min3A_394 [1] : vector<768x1024xf32> to vector<768xf32>
    %broadcast_in_dim3A_396 = vector.shape_cast %reduce_min3A_395 : vector<768xf32> to vector<768x1xf32>
    %eq3A_397 = vector.broadcast %broadcast_in_dim3A_396 : vector<768x1xf32> to vector<768x1024xf32>
    %eq3A_398 = arith.cmpf oeq, %add3A_393, %eq3A_397 : vector<768x1024xf32>
    %jit3A_399 = arith.constant 1024 : i32
    %broadcast_in_dim3A_400 = vector.broadcast %jit3A_399 : i32 to vector<768x1024xi32>
    %select_n3A_401 = arith.select %eq3A_398, %iota3A, %broadcast_in_dim3A_400 : vector<768x1024xi1>, vector<768x1024xi32>
    %reduce_min3A_402 = arith.constant dense<2147483647> : vector<768xi32>
    %reduce_min3A_403 = vector.multi_reduction <minsi>, %select_n3A_401, %reduce_min3A_402 [1] : vector<768x1024xi32> to vector<768xi32>
    %broadcast_in_dim3A_404 = vector.shape_cast %reduce_min3A_403 : vector<768xi32> to vector<768x1xi32>
    %add3A_405 = arith.constant 7168 : i32
    %add3A_406 = vector.broadcast %add3A_405 : i32 to vector<768x1xi32>
    %add3A_407 = arith.addi %broadcast_in_dim3A_404, %add3A_406 : vector<768x1xi32>
    %swap3A_408 = arith.constant 0 : index
    %swap3A_409 = arith.constant 7 : index
    %swap3A_410 = vector.load %arg11[%swap3A_408, %swap3A_409] : memref<768x16xi32, #tpu.memory_space<vmem>>, vector<768x1xi32>
    tpu.vector_store %arg11[%swap3A_408, %swap3A_409], %add3A_407 {strides = array<i32>} : memref<768x16xi32, #tpu.memory_space<vmem>>, vector<768x1xi32>,
    %convert_element_type3A_411 = arith.extui %eq3A_398 : vector<768x1024xi1> to vector<768x1024xi32>
    %convert_element_type3A_412 = arith.sitofp %convert_element_type3A_411 : vector<768x1024xi32> to vector<768x1024xf32>
    %dot_general3A_413 = arith.constant dense<0.000000e+00> : vector<1x1024xf32>
    %dot_general3A_414 = tpu.matmul %broadcast_in_dim3A_4, %convert_element_type3A_412, %dot_general3A_413 {dimension_numbers = #tpu.dot_dimension_numbers<[1], [0], [0], [1], [0, 0, 1, 1], [], []>, transpose_lhs_hint = false} : vector<1x768xf32>, vector<768x1024xf32>, vector<1x1024xf32> -> vector<1x1024xf32>
    %get3A_415 = arith.constant 7 : index
    %get3A_416 = arith.constant 0 : index
    %get3A_417 = vector.load %arg8[%get3A_415, %get3A_416] : memref<12x1024xf32, #tpu.memory_space<vmem>>, vector<1x1024xf32>
    %add3A_418 = arith.addf %get3A_417, %dot_general3A_414 : vector<1x1024xf32>
    %swap3A_419 = arith.constant 7 : index
    %swap3A_420 = arith.constant 0 : index
    %swap3A_421 = vector.load %arg8[%swap3A_419, %swap3A_420] : memref<12x1024xf32, #tpu.memory_space<vmem>>, vector<1x1024xf32>
    tpu.vector_store %arg8[%swap3A_419, %swap3A_420], %add3A_418 {strides = array<i32>} : memref<12x1024xf32, #tpu.memory_space<vmem>>, vector<1x1024xf32>,
    %mul3A_422 = arith.mulf %slice3A_381, %slice3A_381 : vector<768x64xf32>
    %reduce_sum3A_423 = arith.constant dense<0.000000e+00> : vector<768xf32>
    %reduce_sum3A_424 = vector.multi_reduction <add>, %mul3A_422, %reduce_sum3A_423 [1] : vector<768x64xf32> to vector<768xf32>
    %broadcast_in_dim3A_425 = vector.shape_cast %reduce_sum3A_424 : vector<768xf32> to vector<768x1xf32>
    %add3A_426 = arith.addf %broadcast_in_dim3A_425, %broadcast_in_dim3A_396 : vector<768x1xf32>
    %max3A_427 = arith.constant 0.000000e+00 : f32
    %max3A_428 = vector.broadcast %max3A_427 : f32 to vector<768x1xf32>
    %max3A_429 = arith.maximumf %add3A_426, %max3A_428 : vector<768x1xf32>
    %reduce_sum3A_430 = vector.shape_cast %max3A_429 : vector<768x1xf32> to vector<1x768x1xf32>
    %reduce_sum3A_431 = arith.constant dense<0.000000e+00> : vector<1xf32>
    %reduce_sum3A_432 = vector.multi_reduction <add>, %reduce_sum3A_430, %reduce_sum3A_431 [1, 2] : vector<1x768x1xf32> to vector<1xf32>
    %reduce_sum3A_433 = vector.shape_cast %reduce_sum3A_432 : vector<1xf32> to vector<1x1x1xf32>
    %reduce_sum3A_434 = vector.extract %reduce_sum3A_433[0, 0, 0] : f32 from vector<1x1x1xf32>
    %add3A_435 = arith.addf %add3A_380, %reduce_sum3A_434 : f32
    %slice3A_436 = vector.extract_strided_slice %get3A_3 {offsets = [0, 512], sizes = [768, 64], strides = [1, 1]} : vector<768x768xf32> to vector<768x64xf32>
    %get3A_437 = arith.constant 8 : index
    %get3A_438 = arith.constant 0 : index
    %get3A_439 = arith.constant 0 : index
    %get3A_440 = vector.load %arg2[%get3A_437, %get3A_438, %get3A_439] : memref<12x64x1024xf32, #tpu.memory_space<vmem>>, vector<1x64x1024xf32>
    %get3A_441 = vector.shape_cast %get3A_440 : vector<1x64x1024xf32> to vector<64x1024xf32>
    %dot_general3A_442 = arith.constant dense<0.000000e+00> : vector<768x1024xf32>
    %dot_general3A_443 = tpu.matmul %slice3A_436, %get3A_441, %dot_general3A_442 {dimension_numbers = #tpu.dot_dimension_numbers<[1], [0], [0], [1], [0, 0, 1, 1], [], []>, transpose_lhs_hint = false} : vector<768x64xf32>, vector<64x1024xf32>, vector<768x1024xf32> -> vector<768x1024xf32>
    %get3A_444 = arith.constant 8 : index
    %get3A_445 = arith.constant 0 : index
    %get3A_446 = vector.load %arg10[%get3A_444, %get3A_445] : memref<12x1024xf32, #tpu.memory_space<vmem>>, vector<1x1024xf32>
    %add3A_447 = vector.broadcast %get3A_446 : vector<1x1024xf32> to vector<768x1024xf32>
    %add3A_448 = arith.addf %add3A_447, %dot_general3A_443 : vector<768x1024xf32>
    %reduce_min3A_449 = arith.constant dense<0x7F800000> : vector<768xf32>
    %reduce_min3A_450 = vector.multi_reduction <minimumf>, %add3A_448, %reduce_min3A_449 [1] : vector<768x1024xf32> to vector<768xf32>
    %broadcast_in_dim3A_451 = vector.shape_cast %reduce_min3A_450 : vector<768xf32> to vector<768x1xf32>
    %eq3A_452 = vector.broadcast %broadcast_in_dim3A_451 : vector<768x1xf32> to vector<768x1024xf32>
    %eq3A_453 = arith.cmpf oeq, %add3A_448, %eq3A_452 : vector<768x1024xf32>
    %jit3A_454 = arith.constant 1024 : i32
    %broadcast_in_dim3A_455 = vector.broadcast %jit3A_454 : i32 to vector<768x1024xi32>
    %select_n3A_456 = arith.select %eq3A_453, %iota3A, %broadcast_in_dim3A_455 : vector<768x1024xi1>, vector<768x1024xi32>
    %reduce_min3A_457 = arith.constant dense<2147483647> : vector<768xi32>
    %reduce_min3A_458 = vector.multi_reduction <minsi>, %select_n3A_456, %reduce_min3A_457 [1] : vector<768x1024xi32> to vector<768xi32>
    %broadcast_in_dim3A_459 = vector.shape_cast %reduce_min3A_458 : vector<768xi32> to vector<768x1xi32>
    %add3A_460 = arith.constant 8192 : i32
    %add3A_461 = vector.broadcast %add3A_460 : i32 to vector<768x1xi32>
    %add3A_462 = arith.addi %broadcast_in_dim3A_459, %add3A_461 : vector<768x1xi32>
    %swap3A_463 = arith.constant 0 : index
    %swap3A_464 = arith.constant 8 : index
    %swap3A_465 = vector.load %arg11[%swap3A_463, %swap3A_464] : memref<768x16xi32, #tpu.memory_space<vmem>>, vector<768x1xi32>
    tpu.vector_store %arg11[%swap3A_463, %swap3A_464], %add3A_462 {strides = array<i32>} : memref<768x16xi32, #tpu.memory_space<vmem>>, vector<768x1xi32>,
    %convert_element_type3A_466 = arith.extui %eq3A_453 : vector<768x1024xi1> to vector<768x1024xi32>
    %convert_element_type3A_467 = arith.sitofp %convert_element_type3A_466 : vector<768x1024xi32> to vector<768x1024xf32>
    %dot_general3A_468 = arith.constant dense<0.000000e+00> : vector<1x1024xf32>
    %dot_general3A_469 = tpu.matmul %broadcast_in_dim3A_4, %convert_element_type3A_467, %dot_general3A_468 {dimension_numbers = #tpu.dot_dimension_numbers<[1], [0], [0], [1], [0, 0, 1, 1], [], []>, transpose_lhs_hint = false} : vector<1x768xf32>, vector<768x1024xf32>, vector<1x1024xf32> -> vector<1x1024xf32>
    %get3A_470 = arith.constant 8 : index
    %get3A_471 = arith.constant 0 : index
    %get3A_472 = vector.load %arg8[%get3A_470, %get3A_471] : memref<12x1024xf32, #tpu.memory_space<vmem>>, vector<1x1024xf32>
    %add3A_473 = arith.addf %get3A_472, %dot_general3A_469 : vector<1x1024xf32>
    %swap3A_474 = arith.constant 8 : index
    %swap3A_475 = arith.constant 0 : index
    %swap3A_476 = vector.load %arg8[%swap3A_474, %swap3A_475] : memref<12x1024xf32, #tpu.memory_space<vmem>>, vector<1x1024xf32>
    tpu.vector_store %arg8[%swap3A_474, %swap3A_475], %add3A_473 {strides = array<i32>} : memref<12x1024xf32, #tpu.memory_space<vmem>>, vector<1x1024xf32>,
    %mul3A_477 = arith.mulf %slice3A_436, %slice3A_436 : vector<768x64xf32>
    %reduce_sum3A_478 = arith.constant dense<0.000000e+00> : vector<768xf32>
    %reduce_sum3A_479 = vector.multi_reduction <add>, %mul3A_477, %reduce_sum3A_478 [1] : vector<768x64xf32> to vector<768xf32>
    %broadcast_in_dim3A_480 = vector.shape_cast %reduce_sum3A_479 : vector<768xf32> to vector<768x1xf32>
    %add3A_481 = arith.addf %broadcast_in_dim3A_480, %broadcast_in_dim3A_451 : vector<768x1xf32>
    %max3A_482 = arith.constant 0.000000e+00 : f32
    %max3A_483 = vector.broadcast %max3A_482 : f32 to vector<768x1xf32>
    %max3A_484 = arith.maximumf %add3A_481, %max3A_483 : vector<768x1xf32>
    %reduce_sum3A_485 = vector.shape_cast %max3A_484 : vector<768x1xf32> to vector<1x768x1xf32>
    %reduce_sum3A_486 = arith.constant dense<0.000000e+00> : vector<1xf32>
    %reduce_sum3A_487 = vector.multi_reduction <add>, %reduce_sum3A_485, %reduce_sum3A_486 [1, 2] : vector<1x768x1xf32> to vector<1xf32>
    %reduce_sum3A_488 = vector.shape_cast %reduce_sum3A_487 : vector<1xf32> to vector<1x1x1xf32>
    %reduce_sum3A_489 = vector.extract %reduce_sum3A_488[0, 0, 0] : f32 from vector<1x1x1xf32>
    %add3A_490 = arith.addf %add3A_435, %reduce_sum3A_489 : f32
    %slice3A_491 = vector.extract_strided_slice %get3A_3 {offsets = [0, 576], sizes = [768, 64], strides = [1, 1]} : vector<768x768xf32> to vector<768x64xf32>
    %get3A_492 = arith.constant 9 : index
    %get3A_493 = arith.constant 0 : index
    %get3A_494 = arith.constant 0 : index
    %get3A_495 = vector.load %arg2[%get3A_492, %get3A_493, %get3A_494] : memref<12x64x1024xf32, #tpu.memory_space<vmem>>, vector<1x64x1024xf32>
    %get3A_496 = vector.shape_cast %get3A_495 : vector<1x64x1024xf32> to vector<64x1024xf32>
    %dot_general3A_497 = arith.constant dense<0.000000e+00> : vector<768x1024xf32>
    %dot_general3A_498 = tpu.matmul %slice3A_491, %get3A_496, %dot_general3A_497 {dimension_numbers = #tpu.dot_dimension_numbers<[1], [0], [0], [1], [0, 0, 1, 1], [], []>, transpose_lhs_hint = false} : vector<768x64xf32>, vector<64x1024xf32>, vector<768x1024xf32> -> vector<768x1024xf32>
    %get3A_499 = arith.constant 9 : index
    %get3A_500 = arith.constant 0 : index
    %get3A_501 = vector.load %arg10[%get3A_499, %get3A_500] : memref<12x1024xf32, #tpu.memory_space<vmem>>, vector<1x1024xf32>
    %add3A_502 = vector.broadcast %get3A_501 : vector<1x1024xf32> to vector<768x1024xf32>
    %add3A_503 = arith.addf %add3A_502, %dot_general3A_498 : vector<768x1024xf32>
    %reduce_min3A_504 = arith.constant dense<0x7F800000> : vector<768xf32>
    %reduce_min3A_505 = vector.multi_reduction <minimumf>, %add3A_503, %reduce_min3A_504 [1] : vector<768x1024xf32> to vector<768xf32>
    %broadcast_in_dim3A_506 = vector.shape_cast %reduce_min3A_505 : vector<768xf32> to vector<768x1xf32>
    %eq3A_507 = vector.broadcast %broadcast_in_dim3A_506 : vector<768x1xf32> to vector<768x1024xf32>
    %eq3A_508 = arith.cmpf oeq, %add3A_503, %eq3A_507 : vector<768x1024xf32>
    %jit3A_509 = arith.constant 1024 : i32
    %broadcast_in_dim3A_510 = vector.broadcast %jit3A_509 : i32 to vector<768x1024xi32>
    %select_n3A_511 = arith.select %eq3A_508, %iota3A, %broadcast_in_dim3A_510 : vector<768x1024xi1>, vector<768x1024xi32>
    %reduce_min3A_512 = arith.constant dense<2147483647> : vector<768xi32>
    %reduce_min3A_513 = vector.multi_reduction <minsi>, %select_n3A_511, %reduce_min3A_512 [1] : vector<768x1024xi32> to vector<768xi32>
    %broadcast_in_dim3A_514 = vector.shape_cast %reduce_min3A_513 : vector<768xi32> to vector<768x1xi32>
    %add3A_515 = arith.constant 9216 : i32
    %add3A_516 = vector.broadcast %add3A_515 : i32 to vector<768x1xi32>
    %add3A_517 = arith.addi %broadcast_in_dim3A_514, %add3A_516 : vector<768x1xi32>
    %swap3A_518 = arith.constant 0 : index
    %swap3A_519 = arith.constant 9 : index
    %swap3A_520 = vector.load %arg11[%swap3A_518, %swap3A_519] : memref<768x16xi32, #tpu.memory_space<vmem>>, vector<768x1xi32>
    tpu.vector_store %arg11[%swap3A_518, %swap3A_519], %add3A_517 {strides = array<i32>} : memref<768x16xi32, #tpu.memory_space<vmem>>, vector<768x1xi32>,
    %convert_element_type3A_521 = arith.extui %eq3A_508 : vector<768x1024xi1> to vector<768x1024xi32>
    %convert_element_type3A_522 = arith.sitofp %convert_element_type3A_521 : vector<768x1024xi32> to vector<768x1024xf32>
    %dot_general3A_523 = arith.constant dense<0.000000e+00> : vector<1x1024xf32>
    %dot_general3A_524 = tpu.matmul %broadcast_in_dim3A_4, %convert_element_type3A_522, %dot_general3A_523 {dimension_numbers = #tpu.dot_dimension_numbers<[1], [0], [0], [1], [0, 0, 1, 1], [], []>, transpose_lhs_hint = false} : vector<1x768xf32>, vector<768x1024xf32>, vector<1x1024xf32> -> vector<1x1024xf32>
    %get3A_525 = arith.constant 9 : index
    %get3A_526 = arith.constant 0 : index
    %get3A_527 = vector.load %arg8[%get3A_525, %get3A_526] : memref<12x1024xf32, #tpu.memory_space<vmem>>, vector<1x1024xf32>
    %add3A_528 = arith.addf %get3A_527, %dot_general3A_524 : vector<1x1024xf32>
    %swap3A_529 = arith.constant 9 : index
    %swap3A_530 = arith.constant 0 : index
    %swap3A_531 = vector.load %arg8[%swap3A_529, %swap3A_530] : memref<12x1024xf32, #tpu.memory_space<vmem>>, vector<1x1024xf32>
    tpu.vector_store %arg8[%swap3A_529, %swap3A_530], %add3A_528 {strides = array<i32>} : memref<12x1024xf32, #tpu.memory_space<vmem>>, vector<1x1024xf32>,
    %mul3A_532 = arith.mulf %slice3A_491, %slice3A_491 : vector<768x64xf32>
    %reduce_sum3A_533 = arith.constant dense<0.000000e+00> : vector<768xf32>
    %reduce_sum3A_534 = vector.multi_reduction <add>, %mul3A_532, %reduce_sum3A_533 [1] : vector<768x64xf32> to vector<768xf32>
    %broadcast_in_dim3A_535 = vector.shape_cast %reduce_sum3A_534 : vector<768xf32> to vector<768x1xf32>
    %add3A_536 = arith.addf %broadcast_in_dim3A_535, %broadcast_in_dim3A_506 : vector<768x1xf32>
    %max3A_537 = arith.constant 0.000000e+00 : f32
    %max3A_538 = vector.broadcast %max3A_537 : f32 to vector<768x1xf32>
    %max3A_539 = arith.maximumf %add3A_536, %max3A_538 : vector<768x1xf32>
    %reduce_sum3A_540 = vector.shape_cast %max3A_539 : vector<768x1xf32> to vector<1x768x1xf32>
    %reduce_sum3A_541 = arith.constant dense<0.000000e+00> : vector<1xf32>
    %reduce_sum3A_542 = vector.multi_reduction <add>, %reduce_sum3A_540, %reduce_sum3A_541 [1, 2] : vector<1x768x1xf32> to vector<1xf32>
    %reduce_sum3A_543 = vector.shape_cast %reduce_sum3A_542 : vector<1xf32> to vector<1x1x1xf32>
    %reduce_sum3A_544 = vector.extract %reduce_sum3A_543[0, 0, 0] : f32 from vector<1x1x1xf32>
    %add3A_545 = arith.addf %add3A_490, %reduce_sum3A_544 : f32
    %slice3A_546 = vector.extract_strided_slice %get3A_3 {offsets = [0, 640], sizes = [768, 64], strides = [1, 1]} : vector<768x768xf32> to vector<768x64xf32>
    %get3A_547 = arith.constant 10 : index
    %get3A_548 = arith.constant 0 : index
    %get3A_549 = arith.constant 0 : index
    %get3A_550 = vector.load %arg2[%get3A_547, %get3A_548, %get3A_549] : memref<12x64x1024xf32, #tpu.memory_space<vmem>>, vector<1x64x1024xf32>
    %get3A_551 = vector.shape_cast %get3A_550 : vector<1x64x1024xf32> to vector<64x1024xf32>
    %dot_general3A_552 = arith.constant dense<0.000000e+00> : vector<768x1024xf32>
    %dot_general3A_553 = tpu.matmul %slice3A_546, %get3A_551, %dot_general3A_552 {dimension_numbers = #tpu.dot_dimension_numbers<[1], [0], [0], [1], [0, 0, 1, 1], [], []>, transpose_lhs_hint = false} : vector<768x64xf32>, vector<64x1024xf32>, vector<768x1024xf32> -> vector<768x1024xf32>
    %get3A_554 = arith.constant 10 : index
    %get3A_555 = arith.constant 0 : index
    %get3A_556 = vector.load %arg10[%get3A_554, %get3A_555] : memref<12x1024xf32, #tpu.memory_space<vmem>>, vector<1x1024xf32>
    %add3A_557 = vector.broadcast %get3A_556 : vector<1x1024xf32> to vector<768x1024xf32>
    %add3A_558 = arith.addf %add3A_557, %dot_general3A_553 : vector<768x1024xf32>
    %reduce_min3A_559 = arith.constant dense<0x7F800000> : vector<768xf32>
    %reduce_min3A_560 = vector.multi_reduction <minimumf>, %add3A_558, %reduce_min3A_559 [1] : vector<768x1024xf32> to vector<768xf32>
    %broadcast_in_dim3A_561 = vector.shape_cast %reduce_min3A_560 : vector<768xf32> to vector<768x1xf32>
    %eq3A_562 = vector.broadcast %broadcast_in_dim3A_561 : vector<768x1xf32> to vector<768x1024xf32>
    %eq3A_563 = arith.cmpf oeq, %add3A_558, %eq3A_562 : vector<768x1024xf32>
    %jit3A_564 = arith.constant 1024 : i32
    %broadcast_in_dim3A_565 = vector.broadcast %jit3A_564 : i32 to vector<768x1024xi32>
    %select_n3A_566 = arith.select %eq3A_563, %iota3A, %broadcast_in_dim3A_565 : vector<768x1024xi1>, vector<768x1024xi32>
    %reduce_min3A_567 = arith.constant dense<2147483647> : vector<768xi32>
    %reduce_min3A_568 = vector.multi_reduction <minsi>, %select_n3A_566, %reduce_min3A_567 [1] : vector<768x1024xi32> to vector<768xi32>
    %broadcast_in_dim3A_569 = vector.shape_cast %reduce_min3A_568 : vector<768xi32> to vector<768x1xi32>
    %add3A_570 = arith.constant 10240 : i32
    %add3A_571 = vector.broadcast %add3A_570 : i32 to vector<768x1xi32>
    %add3A_572 = arith.addi %broadcast_in_dim3A_569, %add3A_571 : vector<768x1xi32>
    %swap3A_573 = arith.constant 0 : index
    %swap3A_574 = arith.constant 10 : index
    %swap3A_575 = vector.load %arg11[%swap3A_573, %swap3A_574] : memref<768x16xi32, #tpu.memory_space<vmem>>, vector<768x1xi32>
    tpu.vector_store %arg11[%swap3A_573, %swap3A_574], %add3A_572 {strides = array<i32>} : memref<768x16xi32, #tpu.memory_space<vmem>>, vector<768x1xi32>,
    %convert_element_type3A_576 = arith.extui %eq3A_563 : vector<768x1024xi1> to vector<768x1024xi32>
    %convert_element_type3A_577 = arith.sitofp %convert_element_type3A_576 : vector<768x1024xi32> to vector<768x1024xf32>
    %dot_general3A_578 = arith.constant dense<0.000000e+00> : vector<1x1024xf32>
    %dot_general3A_579 = tpu.matmul %broadcast_in_dim3A_4, %convert_element_type3A_577, %dot_general3A_578 {dimension_numbers = #tpu.dot_dimension_numbers<[1], [0], [0], [1], [0, 0, 1, 1], [], []>, transpose_lhs_hint = false} : vector<1x768xf32>, vector<768x1024xf32>, vector<1x1024xf32> -> vector<1x1024xf32>
    %get3A_580 = arith.constant 10 : index
    %get3A_581 = arith.constant 0 : index
    %get3A_582 = vector.load %arg8[%get3A_580, %get3A_581] : memref<12x1024xf32, #tpu.memory_space<vmem>>, vector<1x1024xf32>
    %add3A_583 = arith.addf %get3A_582, %dot_general3A_579 : vector<1x1024xf32>
    %swap3A_584 = arith.constant 10 : index
    %swap3A_585 = arith.constant 0 : index
    %swap3A_586 = vector.load %arg8[%swap3A_584, %swap3A_585] : memref<12x1024xf32, #tpu.memory_space<vmem>>, vector<1x1024xf32>
    tpu.vector_store %arg8[%swap3A_584, %swap3A_585], %add3A_583 {strides = array<i32>} : memref<12x1024xf32, #tpu.memory_space<vmem>>, vector<1x1024xf32>,
    %mul3A_587 = arith.mulf %slice3A_546, %slice3A_546 : vector<768x64xf32>
    %reduce_sum3A_588 = arith.constant dense<0.000000e+00> : vector<768xf32>
    %reduce_sum3A_589 = vector.multi_reduction <add>, %mul3A_587, %reduce_sum3A_588 [1] : vector<768x64xf32> to vector<768xf32>
    %broadcast_in_dim3A_590 = vector.shape_cast %reduce_sum3A_589 : vector<768xf32> to vector<768x1xf32>
    %add3A_591 = arith.addf %broadcast_in_dim3A_590, %broadcast_in_dim3A_561 : vector<768x1xf32>
    %max3A_592 = arith.constant 0.000000e+00 : f32
    %max3A_593 = vector.broadcast %max3A_592 : f32 to vector<768x1xf32>
    %max3A_594 = arith.maximumf %add3A_591, %max3A_593 : vector<768x1xf32>
    %reduce_sum3A_595 = vector.shape_cast %max3A_594 : vector<768x1xf32> to vector<1x768x1xf32>
    %reduce_sum3A_596 = arith.constant dense<0.000000e+00> : vector<1xf32>
    %reduce_sum3A_597 = vector.multi_reduction <add>, %reduce_sum3A_595, %reduce_sum3A_596 [1, 2] : vector<1x768x1xf32> to vector<1xf32>
    %reduce_sum3A_598 = vector.shape_cast %reduce_sum3A_597 : vector<1xf32> to vector<1x1x1xf32>
    %reduce_sum3A_599 = vector.extract %reduce_sum3A_598[0, 0, 0] : f32 from vector<1x1x1xf32>
    %add3A_600 = arith.addf %add3A_545, %reduce_sum3A_599 : f32
    %slice3A_601 = vector.extract_strided_slice %get3A_3 {offsets = [0, 704], sizes = [768, 64], strides = [1, 1]} : vector<768x768xf32> to vector<768x64xf32>
    %get3A_602 = arith.constant 11 : index
    %get3A_603 = arith.constant 0 : index
    %get3A_604 = arith.constant 0 : index
    %get3A_605 = vector.load %arg2[%get3A_602, %get3A_603, %get3A_604] : memref<12x64x1024xf32, #tpu.memory_space<vmem>>, vector<1x64x1024xf32>
    %get3A_606 = vector.shape_cast %get3A_605 : vector<1x64x1024xf32> to vector<64x1024xf32>
    %dot_general3A_607 = arith.constant dense<0.000000e+00> : vector<768x1024xf32>
    %dot_general3A_608 = tpu.matmul %slice3A_601, %get3A_606, %dot_general3A_607 {dimension_numbers = #tpu.dot_dimension_numbers<[1], [0], [0], [1], [0, 0, 1, 1], [], []>, transpose_lhs_hint = false} : vector<768x64xf32>, vector<64x1024xf32>, vector<768x1024xf32> -> vector<768x1024xf32>
    %get3A_609 = arith.constant 11 : index
    %get3A_610 = arith.constant 0 : index
    %get3A_611 = vector.load %arg10[%get3A_609, %get3A_610] : memref<12x1024xf32, #tpu.memory_space<vmem>>, vector<1x1024xf32>
    %add3A_612 = vector.broadcast %get3A_611 : vector<1x1024xf32> to vector<768x1024xf32>
    %add3A_613 = arith.addf %add3A_612, %dot_general3A_608 : vector<768x1024xf32>
    %reduce_min3A_614 = arith.constant dense<0x7F800000> : vector<768xf32>
    %reduce_min3A_615 = vector.multi_reduction <minimumf>, %add3A_613, %reduce_min3A_614 [1] : vector<768x1024xf32> to vector<768xf32>
    %broadcast_in_dim3A_616 = vector.shape_cast %reduce_min3A_615 : vector<768xf32> to vector<768x1xf32>
    %eq3A_617 = vector.broadcast %broadcast_in_dim3A_616 : vector<768x1xf32> to vector<768x1024xf32>
    %eq3A_618 = arith.cmpf oeq, %add3A_613, %eq3A_617 : vector<768x1024xf32>
    %jit3A_619 = arith.constant 1024 : i32
    %broadcast_in_dim3A_620 = vector.broadcast %jit3A_619 : i32 to vector<768x1024xi32>
    %select_n3A_621 = arith.select %eq3A_618, %iota3A, %broadcast_in_dim3A_620 : vector<768x1024xi1>, vector<768x1024xi32>
    %reduce_min3A_622 = arith.constant dense<2147483647> : vector<768xi32>
    %reduce_min3A_623 = vector.multi_reduction <minsi>, %select_n3A_621, %reduce_min3A_622 [1] : vector<768x1024xi32> to vector<768xi32>
    %broadcast_in_dim3A_624 = vector.shape_cast %reduce_min3A_623 : vector<768xi32> to vector<768x1xi32>
    %add3A_625 = arith.constant 11264 : i32
    %add3A_626 = vector.broadcast %add3A_625 : i32 to vector<768x1xi32>
    %add3A_627 = arith.addi %broadcast_in_dim3A_624, %add3A_626 : vector<768x1xi32>
    %swap3A_628 = arith.constant 0 : index
    %swap3A_629 = arith.constant 11 : index
    %swap3A_630 = vector.load %arg11[%swap3A_628, %swap3A_629] : memref<768x16xi32, #tpu.memory_space<vmem>>, vector<768x1xi32>
    tpu.vector_store %arg11[%swap3A_628, %swap3A_629], %add3A_627 {strides = array<i32>} : memref<768x16xi32, #tpu.memory_space<vmem>>, vector<768x1xi32>,
    %convert_element_type3A_631 = arith.extui %eq3A_618 : vector<768x1024xi1> to vector<768x1024xi32>
    %convert_element_type3A_632 = arith.sitofp %convert_element_type3A_631 : vector<768x1024xi32> to vector<768x1024xf32>
    %dot_general3A_633 = arith.constant dense<0.000000e+00> : vector<1x1024xf32>
    %dot_general3A_634 = tpu.matmul %broadcast_in_dim3A_4, %convert_element_type3A_632, %dot_general3A_633 {dimension_numbers = #tpu.dot_dimension_numbers<[1], [0], [0], [1], [0, 0, 1, 1], [], []>, transpose_lhs_hint = false} : vector<1x768xf32>, vector<768x1024xf32>, vector<1x1024xf32> -> vector<1x1024xf32>
    %get3A_635 = arith.constant 11 : index
    %get3A_636 = arith.constant 0 : index
    %get3A_637 = vector.load %arg8[%get3A_635, %get3A_636] : memref<12x1024xf32, #tpu.memory_space<vmem>>, vector<1x1024xf32>
    %add3A_638 = arith.addf %get3A_637, %dot_general3A_634 : vector<1x1024xf32>
    %swap3A_639 = arith.constant 11 : index
    %swap3A_640 = arith.constant 0 : index
    %swap3A_641 = vector.load %arg8[%swap3A_639, %swap3A_640] : memref<12x1024xf32, #tpu.memory_space<vmem>>, vector<1x1024xf32>
    tpu.vector_store %arg8[%swap3A_639, %swap3A_640], %add3A_638 {strides = array<i32>} : memref<12x1024xf32, #tpu.memory_space<vmem>>, vector<1x1024xf32>,
    %mul3A_642 = arith.mulf %slice3A_601, %slice3A_601 : vector<768x64xf32>
    %reduce_sum3A_643 = arith.constant dense<0.000000e+00> : vector<768xf32>
    %reduce_sum3A_644 = vector.multi_reduction <add>, %mul3A_642, %reduce_sum3A_643 [1] : vector<768x64xf32> to vector<768xf32>
    %broadcast_in_dim3A_645 = vector.shape_cast %reduce_sum3A_644 : vector<768xf32> to vector<768x1xf32>
    %add3A_646 = arith.addf %broadcast_in_dim3A_645, %broadcast_in_dim3A_616 : vector<768x1xf32>
    %max3A_647 = arith.constant 0.000000e+00 : f32
    %max3A_648 = vector.broadcast %max3A_647 : f32 to vector<768x1xf32>
    %max3A_649 = arith.maximumf %add3A_646, %max3A_648 : vector<768x1xf32>
    %reduce_sum3A_650 = vector.shape_cast %max3A_649 : vector<768x1xf32> to vector<1x768x1xf32>
    %reduce_sum3A_651 = arith.constant dense<0.000000e+00> : vector<1xf32>
    %reduce_sum3A_652 = vector.multi_reduction <add>, %reduce_sum3A_650, %reduce_sum3A_651 [1, 2] : vector<1x768x1xf32> to vector<1xf32>
    %reduce_sum3A_653 = vector.shape_cast %reduce_sum3A_652 : vector<1xf32> to vector<1x1x1xf32>
    %reduce_sum3A_654 = vector.extract %reduce_sum3A_653[0, 0, 0] : f32 from vector<1x1x1xf32>
    %add3A_655 = arith.addf %add3A_600, %reduce_sum3A_654 : f32
    %get3A_656 = arith.constant 0 : index
    %get3A_657 = memref.load %arg9[%get3A_656] : memref<1xf32, #tpu.memory_space<smem>>
    %add3A_658 = arith.addf %get3A_657, %add3A_655 : f32
    %swap3A_659 = arith.constant 0 : index
    %swap3A_660 = memref.load %arg9[%swap3A_659] : memref<1xf32, #tpu.memory_space<smem>>
    memref.store %add3A_658, %arg9[%swap3A_659] : memref<1xf32, #tpu.memory_space<smem>>
    %get3A_661 = arith.constant 0 : index
    %get3A_662 = arith.constant 0 : index
    %get3A_663 = vector.load %arg11[%get3A_661, %get3A_662] : memref<768x16xi32, #tpu.memory_space<vmem>>, vector<768x16xi32>
    %transpose3A = tpu.transpose %get3A_663, [1, 0] : vector<768x16xi32> -> vector<16x768xi32>
    %swap3A_664 = arith.constant 0 : index
    %swap3A_665 = arith.constant 0 : index
    %swap3A_666 = vector.load %arg4[%swap3A_664, %swap3A_665] : memref<16x768xi32, #tpu.memory_space<vmem>>, vector<16x768xi32>
    tpu.vector_store %arg4[%swap3A_664, %swap3A_665], %transpose3A {strides = array<i32>} : memref<16x768xi32, #tpu.memory_space<vmem>>, vector<16x768xi32>,
    %eq3A_667 = arith.constant 11 : i32
    %eq3A_668 = arith.cmpi eq, %arg0, %eq3A_667 : i32
    %convert_element_type3A_669 = arith.extui %eq3A_668 : i1 to i32
    %cond3A_670 = arith.constant 0 : i32
    %cond3A_671 = arith.cmpi ne, %convert_element_type3A_669, %cond3A_670 : i32
    scf.if %cond3A_671 {
      %get3A_672 = arith.constant 0 : index
      %get3A_673 = memref.load %arg9[%get3A_672] : memref<1xf32, #tpu.memory_space<smem>>
      %div3A = arith.constant 0x4AD80000 : f32
      %div3A_674 = arith.divf %get3A_673, %div3A : f32
      %swap3A_675 = arith.constant 0 : index
      %swap3A_676 = arith.constant 0 : index
      %swap3A_677 = memref.load %arg5[%swap3A_675, %swap3A_676] : memref<1x1xf32, #tpu.memory_space<smem>>
      memref.store %div3A_674, %arg5[%swap3A_675, %swap3A_676] : memref<1x1xf32, #tpu.memory_space<smem>>
      %get3A_678 = arith.constant 0 : index
      %get3A_679 = arith.constant 0 : index
      %get3A_680 = vector.load %arg8[%get3A_678, %get3A_679] : memref<12x1024xf32, #tpu.memory_space<vmem>>, vector<12x1024xf32>
      %mul3A_681 = arith.constant 1.08506945E-4 : f32
      %mul3A_682 = vector.broadcast %mul3A_681 : f32 to vector<12x1024xf32>
      %mul3A_683 = arith.mulf %get3A_680, %mul3A_682 : vector<12x1024xf32>
      %add3A_684 = arith.constant 1.000000e-10 : f32
      %add3A_685 = vector.broadcast %add3A_684 : f32 to vector<12x1024xf32>
      %add3A_686 = arith.addf %mul3A_683, %add3A_685 : vector<12x1024xf32>
      %log3A = math.log %add3A_686 : vector<12x1024xf32>
      %mul3A_687 = arith.mulf %mul3A_683, %log3A : vector<12x1024xf32>
      %reduce_sum3A_688 = arith.constant dense<0.000000e+00> : vector<12xf32>
      %reduce_sum3A_689 = vector.multi_reduction <add>, %mul3A_687, %reduce_sum3A_688 [1] : vector<12x1024xf32> to vector<12xf32>
      %neg3A = arith.constant 0.000000e+00 : f32
      %neg3A_690 = vector.broadcast %neg3A : f32 to vector<12xf32>
      %neg3A_691 = arith.subf %neg3A_690, %reduce_sum3A_689 : vector<12xf32>
      %exp3A = math.exp %neg3A_691 : vector<12xf32>
      %broadcast_in_dim3A_692 = vector.shape_cast %exp3A : vector<12xf32> to vector<12x1xf32>
      %broadcast_in_dim3A_693 = vector.shape_cast %broadcast_in_dim3A_692 : vector<12x1xf32> to vector<12x1xf32>
      %broadcast_in_dim3A_694 = vector.broadcast %broadcast_in_dim3A_693 : vector<12x1xf32> to vector<12x128xf32>
      %swap3A_695 = arith.constant 0 : index
      %swap3A_696 = arith.constant 0 : index
      %swap3A_697 = vector.load %arg6[%swap3A_695, %swap3A_696] : memref<12x128xf32, #tpu.memory_space<vmem>>, vector<12x128xf32>
      tpu.vector_store %arg6[%swap3A_695, %swap3A_696], %broadcast_in_dim3A_694 {strides = array<i32>} : memref<12x128xf32, #tpu.memory_space<vmem>>, vector<12x128xf32>,
      %get3A_698 = arith.constant 0 : index
      %get3A_699 = arith.constant 0 : index
      %get3A_700 = vector.load %arg3[%get3A_698, %get3A_699] : memref<12x1024xf32, #tpu.memory_space<vmem>>, vector<12x1024xf32>
      %lt3A = arith.constant 5.000000e-02 : f32
      %lt3A_701 = vector.broadcast %lt3A : f32 to vector<12x1024xf32>
      %lt3A_702 = arith.cmpf olt, %get3A_700, %lt3A_701 : vector<12x1024xf32>
      %convert_element_type3A_703 = arith.extui %lt3A_702 : vector<12x1024xi1> to vector<12x1024xi32>
      %reduce_sum3A_704 = arith.constant dense<0> : vector<12xi32>
      %reduce_sum3A_705 = vector.multi_reduction <add>, %convert_element_type3A_703, %reduce_sum3A_704 [1] : vector<12x1024xi32> to vector<12xi32>
      %broadcast_in_dim3A_706 = vector.shape_cast %reduce_sum3A_705 : vector<12xi32> to vector<12x1xi32>
      %broadcast_in_dim3A_707 = vector.shape_cast %broadcast_in_dim3A_706 : vector<12x1xi32> to vector<12x1xi32>
      %broadcast_in_dim3A_708 = vector.broadcast %broadcast_in_dim3A_707 : vector<12x1xi32> to vector<12x128xi32>
      %swap3A_709 = arith.constant 0 : index
      %swap3A_710 = arith.constant 0 : index
      %swap3A_711 = vector.load %arg7[%swap3A_709, %swap3A_710] : memref<12x128xi32, #tpu.memory_space<vmem>>, vector<12x128xi32>
      tpu.vector_store %arg7[%swap3A_709, %swap3A_710], %broadcast_in_dim3A_708 {strides = array<i32>} : memref<12x128xi32, #tpu.memory_space<vmem>>, vector<12x128xi32>,
    } else {
    }
    return
  }
  func.func @transform_0(%arg0: i32) -> (i32, i32) {
    %c0_i32 = arith.constant 0 : i32
    %c0_i32_0 = arith.constant 0 : i32
    return %arg0, %c0_i32 : i32, i32
  }
  func.func @transform_1(%arg0: i32) -> (i32, i32, i32) {
    %c0_i32 = arith.constant 0 : i32
    %c0_i32_0 = arith.constant 0 : i32
    %c0_i32_1 = arith.constant 0 : i32
    %c0_i32_2 = arith.constant 0 : i32
    return %c0_i32, %c0_i32_0, %c0_i32_1 : i32, i32, i32
  }
  func.func @transform_2(%arg0: i32) -> (i32, i32) {
    %c0_i32 = arith.constant 0 : i32
    %c0_i32_0 = arith.constant 0 : i32
    %c0_i32_1 = arith.constant 0 : i32
    return %c0_i32, %c0_i32_0 : i32, i32
  }
  func.func @transform_3(%arg0: i32) -> (i32, i32) {
    %c0_i32 = arith.constant 0 : i32
    %c0_i32_0 = arith.constant 0 : i32
    return %c0_i32, %arg0 : i32, i32
  }
  func.func @transform_4(%arg0: i32) -> (i32, i32) {
    %c0_i32 = arith.constant 0 : i32
    %c0_i32_0 = arith.constant 0 : i32
    %c0_i32_1 = arith.constant 0 : i32
    return %c0_i32, %c0_i32_0 : i32, i32
  }
  func.func @transform_5(%arg0: i32) -> (i32, i32) {
    %c0_i32 = arith.constant 0 : i32
    %c0_i32_0 = arith.constant 0 : i32
    %c0_i32_1 = arith.constant 0 : i32
    return %c0_i32, %c0_i32_0 : i32, i32
  }
  func.func @transform_6(%arg0: i32) -> (i32, i32) {
    %c0_i32 = arith.constant 0 : i32
    %c0_i32_0 = arith.constant 0 : i32
    %c0_i32_1 = arith.constant 0 : i32
    return %c0_i32, %c0_i32_0 : i32, i32
  }
}

</mosaic_0001>

<sc_bundles>
// kernel: kernel.4.cloned.1.call-start
scs
__scs_entry_jumppad:
0x0: {  	(pc) =	sbr.rel $0x88, $3  }
0x1: {  	(tag) =	ssettag $0x0;
	lr =	simm.s32 $0x1  }
0x2: {  	[smem:$0x3F9E] =	sst lr;
	_ =	strace $0xD0000000  }
0x3: {  	_ = 	snop  }
0x4: {  	_ = 	snop  }
0x5: {  	_ = 	snop  }
0x6: {  	_ = 	snop  }
0x7: {  	_ = 	snop  }
__scs_overlays_trampoline_lowered:
0x8: {  	[smem:$0x3FAD] =	sst s0  }
0x9: {  	[smem:$0x3FAE] =	sst s1  }
0xa: {  	[smem:$0x3FAF] =	sst s2  }
0xb: {  	[smem:$0x3FB0] =	sst s3  }
0xc: {  	[smem:$0x3FB1] =	sst s4  }
0xd: {  	[smem:$0x3FB2] =	sst s5  }
0xe: {  	[smem:$0x3FB3] =	sst s6  }
0xf: {  	[smem:$0x3FB4] =	sst s7  }
0x10: {  	[smem:$0x3FB5] =	sst s8  }
0x11: {  	[smem:$0x3FB6] =	sst s9;
	s0 =	simm.s32 @!p0 $0x0  }
0x12: {  	s1 =	sld [smem:$0x3F9C];
	s0 =	simm.s32 @p0 $0x1  }
0x13: {  	[smem:$0x3FB7] =	sst s0;
	s0 =	simm.s32 @!p1 $0x0  }
0x14: {  	s2 =	sld [smem:$0x3F9B];
	s0 =	simm.s32 @p1 $0x1  }
0x15: {  	[smem:$0x3FB8] =	sst s0;
	s0 =	simm.s32 @!p2 $0x0  }
0x16: {  	s3 =	sld [smem:$0x3FDB];
	s0 =	simm.s32 @p2 $0x1  }
0x17: {  	s4 =	simm.s32 $0x1BF5;
	[smem:$0x3FBA] =	sst s0  }
0x18: {  	s0 =	sld [smem:$0x3F9D];
	_ =	swait.ge [sflag:s4], $0x0  }
0x19: {  	s7 =	sld [smem:$0x3F9E]  }
0x1a: {  	s8 =	sadd.s32 $0xFFFFE003, lr  }
0x1b: {  	s9 =	sadd.s32 $0xFFFFFEF7, lr;
	s5 =	simm.s32 $0xFFFFFFFF;
	p2 =	slt.u32 s8, $0xFFFFF086  }
0x1c: {  	p1 =	slt.u32 s9, $0xF7A;
	s5 =	simm.s32 @!p2 $0x0  }
0x1d: {  	s5 =	simm.s32 @p1 $0x1;
	p0 =	seq.s32 s7, s2  }
0x1e: {  	s7 =	smul.u32 @!p0 $0xF7A, s2;
	p2 =	seq.s32 @!p0 s5, $0x0  }
0x1f: {  	s9 =	smul.u32 $0xF7A, s1;
	s8 =	simm.s32 @!p0 $0x1BF5;
	p2 =	por !p2, p0  }
0x20: {  	[sflag:s8] =	ssyncset.s32 @!p0 $0xFFFFF086;
	s6 =	sadd.s32 @!p0 s3, s7;
	s7 =	simm.s32 @!p0 $0x108  }
0x21: {  	s3 =	sadd.s32 s3, s9;
	s6 =	sadd.s32 @!p0 $0x88, s6;
	s7 =	simm.s32 @p2 $0x1082  }
0x22: {  	[simem:s7], [sflag:s8] =	dma.local @!p0 [hbm:s6], $0xF7A  }
0x23: {  	s9 =	sor.u32 $0xD0000000, s2;
	s6 =	simm.s32 $0x108;
	_ =	swait.ge @!p0 [sflag:s8], $0x0  }
0x24: {  	s3 =	sadd.s32 $0x88, s3;
	s6 =	simm.s32 @!p1 $0x1082;
	[sflag:s4] =	ssyncset.s32 $0xFFFFF086  }
0x25: {  	[simem:s6], [sflag:s4] =	dma.local [hbm:s3], $0xF7A  }
0x26: {  	[smem:$0x3F9E] =	sst s1;
	(tag) =	ssettag s2;
	_ =	strace s9  }
0x27: {  	s1 =	sld [smem:$0x3FAE]  }
0x28: {  	s2 =	sld [smem:$0x3FAF]  }
0x29: {  	s4 =	sld [smem:$0x3FB1]  }
0x2a: {  	p0 =	seq.s32 s5, $0x0;
	s5 =	sld [smem:$0x3FB2]  }
0x2b: {  	s6 =	sld [smem:$0x3FB3]  }
0x2c: {  	s7 =	sld [smem:$0x3FB4]  }
0x2d: {  	s3 =	simm.s32 $0x108;
	s8 =	sld [smem:$0x3FB5]  }
0x2e: {  	s3 =	simm.s32 @!p0 $0x1082;
	s9 =	sld [smem:$0x3FB6]  }
0x2f: {  	lr =	sadd.s32 s0, s3;
	s0 =	sld [smem:$0x3FAD]  }
0x30: {  	s3 =	sld [smem:$0x3FB0]  }
0x31: {  	[smem:$0x3FB9] =	sst s10  }
0x32: {  	s10 =	sld [smem:$0x3FB7];
	_ =	sdelay $0x3  }
0x33: {  	p0 =	seq.s32 s10, $0x1;
	s10 =	sld [smem:$0x3FB9];
	_ =	sdelay $0x3  }
0x34: {  	[smem:$0x3FB9] =	sst s10  }
0x35: {  	s10 =	sld [smem:$0x3FB8];
	_ =	sdelay $0x3  }
0x36: {  	p1 =	seq.s32 s10, $0x1;
	s10 =	sld [smem:$0x3FB9];
	_ =	sdelay $0x3  }
0x37: {  	[smem:$0x3FB9] =	sst s10  }
0x38: {  	s10 =	sld [smem:$0x3FBA]  }
0x39: {  	_ = 	snop;
	(pc) =	sbr.ind lr, $3  }
0x3a: {  	_ = 	snop  }
0x3b: {  	_ = 	snop  }
0x3c: {  	p2 =	seq.s32 s10, $0x1;
	s10 =	sld [smem:$0x3FB9]  }
0x3d: {  	_ =	shalt  }
0x3e: {  	_ =	shalt  }
0x3f: {  	_ =	shalt  }
0x40: {  	_ =	shalt  }
0x41: {  	_ =	shalt  }
0x42: {  	_ =	shalt  }
0x43: {  	_ =	shalt  }
0x44: {  	_ =	shalt  }
0x45: {  	_ =	shalt  }
0x46: {  	_ =	shalt  }
0x47: {  	_ =	shalt  }
0x48: {  	_ =	shalt  }
0x49: {  	_ =	shalt  }
0x4a: {  	_ =	shalt  }
0x4b: {  	_ =	shalt  }
0x4c: {  	_ =	shalt  }
0x4d: {  	_ =	shalt  }
0x4e: {  	_ =	shalt  }
0x4f: {  	_ =	shalt  }
0x50: {  	_ =	shalt  }
0x51: {  	_ =	shalt  }
0x52: {  	_ =	shalt  }
0x53: {  	_ =	shalt  }
0x54: {  	_ =	shalt  }
0x55: {  	_ =	shalt  }
0x56: {  	_ =	shalt  }
0x57: {  	_ =	shalt  }
0x58: {  	_ =	shalt  }
0x59: {  	_ =	shalt  }
0x5a: {  	_ =	shalt  }
0x5b: {  	_ =	shalt  }
0x5c: {  	_ =	shalt  }
0x5d: {  	_ =	shalt  }
0x5e: {  	_ =	shalt  }
0x5f: {  	_ =	shalt  }
0x60: {  	_ =	shalt  }
0x61: {  	_ =	shalt  }
0x62: {  	_ =	shalt  }
0x63: {  	_ =	shalt  }
0x64: {  	_ =	shalt  }
0x65: {  	_ =	shalt  }
0x66: {  	_ =	shalt  }
0x67: {  	_ =	shalt  }
0x68: {  	_ =	shalt  }
0x69: {  	_ =	shalt  }
0x6a: {  	_ =	shalt  }
0x6b: {  	_ =	shalt  }
0x6c: {  	_ =	shalt  }
0x6d: {  	_ =	shalt  }
0x6e: {  	_ =	shalt  }
0x6f: {  	_ =	shalt  }
0x70: {  	_ =	shalt  }
0x71: {  	_ =	shalt  }
0x72: {  	_ =	shalt  }
0x73: {  	_ =	shalt  }
0x74: {  	_ =	shalt  }
0x75: {  	_ =	shalt  }
0x76: {  	_ =	shalt  }
0x77: {  	_ =	shalt  }
0x78: {  	_ =	shalt  }
0x79: {  	_ =	shalt  }
0x7a: {  	_ =	shalt  }
0x7b: {  	_ =	shalt  }
0x7c: {  	_ =	shalt  }
0x7d: {  	_ =	shalt  }
0x7e: {  	_ =	shalt  }
0x7f: {  	_ =	shalt  }
0x80: {  	_ =	shalt  }
0x81: {  	_ =	shalt  }
0x82: {  	_ =	shalt  }
0x83: {  	_ =	shalt  }
0x84: {  	_ =	shalt  }
0x85: {  	_ =	shalt  }
0x86: {  	_ =	shalt  }
0x87: {  	_ =	shalt  }
.Lfunc_end0:
.L_simem_size_0:
called_computation_lowered:
.L_overlay_start_0:
0x88: {  	s2 =	sld [smem:$0x3FD9]  }
0x89: {  	s3 =	sld [smem:$0x3FFE];
	_ =	sdelay $0x1  }
0x8a: {  	s1 =	srdreg.scid  }
0x8b: {  	s0 =	sand.u32 $0x1, s1  }
0x8c: {  	s14 =	sshll.u32 s0, $0xA;
	s2 =	sadd.s32 s3, s2  }
0x8d: {  	s2 =	sadd.s32 s2, s14  }
0x8e: {  	[smem:$0x3FC5] =	sst s2  }
0x8f: {  	_ = 	snop  }
0x90: {  	s2 =	sld [smem:$0x3FD0];
	_ =	sdelay $0x2  }
0x91: {  	s15 =	simm.s32 $0xA;
	s4 =	simm.s32 $0x10  }
0x92: {  	[smem:s4], [sflag:s15] =	dma.local [hbm:s2], $0x1  }
0x93: {  	_ =	swait.eq [sflag:s15], $0x1  }
0x94: {  	[sflag:s15] =	ssyncset.done $0x0  }
0x95: {  	[sflag:s15] =	ssyncadd.s32 $0xFFFFFFFF  }
0x96: {  	s16 =	sld [smem:$0x10];
	(tm) =	ssettm $0x1  }
0x97: {  	s17 =	sld [smem:$0x3FFB];
	_ =	sdelay $0x3  }
0x98: {  	_ =	strace s17  }
0x99: {  	s3 =	sld [smem:$0x3FFC];
	_ =	sdelay $0x3  }
0x9a: {  	_ =	strace s3  }
0x9b: {  	s3 =	sld [smem:$0x3FFD];
	_ =	sdelay $0x3  }
0x9c: {  	_ =	strace s3  }
0x9d: {  	_ =	strace $0x8FFFFFFF  }
0x9e: {  	s18 =	sld [smem:$0x3FDB];
	_ =	sdelay $0x1  }
0x9f: {  	s19 =	simm.s32 $_scs_section_size  }
0xa0: {  	s5 =	simm.s32 $_size__tile_overlayer_lowered;
	s6 =	simm.s32 $_tile_overlayer_lowered  }
0xa1: {  	s22 =	simm.s32 $0x1BFF;
	s21 =	sshll.u32 s6, $0x1;
	s3 =	sadd.s32 s19, s18  }
0xa2: {  	s7 =	simm.s32 $0x0;
	s20 =	sshll.u32 s5, $0x1;
	s5 =	sadd.s32 s21, s3  }
0xa3: {  	[timem:s7], [sflag:s22] =	dma.local [hbm:s5], s20  }
0xa4: {  	_ =	swait.ge [sflag:s22], s20  }
0xa5: {  	s4 =	ssub.s32 $0x0, s20;
	[sflag:s22] =	ssyncset.done $0x0  }
0xa6: {  	[sflag:s22] =	ssyncadd.s32 s4;
	_ =	sdelay $0x1  }
0xa7: {  	s23 =	simm.s32 $0x1B8B  }
0xa8: {  	_ =	swait.ge [sflag:s23], $0x1  }
0xa9: {  	[sflag:s23] =	ssyncset.done $0x0  }
0xaa: {  	s25 =	simm.s32 $0x1B8E;
	s24 =	sld [smem:$0x3FFE];
	[sflag:s23] =	ssyncadd.s32 $0xFFFFFFFF  }
0xab: {  	s26 =	simm.s32 $execute0_lowered;
	[smem:$0x3FD2] =	sst s25  }
0xac: {  	s5 =	sshll.u32 s26, $0x1;
	_ =	strace $0x80000046;
	[dreg:$0x1] =	wrdreg $0xFFFFFFFF  }
0xad: {  	s28 =	simm.s32 $_size_execute0_lowered;
	s3 =	sadd.s32 s3, s5;
	[dreg:$0x0] =	wrdreg $0x0  }
0xae: {  	s5 =	sshll.u32 s28, $0x1;
	[dreg:$0x2] =	wrdreg s3  }
0xaf: {  	[dreg:$0x3] =	wrdreg s5  }
0xb0: {  	[dreg:$0x4] =	wrdreg $0xC0  }
0xb1: {  	_ =	task [dreg:s7], $0x5FFFF  }
0xb2: {  	[dreg:$0x1] =	wrdreg $0xFFFFFFFF  }
0xb3: {  	[dreg:$0x0] =	wrdreg $0x60  }
0xb4: {  	[dreg:$0x2] =	wrdreg s16  }
0xb5: {  	[dreg:$0x3] =	wrdreg s24  }
0xb6: {  	[dreg:$0x4] =	wrdreg $0x9  }
0xb7: {  	_ =	task.clear_ibuf [dreg:s7], $0x5FFFF;
	_ =	strace $0x90000046  }
0xb8: {  	s29 =	simm.s32 $0x9;
	_ =	strace $0x80000048  }
0xb9: {  	_ =	swait.ge [sflag:s29], $0x1  }
0xba: {  	[sflag:s29] =	ssyncadd.s32 $0xFFFFFFFF  }
0xbb: {  	_ =	strace $0x90000048  }
0xbc: {  	_ =	sfence  }
0xbd: {  	s30 =	sld [smem:$0x0];
	_ =	sdelay $0x2  }
0xbe: {  	s31 =	sshll.u32 s1, $0xD;
	s1 =	sshrl.u32 s1, $0x2  }
0xbf: {  	s3 =	sand.u32 $0x4000, s31;
	s1 =	sadd.s32 s1, s30  }
0xc0: {  	s0 =	sor.u32 s3, s0;
	s1 =	sshll.u32 s1, $0x11  }
0xc1: {  	s0 =	sor.u32 s1, s0  }
0xc2: {  	s0 =	sadd.s32 $0x8F2B, s0  }
0xc3: {  	[sflag:s0] =	ssyncadd.remote.s32 $0x1  }
0xc4: {  	_ =	sfence.sel $0xFFFF  }
0xc5: {  	[dreg:$0x0] =	wrdreg $0xFFFFFFFF;
	(pc) =	sbr.abs _section_cstart, $3  }
0xc6: {  	[dreg:$0x1] =	wrdreg $0xFFFFFFFF  }
0xc7: {  	_ =	task.clear_ibuf [dreg:s7], $0x2FFFF;
	_ =	strace $0x9FFFFFFF  }
0xc8: {  	(tm) =	ssettm $0x7FFFFFFF  }
0xc9: {  	_ =	shalt  }
tec
execute0_lowered:
.L_overlay_start_1:
0x0: {  	(tag) =	ssettag $0x1  }
0x1: {  	s0 =	srdreg.scid;
	s1 =	stileid.u32  }
0x2: {  	s0 =	sand.u32 $0x1, s0;
	s1 =	sshll.u32 s1, $0x1  }
0x3: {  	s2 =	rddreg [dreg:$0x0];
	s3 =	simm.s32 $0x0;
	s1 =	sor.u32 s0, s1  }
0x4: {  	s28 =	simm.s32 $0x180;
	s30 =	simm.s32 $0x6480;
	s4 =	smul.u32 $0x6, s1  }
0x5: {  	s29 =	simm.s32 $0x1E0;
	s31 =	simm.s32 $0x7C80;
	p0 =	por $0x0, $0x0  }
0x6: {  	[smem:$0x7FF] =	sst s3;
	s0 =	ssub.s32 $0x2, s0;
	s5 =	sshrl.u32 s4, $0x4  }
0x7: {  	s1 =	rddreg [dreg:$0x1];
	s6 =	sand.u32 $0xE, s4;
	s7 =	smul.u32 $0x2400, s5  }
0x8: {  	_ =	strace $0x80000047;
	s15 =	sadd.s32 $0x2, s4;
	s8 =	smul.u32 $0x240, s6  }
0x9: {  	s19 =	sadd.s32 $0x3, s4;
	s9 =	sor.u32 $0x1, s6;
	s6 =	smul.u32 $0x6C000, s6  }
0xa: {  	s25 =	sadd.s32 $0x4, s4;
	s16 =	sshrl.u32 s15, $0x4;
	s10 =	smul.u32 $0x240, s9  }
0xb: {  	s4 =	sadd.s32 $0x5, s4;
	s11 =	sshll.u32 s5, $0x6;
	s12 =	smul.u32 $0x2400, s16  }
0xc: {  	s5 =	sadd.s32 $0x4800, s1;
	s20 =	sshrl.u32 s19, $0x4;
	s9 =	smul.u32 $0x6C000, s9  }
0xd: {  	s26 =	sshrl.u32 s25, $0x4;
	s21 =	smul.u32 $0x2400, s20;
	s8 =	sadd.s32 s8, s7  }
0xe: {  	s6 =	sor.u32 s11, s6;
	s8 =	sshrl.u32 s8, $0x3;
	s7 =	sadd.s32 s7, s10  }
0xf: {  	s6 =	sshrl.u32 s6, $0x3;
	s9 =	sor.u32 s11, s9;
	s10 =	sshll.u32 s16, $0x6  }
0x10: {  	s11 =	simm.s32 $0x240;
	s8 =	sadd.s32 s1, s8;
	s7 =	sshrl.u32 s7, $0x3  }
0x11: {  	s6 =	sadd.s32 s5, s6;
	[dreg:$0x3] =	wrdreg s8;
	s8 =	sand.u32 $0xE, s15  }
0x12: {  	s9 =	sshrl.u32 s9, $0x3;
	s7 =	sadd.s32 s1, s7;
	s13 =	smul.u32 $0x240, s8  }
0x13: {  	s22 =	sadd.s32 s5, s9;
	s9 =	sand.u32 $0xE, s25;
	s8 =	smul.u32 $0x6C000, s8  }
0x14: {  	[dreg:$0x4] =	wrdreg s7;
	s7 =	sand.u32 $0xF, s19;
	s14 =	smul.u32 $0x240, s9  }
0x15: {  	[dreg:$0x7] =	wrdreg s22;
	s22 =	sshrl.u32 s0, $0x1;
	s23 =	smul.u32 $0x240, s7  }
0x16: {  	[dreg:$0x5] =	wrdreg s6;
	s7 =	smul.u32 $0x6C000, s7;
	s0 =	ssub.s32 s0, s22  }
0x17: {  	s22 =	simm.s32 $0x1C80;
	s17 =	sadd.s32 s13, s12;
	s8 =	sadd.s32 s10, s8  }
0x18: {  	s13 =	smul.u32 $0x2400, s26;
	s0 =	smax.u32 s0, $0x1;
	s10 =	simm.s32 $0x480  }
0x19: {  	s12 =	simm.s32 $0x2A0;
	s18 =	sshrl.u32 s17, $0x3;
	s24 =	sadd.s32 s23, s21  }
0x1a: {  	s8 =	sshrl.u32 s8, $0x3;
	s17 =	sshll.u32 s20, $0x6;
	s23 =	smul.u32 $0x6C000, s9  }
0x1b: {  	p1 =	sne.s32 s0, $0x1;
	s9 =	simm.s32 $0x2;
	s6 =	sadd.s32 s1, s18  }
0x1c: {  	s15 =	sadd.s32 s5, s8;
	s16 =	sadd.s32 s14, s13;
	s7 =	sadd.s32 s17, s7  }
0x1d: {  	s18 =	sshrl.u32 s4, $0x4;
	s4 =	sand.u32 $0xF, s4;
	s13 =	simm.s32 $0xAC80  }
0x1e: {  	s14 =	simm.s32 $0xC480;
	s17 =	simm.s32 $0x3C0;
	[dreg:$0x6] =	wrdreg s6  }
0x1f: {  	s6 =	sshrl.u32 s24, $0x3;
	[dreg:$0x9] =	wrdreg s15;
	s19 =	smul.u32 $0x2400, s18  }
0x20: {  	s7 =	sshrl.u32 s7, $0x3;
	s21 =	smul.u32 $0x240, s4;
	s24 =	sshll.u32 s26, $0x6  }
0x21: {  	s4 =	smul.u32 $0x6C000, s4;
	s8 =	sshll.u32 s18, $0x6;
	s6 =	sadd.s32 s1, s6  }
0x22: {  	s15 =	simm.s32 $0x360;
	s20 =	sadd.s32 s5, s7;
	[dreg:$0x8] =	wrdreg s6  }
0x23: {  	s18 =	simm.s32 $0xF480;
	s6 =	sshrl.u32 s16, $0x3;
	[dreg:$0xb] =	wrdreg s20  }
0x24: {  	s7 =	sadd.s32 s21, s19;
	s4 =	sadd.s32 s8, s4;
	s21 =	simm.s32 $0x3  }
0x25: {  	s8 =	simm.s32 $0x60;
	s16 =	simm.s32 $0xDC80;
	s19 =	simm.s32 $0x420  }
0x26: {  	s20 =	simm.s32 $0x10C80;
	s6 =	sadd.s32 s1, s6;
	s7 =	sshrl.u32 s7, $0x3  }
0x27: {  	s4 =	sshrl.u32 s4, $0x3;
	[dreg:$0xa] =	wrdreg s6;
	s6 =	sadd.s32 s24, s23  }
0x28: {  	s1 =	sadd.s32 s1, s7;
	s26 =	sadd.s32 s5, s4;
	s23 =	simm.s32 $0xC0  }
.Ltmp0:
0x29: {  	s24 =	simm.s32 $0x3480;
	s4 =	simm.s32 $0x1;
	(pc) =	sbr.rel @!p1 .LBB2_3-.Ltmp0, $4  }
0x2a: {  	s7 =	simm.s32 $0x9480;
	s6 =	sshrl.u32 s6, $0x3;
	[dreg:$0xc] =	wrdreg s1  }
0x2b: {  	[dreg:$0xe] =	wrdreg s26;
	s26 =	simm.s32 $0x4C80;
	s1 =	sadd.s32 $0xFFFFFFFF, s0  }
0x2c: {  	s0 =	rddreg [dreg:$0x3];
	s25 =	sadd.s32 s5, s6;
	s5 =	simm.s32 $0x40  }
0x2d: {  	s6 =	simm.s32 $0x300;
	[dreg:$0xd] =	wrdreg s25;
	s25 =	simm.s32 $0x120  }
0x2e: {  	[tilespmem:s3], [sflag:$0x3] =	stream.linear.gather [hbm4b:s0+s3], $0x240, $0x38;
	[tilespmem:$0x12480] =	vst v63  }
0x2f: {  	_ =	swait.ge [sflag:s21], $0x240  }
0x30: {  	[sflag:s21] =	ssyncset.done $0x0  }
0x31: {  	[sflag:s21] =	ssyncadd.s32 $0xFFFFFDC0  }
0x32: {  	[tilespmem:s10], [sflag:$0x1] =	stream.indirect.gather [hbm4b:s2+s8], $0x40, s3, s8, $0xb8;
	[tilespmem:$0x12480] =	vst v63  }
0x33: {  	_ = 	snop  }
0x34: {  	[tilespmem:s22], [sflag:$0x1] =	stream.indirect.gather [hbm4b:s2+s8], $0x40, s8, s8, $0xb8;
	[tilespmem:$0x12480] =	vst v63  }
0x35: {  	_ = 	snop  }
0x36: {  	[tilespmem:s24], [sflag:$0x1] =	stream.indirect.gather [hbm4b:s2+s8], $0x40, s23, s8, $0xb8;
	[tilespmem:$0x12480] =	vst v63  }
0x37: {  	_ = 	snop  }
0x38: {  	[tilespmem:s26], [sflag:$0x1] =	stream.indirect.gather [hbm4b:s2+s8], $0x40, s25, s8, $0xb8;
	[tilespmem:$0x12480] =	vst v63  }
0x39: {  	_ = 	snop  }
0x3a: {  	[tilespmem:s30], [sflag:$0x1] =	stream.indirect.gather [hbm4b:s2+s8], $0x40, s28, s8, $0xb8;
	[tilespmem:$0x12480] =	vst v63  }
0x3b: {  	_ = 	snop  }
0x3c: {  	[tilespmem:s31], [sflag:$0x1] =	stream.indirect.gather [hbm4b:s2+s8], $0x40, s29, s8, $0xb8;
	[tilespmem:$0x12480] =	vst v63  }
0x3d: {  	s0 =	rddreg [dreg:$0x4]  }
0x3e: {  	[tilespmem:s11], [sflag:$0x3] =	stream.linear.gather [hbm4b:s0+s3], $0x240, $0x38;
	[tilespmem:$0x12480] =	vst v63  }
0x3f: {  	_ =	swait.ge [sflag:s21], $0x240  }
0x40: {  	[sflag:s21] =	ssyncset.done $0x0  }
0x41: {  	[sflag:s21] =	ssyncadd.s32 $0xFFFFFDC0  }
0x42: {  	_ =	swait.ge [sflag:s4], $0x1800  }
0x43: {  	[sflag:s4] =	ssyncset.done $0x0  }
0x44: {  	[sflag:s4] =	ssyncadd.s32 $0xFFFFE800  }
0x45: {  	_ =	swait.ge [sflag:s4], $0x1800  }
0x46: {  	[sflag:s4] =	ssyncset.done $0x0  }
0x47: {  	[sflag:s4] =	ssyncadd.s32 $0xFFFFE800  }
0x48: {  	_ =	swait.ge [sflag:s4], $0x1800  }
0x49: {  	[sflag:s4] =	ssyncset.done $0x0  }
0x4a: {  	[sflag:s4] =	ssyncadd.s32 $0xFFFFE800  }
0x4b: {  	_ =	swait.ge [sflag:s4], $0x1800  }
0x4c: {  	[sflag:s4] =	ssyncset.done $0x0  }
0x4d: {  	[sflag:s4] =	ssyncadd.s32 $0xFFFFE800  }
0x4e: {  	_ =	swait.ge [sflag:s4], $0x1800  }
0x4f: {  	[sflag:s4] =	ssyncset.done $0x0  }
0x50: {  	[sflag:s4] =	ssyncadd.s32 $0xFFFFE800  }
0x51: {  	_ =	swait.ge [sflag:s4], $0x1800  }
0x52: {  	[sflag:s4] =	ssyncset.done $0x0  }
0x53: {  	s0 =	rddreg [dreg:$0x5];
	[sflag:s4] =	ssyncadd.s32 $0xFFFFE800  }
0x54: {  	[hbm4b:s0+s5] =	stream.strided.scatter [tilespmem:s10], [sflag:$0x2], $0x9000, s6, s5, $0x38;
	[tilespmem:$0x12480] =	vst v63  }
0x55: {  	_ = 	snop  }
0x56: {  	[tilespmem:s7], [sflag:$0x1] =	stream.indirect.gather [hbm4b:s2+s8], $0x40, s11, s8, $0xb8;
	[tilespmem:$0x12480] =	vst v63  }
0x57: {  	_ = 	snop  }
0x58: {  	[tilespmem:s13], [sflag:$0x1] =	stream.indirect.gather [hbm4b:s2+s8], $0x40, s12, s8, $0xb8;
	[tilespmem:$0x12480] =	vst v63  }
0x59: {  	_ = 	snop  }
0x5a: {  	[tilespmem:s14], [sflag:$0x1] =	stream.indirect.gather [hbm4b:s2+s8], $0x40, s6, s8, $0xb8;
	[tilespmem:$0x12480] =	vst v63  }
0x5b: {  	_ = 	snop  }
0x5c: {  	[tilespmem:s16], [sflag:$0x1] =	stream.indirect.gather [hbm4b:s2+s8], $0x40, s15, s8, $0xb8;
	[tilespmem:$0x12480] =	vst v63  }
0x5d: {  	_ = 	snop  }
0x5e: {  	[tilespmem:s18], [sflag:$0x1] =	stream.indirect.gather [hbm4b:s2+s8], $0x40, s17, s8, $0xb8;
	[tilespmem:$0x12480] =	vst v63  }
0x5f: {  	_ = 	snop  }
0x60: {  	[tilespmem:s20], [sflag:$0x1] =	stream.indirect.gather [hbm4b:s2+s8], $0x40, s19, s8, $0xb8;
	[tilespmem:$0x12480] =	vst v63  }
0x61: {  	s0 =	rddreg [dreg:$0x6]  }
0x62: {  	[tilespmem:s3], [sflag:$0x3] =	stream.linear.gather [hbm4b:s0+s3], $0x240, $0x38;
	[tilespmem:$0x12480] =	vst v63  }
0x63: {  	_ =	swait.ge [sflag:s21], $0x240  }
0x64: {  	[sflag:s21] =	ssyncset.done $0x0  }
0x65: {  	[sflag:s21] =	ssyncadd.s32 $0xFFFFFDC0  }
0x66: {  	_ =	swait.ge [sflag:s4], $0x1800  }
0x67: {  	[sflag:s4] =	ssyncset.done $0x0  }
0x68: {  	[sflag:s4] =	ssyncadd.s32 $0xFFFFE800  }
0x69: {  	_ =	swait.ge [sflag:s4], $0x1800  }
0x6a: {  	[sflag:s4] =	ssyncset.done $0x0  }
0x6b: {  	[sflag:s4] =	ssyncadd.s32 $0xFFFFE800  }
0x6c: {  	_ =	swait.ge [sflag:s4], $0x1800  }
0x6d: {  	[sflag:s4] =	ssyncset.done $0x0  }
0x6e: {  	[sflag:s4] =	ssyncadd.s32 $0xFFFFE800  }
0x6f: {  	_ =	swait.ge [sflag:s4], $0x1800  }
0x70: {  	[sflag:s4] =	ssyncset.done $0x0  }
0x71: {  	[sflag:s4] =	ssyncadd.s32 $0xFFFFE800  }
0x72: {  	_ =	swait.ge [sflag:s4], $0x1800  }
0x73: {  	[sflag:s4] =	ssyncset.done $0x0  }
0x74: {  	[sflag:s4] =	ssyncadd.s32 $0xFFFFE800  }
0x75: {  	_ =	swait.ge [sflag:s4], $0x1800  }
0x76: {  	[sflag:s4] =	ssyncset.done $0x0  }
0x77: {  	s0 =	rddreg [dreg:$0x7];
	[sflag:s4] =	ssyncadd.s32 $0xFFFFE800  }
0x78: {  	[hbm4b:s0+s5] =	stream.strided.scatter [tilespmem:s7], [sflag:$0x2], $0x9000, s6, s5, $0x38;
	[tilespmem:$0x12480] =	vst v63  }
0x79: {  	_ =	swait.ge [sflag:s9], $0x9000  }
0x7a: {  	[sflag:s9] =	ssyncset.done $0x0  }
0x7b: {  	[sflag:s9] =	ssyncadd.s32 $0xFFFF7000  }
0x7c: {  	[tilespmem:s10], [sflag:$0x1] =	stream.indirect.gather [hbm4b:s2+s8], $0x40, s3, s8, $0xb8;
	[tilespmem:$0x12480] =	vst v63  }
0x7d: {  	_ = 	snop  }
0x7e: {  	[tilespmem:s22], [sflag:$0x1] =	stream.indirect.gather [hbm4b:s2+s8], $0x40, s8, s8, $0xb8;
	[tilespmem:$0x12480] =	vst v63  }
0x7f: {  	_ = 	snop  }
0x80: {  	[tilespmem:s24], [sflag:$0x1] =	stream.indirect.gather [hbm4b:s2+s8], $0x40, s23, s8, $0xb8;
	[tilespmem:$0x12480] =	vst v63  }
0x81: {  	_ = 	snop  }
0x82: {  	[tilespmem:s26], [sflag:$0x1] =	stream.indirect.gather [hbm4b:s2+s8], $0x40, s25, s8, $0xb8;
	[tilespmem:$0x12480] =	vst v63  }
0x83: {  	_ = 	snop  }
0x84: {  	[tilespmem:s30], [sflag:$0x1] =	stream.indirect.gather [hbm4b:s2+s8], $0x40, s28, s8, $0xb8;
	[tilespmem:$0x12480] =	vst v63  }
0x85: {  	_ = 	snop  }
0x86: {  	[tilespmem:s31], [sflag:$0x1] =	stream.indirect.gather [hbm4b:s2+s8], $0x40, s29, s8, $0xb8;
	[tilespmem:$0x12480] =	vst v63  }
0x87: {  	s0 =	rddreg [dreg:$0x8]  }
0x88: {  	[tilespmem:s11], [sflag:$0x3] =	stream.linear.gather [hbm4b:s0+s3], $0x240, $0x38;
	[tilespmem:$0x12480] =	vst v63  }
0x89: {  	_ =	swait.ge [sflag:s21], $0x240  }
0x8a: {  	[sflag:s21] =	ssyncset.done $0x0  }
0x8b: {  	[sflag:s21] =	ssyncadd.s32 $0xFFFFFDC0  }
0x8c: {  	_ =	swait.ge [sflag:s4], $0x1800  }
0x8d: {  	[sflag:s4] =	ssyncset.done $0x0  }
0x8e: {  	[sflag:s4] =	ssyncadd.s32 $0xFFFFE800  }
0x8f: {  	_ =	swait.ge [sflag:s4], $0x1800  }
0x90: {  	[sflag:s4] =	ssyncset.done $0x0  }
0x91: {  	[sflag:s4] =	ssyncadd.s32 $0xFFFFE800  }
0x92: {  	_ =	swait.ge [sflag:s4], $0x1800  }
0x93: {  	[sflag:s4] =	ssyncset.done $0x0  }
0x94: {  	[sflag:s4] =	ssyncadd.s32 $0xFFFFE800  }
0x95: {  	_ =	swait.ge [sflag:s4], $0x1800  }
0x96: {  	[sflag:s4] =	ssyncset.done $0x0  }
0x97: {  	[sflag:s4] =	ssyncadd.s32 $0xFFFFE800  }
0x98: {  	_ =	swait.ge [sflag:s4], $0x1800  }
0x99: {  	[sflag:s4] =	ssyncset.done $0x0  }
0x9a: {  	[sflag:s4] =	ssyncadd.s32 $0xFFFFE800  }
0x9b: {  	_ =	swait.ge [sflag:s4], $0x1800  }
0x9c: {  	[sflag:s4] =	ssyncset.done $0x0  }
0x9d: {  	s0 =	rddreg [dreg:$0x9];
	[sflag:s4] =	ssyncadd.s32 $0xFFFFE800  }
0x9e: {  	[hbm4b:s0+s5] =	stream.strided.scatter [tilespmem:s10], [sflag:$0x2], $0x9000, s6, s5, $0x38;
	[tilespmem:$0x12480] =	vst v63  }
0x9f: {  	_ =	swait.ge [sflag:s9], $0x9000  }
0xa0: {  	[sflag:s9] =	ssyncset.done $0x0  }
0xa1: {  	[sflag:s9] =	ssyncadd.s32 $0xFFFF7000  }
0xa2: {  	[tilespmem:s7], [sflag:$0x1] =	stream.indirect.gather [hbm4b:s2+s8], $0x40, s11, s8, $0xb8;
	[tilespmem:$0x12480] =	vst v63  }
0xa3: {  	_ = 	snop  }
0xa4: {  	[tilespmem:s13], [sflag:$0x1] =	stream.indirect.gather [hbm4b:s2+s8], $0x40, s12, s8, $0xb8;
	[tilespmem:$0x12480] =	vst v63  }
0xa5: {  	_ = 	snop  }
0xa6: {  	[tilespmem:s14], [sflag:$0x1] =	stream.indirect.gather [hbm4b:s2+s8], $0x40, s6, s8, $0xb8;
	[tilespmem:$0x12480] =	vst v63  }
0xa7: {  	_ = 	snop  }
0xa8: {  	[tilespmem:s16], [sflag:$0x1] =	stream.indirect.gather [hbm4b:s2+s8], $0x40, s15, s8, $0xb8;
	[tilespmem:$0x12480] =	vst v63  }
0xa9: {  	_ = 	snop  }
0xaa: {  	[tilespmem:s18], [sflag:$0x1] =	stream.indirect.gather [hbm4b:s2+s8], $0x40, s17, s8, $0xb8;
	[tilespmem:$0x12480] =	vst v63  }
0xab: {  	_ = 	snop  }
0xac: {  	[tilespmem:s20], [sflag:$0x1] =	stream.indirect.gather [hbm4b:s2+s8], $0x40, s19, s8, $0xb8;
	[tilespmem:$0x12480] =	vst v63  }
0xad: {  	s0 =	rddreg [dreg:$0xa]  }
0xae: {  	[tilespmem:s3], [sflag:$0x3] =	stream.linear.gather [hbm4b:s0+s3], $0x240, $0x38;
	[tilespmem:$0x12480] =	vst v63  }
0xaf: {  	_ =	swait.ge [sflag:s21], $0x240  }
0xb0: {  	[sflag:s21] =	ssyncset.done $0x0  }
0xb1: {  	[sflag:s21] =	ssyncadd.s32 $0xFFFFFDC0  }
0xb2: {  	_ =	swait.ge [sflag:s4], $0x1800  }
0xb3: {  	[sflag:s4] =	ssyncset.done $0x0  }
0xb4: {  	[sflag:s4] =	ssyncadd.s32 $0xFFFFE800  }
0xb5: {  	_ =	swait.ge [sflag:s4], $0x1800  }
0xb6: {  	[sflag:s4] =	ssyncset.done $0x0  }
0xb7: {  	[sflag:s4] =	ssyncadd.s32 $0xFFFFE800  }
0xb8: {  	_ =	swait.ge [sflag:s4], $0x1800  }
0xb9: {  	[sflag:s4] =	ssyncset.done $0x0  }
0xba: {  	[sflag:s4] =	ssyncadd.s32 $0xFFFFE800  }
0xbb: {  	_ =	swait.ge [sflag:s4], $0x1800  }
0xbc: {  	[sflag:s4] =	ssyncset.done $0x0  }
0xbd: {  	[sflag:s4] =	ssyncadd.s32 $0xFFFFE800  }
0xbe: {  	_ =	swait.ge [sflag:s4], $0x1800  }
0xbf: {  	[sflag:s4] =	ssyncset.done $0x0  }
0xc0: {  	[sflag:s4] =	ssyncadd.s32 $0xFFFFE800  }
0xc1: {  	_ =	swait.ge [sflag:s4], $0x1800  }
0xc2: {  	[sflag:s4] =	ssyncset.done $0x0  }
0xc3: {  	s0 =	rddreg [dreg:$0xb];
	[sflag:s4] =	ssyncadd.s32 $0xFFFFE800  }
0xc4: {  	[hbm4b:s0+s5] =	stream.strided.scatter [tilespmem:s7], [sflag:$0x2], $0x9000, s6, s5, $0x38;
	[tilespmem:$0x12480] =	vst v63  }
0xc5: {  	_ =	swait.ge [sflag:s9], $0x9000  }
0xc6: {  	[sflag:s9] =	ssyncset.done $0x0  }
0xc7: {  	[sflag:s9] =	ssyncadd.s32 $0xFFFF7000  }
0xc8: {  	[tilespmem:s10], [sflag:$0x1] =	stream.indirect.gather [hbm4b:s2+s8], $0x40, s3, s8, $0xb8;
	[tilespmem:$0x12480] =	vst v63  }
0xc9: {  	_ = 	snop  }
0xca: {  	[tilespmem:s22], [sflag:$0x1] =	stream.indirect.gather [hbm4b:s2+s8], $0x40, s8, s8, $0xb8;
	[tilespmem:$0x12480] =	vst v63  }
0xcb: {  	_ = 	snop  }
0xcc: {  	[tilespmem:s24], [sflag:$0x1] =	stream.indirect.gather [hbm4b:s2+s8], $0x40, s23, s8, $0xb8;
	[tilespmem:$0x12480] =	vst v63  }
0xcd: {  	_ = 	snop  }
0xce: {  	[tilespmem:s26], [sflag:$0x1] =	stream.indirect.gather [hbm4b:s2+s8], $0x40, s25, s8, $0xb8;
	[tilespmem:$0x12480] =	vst v63  }
0xcf: {  	_ = 	snop  }
0xd0: {  	[tilespmem:s30], [sflag:$0x1] =	stream.indirect.gather [hbm4b:s2+s8], $0x40, s28, s8, $0xb8;
	[tilespmem:$0x12480] =	vst v63  }
0xd1: {  	_ = 	snop  }
0xd2: {  	[tilespmem:s31], [sflag:$0x1] =	stream.indirect.gather [hbm4b:s2+s8], $0x40, s29, s8, $0xb8;
	[tilespmem:$0x12480] =	vst v63  }
0xd3: {  	s0 =	rddreg [dreg:$0xc]  }
0xd4: {  	[tilespmem:s11], [sflag:$0x3] =	stream.linear.gather [hbm4b:s0+s3], $0x240, $0x38;
	[tilespmem:$0x12480] =	vst v63  }
0xd5: {  	_ =	swait.ge [sflag:s21], $0x240  }
0xd6: {  	[sflag:s21] =	ssyncset.done $0x0  }
0xd7: {  	[sflag:s21] =	ssyncadd.s32 $0xFFFFFDC0  }
0xd8: {  	_ =	swait.ge [sflag:s4], $0x1800  }
0xd9: {  	[sflag:s4] =	ssyncset.done $0x0  }
0xda: {  	[sflag:s4] =	ssyncadd.s32 $0xFFFFE800  }
0xdb: {  	_ =	swait.ge [sflag:s4], $0x1800  }
0xdc: {  	[sflag:s4] =	ssyncset.done $0x0  }
0xdd: {  	[sflag:s4] =	ssyncadd.s32 $0xFFFFE800  }
0xde: {  	_ =	swait.ge [sflag:s4], $0x1800  }
0xdf: {  	[sflag:s4] =	ssyncset.done $0x0  }
0xe0: {  	[sflag:s4] =	ssyncadd.s32 $0xFFFFE800  }
0xe1: {  	_ =	swait.ge [sflag:s4], $0x1800  }
0xe2: {  	[sflag:s4] =	ssyncset.done $0x0  }
0xe3: {  	[sflag:s4] =	ssyncadd.s32 $0xFFFFE800  }
0xe4: {  	_ =	swait.ge [sflag:s4], $0x1800  }
0xe5: {  	[sflag:s4] =	ssyncset.done $0x0  }
0xe6: {  	[sflag:s4] =	ssyncadd.s32 $0xFFFFE800  }
0xe7: {  	_ =	swait.ge [sflag:s4], $0x1800  }
0xe8: {  	[sflag:s4] =	ssyncset.done $0x0  }
0xe9: {  	s0 =	rddreg [dreg:$0xd];
	[sflag:s4] =	ssyncadd.s32 $0xFFFFE800  }
0xea: {  	[hbm4b:s0+s5] =	stream.strided.scatter [tilespmem:s10], [sflag:$0x2], $0x9000, s6, s5, $0x38;
	[tilespmem:$0x12480] =	vst v63  }
0xeb: {  	_ =	swait.ge [sflag:s9], $0x9000  }
0xec: {  	[sflag:s9] =	ssyncset.done $0x0  }
0xed: {  	[sflag:s9] =	ssyncadd.s32 $0xFFFF7000  }
0xee: {  	[tilespmem:s7], [sflag:$0x1] =	stream.indirect.gather [hbm4b:s2+s8], $0x40, s11, s8, $0xb8;
	[tilespmem:$0x12480] =	vst v63  }
0xef: {  	_ = 	snop  }
0xf0: {  	[tilespmem:s13], [sflag:$0x1] =	stream.indirect.gather [hbm4b:s2+s8], $0x40, s12, s8, $0xb8;
	[tilespmem:$0x12480] =	vst v63  }
0xf1: {  	_ = 	snop  }
0xf2: {  	[tilespmem:s14], [sflag:$0x1] =	stream.indirect.gather [hbm4b:s2+s8], $0x40, s6, s8, $0xb8;
	[tilespmem:$0x12480] =	vst v63  }
0xf3: {  	_ = 	snop  }
0xf4: {  	[tilespmem:s16], [sflag:$0x1] =	stream.indirect.gather [hbm4b:s2+s8], $0x40, s15, s8, $0xb8;
	[tilespmem:$0x12480] =	vst v63  }
0xf5: {  	_ = 	snop  }
0xf6: {  	[tilespmem:s18], [sflag:$0x1] =	stream.indirect.gather [hbm4b:s2+s8], $0x40, s17, s8, $0xb8;
	[tilespmem:$0x12480] =	vst v63  }
0xf7: {  	_ = 	snop  }
0xf8: {  	[tilespmem:s20], [sflag:$0x1] =	stream.indirect.gather [hbm4b:s2+s8], $0x40, s19, s8, $0xb8;
	[tilespmem:$0x12480] =	vst v63  }
0xf9: {  	_ =	swait.ge [sflag:s4], $0x1800  }
0xfa: {  	[sflag:s4] =	ssyncset.done $0x0  }
0xfb: {  	[sflag:s4] =	ssyncadd.s32 $0xFFFFE800  }
0xfc: {  	_ =	swait.ge [sflag:s4], $0x1800  }
0xfd: {  	[sflag:s4] =	ssyncset.done $0x0  }
0xfe: {  	[sflag:s4] =	ssyncadd.s32 $0xFFFFE800  }
0xff: {  	_ =	swait.ge [sflag:s4], $0x1800  }
0x100: {  	[sflag:s4] =	ssyncset.done $0x0  }
0x101: {  	[sflag:s4] =	ssyncadd.s32 $0xFFFFE800  }
0x102: {  	_ =	swait.ge [sflag:s4], $0x1800  }
0x103: {  	[sflag:s4] =	ssyncset.done $0x0  }
0x104: {  	[sflag:s4] =	ssyncadd.s32 $0xFFFFE800  }
0x105: {  	_ =	swait.ge [sflag:s4], $0x1800  }
0x106: {  	[sflag:s4] =	ssyncset.done $0x0  }
0x107: {  	[sflag:s4] =	ssyncadd.s32 $0xFFFFE800  }
0x108: {  	_ =	swait.ge [sflag:s4], $0x1800  }
0x109: {  	[sflag:s4] =	ssyncset.done $0x0  }
0x10a: {  	p1 =	sne.s32 s1, $0x1;
	s0 =	rddreg [dreg:$0xe];
	[sflag:s4] =	ssyncadd.s32 $0xFFFFE800  }
0x10b: {  	[hbm4b:s0+s5] =	stream.strided.scatter [tilespmem:s7], [sflag:$0x2], $0x9000, s6, s5, $0x38;
	[tilespmem:$0x12480] =	vst v63  }
.Ltmp1:
0x10c: {  	_ =	swait.ge [sflag:s9], $0x9000;
	(pc) =	sbr.rel @!p1 .LBB2_3-.Ltmp1, $4  }
0x10d: {  	[sflag:s9] =	ssyncset.done $0x0  }
0x10e: {  	[sflag:s9] =	ssyncadd.s32 $0xFFFF7000  }
0x10f: {  	s1 =	sadd.s32 $0xFFFFFFFF, s1;
	_ =	swait.ge [sflag:s9], $0x9000  }
0x110: {  	p0 =	por $0x1, $0x1;
	s0 =	rddreg [dreg:$0x3];
	[sflag:s9] =	ssyncset.done $0x0  }
.LBB2_2:
0x111: {  	[sflag:s9] =	ssyncadd.s32 $0xFFFF7000  }
0x112: {  	[tilespmem:s3], [sflag:$0x3] =	stream.linear.gather [hbm4b:s0+s3], $0x240, $0x38;
	[tilespmem:$0x12480] =	vst v63  }
0x113: {  	_ =	swait.ge [sflag:s21], $0x240  }
0x114: {  	[sflag:s21] =	ssyncset.done $0x0  }
0x115: {  	[sflag:s21] =	ssyncadd.s32 $0xFFFFFDC0  }
0x116: {  	[tilespmem:s10], [sflag:$0x1] =	stream.indirect.gather [hbm4b:s2+s8], $0x40, s3, s8, $0xb8;
	[tilespmem:$0x12480] =	vst v63  }
0x117: {  	_ = 	snop  }
0x118: {  	[tilespmem:s22], [sflag:$0x1] =	stream.indirect.gather [hbm4b:s2+s8], $0x40, s8, s8, $0xb8;
	[tilespmem:$0x12480] =	vst v63  }
0x119: {  	_ = 	snop  }
0x11a: {  	[tilespmem:s24], [sflag:$0x1] =	stream.indirect.gather [hbm4b:s2+s8], $0x40, s23, s8, $0xb8;
	[tilespmem:$0x12480] =	vst v63  }
0x11b: {  	_ = 	snop  }
0x11c: {  	[tilespmem:s26], [sflag:$0x1] =	stream.indirect.gather [hbm4b:s2+s8], $0x40, s25, s8, $0xb8;
	[tilespmem:$0x12480] =	vst v63  }
0x11d: {  	_ = 	snop  }
0x11e: {  	[tilespmem:s30], [sflag:$0x1] =	stream.indirect.gather [hbm4b:s2+s8], $0x40, s28, s8, $0xb8;
	[tilespmem:$0x12480] =	vst v63  }
0x11f: {  	_ = 	snop  }
0x120: {  	[tilespmem:s31], [sflag:$0x1] =	stream.indirect.gather [hbm4b:s2+s8], $0x40, s29, s8, $0xb8;
	[tilespmem:$0x12480] =	vst v63  }
0x121: {  	s0 =	rddreg [dreg:$0x4]  }
0x122: {  	[tilespmem:s11], [sflag:$0x3] =	stream.linear.gather [hbm4b:s0+s3], $0x240, $0x38;
	[tilespmem:$0x12480] =	vst v63  }
0x123: {  	_ =	swait.ge [sflag:s21], $0x240  }
0x124: {  	[sflag:s21] =	ssyncset.done $0x0  }
0x125: {  	[sflag:s21] =	ssyncadd.s32 $0xFFFFFDC0  }
0x126: {  	_ =	swait.ge [sflag:s4], $0x1800  }
0x127: {  	[sflag:s4] =	ssyncset.done $0x0  }
0x128: {  	[sflag:s4] =	ssyncadd.s32 $0xFFFFE800  }
0x129: {  	_ =	swait.ge [sflag:s4], $0x1800  }
0x12a: {  	[sflag:s4] =	ssyncset.done $0x0  }
0x12b: {  	[sflag:s4] =	ssyncadd.s32 $0xFFFFE800  }
0x12c: {  	_ =	swait.ge [sflag:s4], $0x1800  }
0x12d: {  	[sflag:s4] =	ssyncset.done $0x0  }
0x12e: {  	[sflag:s4] =	ssyncadd.s32 $0xFFFFE800  }
0x12f: {  	_ =	swait.ge [sflag:s4], $0x1800  }
0x130: {  	[sflag:s4] =	ssyncset.done $0x0  }
0x131: {  	[sflag:s4] =	ssyncadd.s32 $0xFFFFE800  }
0x132: {  	_ =	swait.ge [sflag:s4], $0x1800  }
0x133: {  	[sflag:s4] =	ssyncset.done $0x0  }
0x134: {  	[sflag:s4] =	ssyncadd.s32 $0xFFFFE800  }
0x135: {  	_ =	swait.ge [sflag:s4], $0x1800  }
0x136: {  	[sflag:s4] =	ssyncset.done $0x0  }
0x137: {  	s0 =	rddreg [dreg:$0x5];
	[sflag:s4] =	ssyncadd.s32 $0xFFFFE800  }
0x138: {  	[hbm4b:s0+s5] =	stream.strided.scatter [tilespmem:s10], [sflag:$0x2], $0x9000, s6, s5, $0x38;
	[tilespmem:$0x12480] =	vst v63  }
0x139: {  	_ = 	snop  }
0x13a: {  	[tilespmem:s7], [sflag:$0x1] =	stream.indirect.gather [hbm4b:s2+s8], $0x40, s11, s8, $0xb8;
	[tilespmem:$0x12480] =	vst v63  }
0x13b: {  	_ = 	snop  }
0x13c: {  	[tilespmem:s13], [sflag:$0x1] =	stream.indirect.gather [hbm4b:s2+s8], $0x40, s12, s8, $0xb8;
	[tilespmem:$0x12480] =	vst v63  }
0x13d: {  	_ = 	snop  }
0x13e: {  	[tilespmem:s14], [sflag:$0x1] =	stream.indirect.gather [hbm4b:s2+s8], $0x40, s6, s8, $0xb8;
	[tilespmem:$0x12480] =	vst v63  }
0x13f: {  	_ = 	snop  }
0x140: {  	[tilespmem:s16], [sflag:$0x1] =	stream.indirect.gather [hbm4b:s2+s8], $0x40, s15, s8, $0xb8;
	[tilespmem:$0x12480] =	vst v63  }
0x141: {  	_ = 	snop  }
0x142: {  	[tilespmem:s18], [sflag:$0x1] =	stream.indirect.gather [hbm4b:s2+s8], $0x40, s17, s8, $0xb8;
	[tilespmem:$0x12480] =	vst v63  }
0x143: {  	_ = 	snop  }
0x144: {  	[tilespmem:s20], [sflag:$0x1] =	stream.indirect.gather [hbm4b:s2+s8], $0x40, s19, s8, $0xb8;
	[tilespmem:$0x12480] =	vst v63  }
0x145: {  	s0 =	rddreg [dreg:$0x6]  }
0x146: {  	[tilespmem:s3], [sflag:$0x3] =	stream.linear.gather [hbm4b:s0+s3], $0x240, $0x38;
	[tilespmem:$0x12480] =	vst v63  }
0x147: {  	_ =	swait.ge [sflag:s21], $0x240  }
0x148: {  	[sflag:s21] =	ssyncset.done $0x0  }
0x149: {  	[sflag:s21] =	ssyncadd.s32 $0xFFFFFDC0  }
0x14a: {  	_ =	swait.ge [sflag:s4], $0x1800  }
0x14b: {  	[sflag:s4] =	ssyncset.done $0x0  }
0x14c: {  	[sflag:s4] =	ssyncadd.s32 $0xFFFFE800  }
0x14d: {  	_ =	swait.ge [sflag:s4], $0x1800  }
0x14e: {  	[sflag:s4] =	ssyncset.done $0x0  }
0x14f: {  	[sflag:s4] =	ssyncadd.s32 $0xFFFFE800  }
0x150: {  	_ =	swait.ge [sflag:s4], $0x1800  }
0x151: {  	[sflag:s4] =	ssyncset.done $0x0  }
0x152: {  	[sflag:s4] =	ssyncadd.s32 $0xFFFFE800  }
0x153: {  	_ =	swait.ge [sflag:s4], $0x1800  }
0x154: {  	[sflag:s4] =	ssyncset.done $0x0  }
0x155: {  	[sflag:s4] =	ssyncadd.s32 $0xFFFFE800  }
0x156: {  	_ =	swait.ge [sflag:s4], $0x1800  }
0x157: {  	[sflag:s4] =	ssyncset.done $0x0  }
0x158: {  	[sflag:s4] =	ssyncadd.s32 $0xFFFFE800  }
0x159: {  	_ =	swait.ge [sflag:s4], $0x1800  }
0x15a: {  	[sflag:s4] =	ssyncset.done $0x0  }
0x15b: {  	s0 =	rddreg [dreg:$0x7];
	[sflag:s4] =	ssyncadd.s32 $0xFFFFE800  }
0x15c: {  	[hbm4b:s0+s5] =	stream.strided.scatter [tilespmem:s7], [sflag:$0x2], $0x9000, s6, s5, $0x38;
	[tilespmem:$0x12480] =	vst v63  }
0x15d: {  	_ =	swait.ge [sflag:s9], $0x9000  }
0x15e: {  	[sflag:s9] =	ssyncset.done $0x0  }
0x15f: {  	[sflag:s9] =	ssyncadd.s32 $0xFFFF7000  }
0x160: {  	[tilespmem:s10], [sflag:$0x1] =	stream.indirect.gather [hbm4b:s2+s8], $0x40, s3, s8, $0xb8;
	[tilespmem:$0x12480] =	vst v63  }
0x161: {  	_ = 	snop  }
0x162: {  	[tilespmem:s22], [sflag:$0x1] =	stream.indirect.gather [hbm4b:s2+s8], $0x40, s8, s8, $0xb8;
	[tilespmem:$0x12480] =	vst v63  }
0x163: {  	_ = 	snop  }
0x164: {  	[tilespmem:s24], [sflag:$0x1] =	stream.indirect.gather [hbm4b:s2+s8], $0x40, s23, s8, $0xb8;
	[tilespmem:$0x12480] =	vst v63  }
0x165: {  	_ = 	snop  }
0x166: {  	[tilespmem:s26], [sflag:$0x1] =	stream.indirect.gather [hbm4b:s2+s8], $0x40, s25, s8, $0xb8;
	[tilespmem:$0x12480] =	vst v63  }
0x167: {  	_ = 	snop  }
0x168: {  	[tilespmem:s30], [sflag:$0x1] =	stream.indirect.gather [hbm4b:s2+s8], $0x40, s28, s8, $0xb8;
	[tilespmem:$0x12480] =	vst v63  }
0x169: {  	_ = 	snop  }
0x16a: {  	[tilespmem:s31], [sflag:$0x1] =	stream.indirect.gather [hbm4b:s2+s8], $0x40, s29, s8, $0xb8;
	[tilespmem:$0x12480] =	vst v63  }
0x16b: {  	s0 =	rddreg [dreg:$0x8]  }
0x16c: {  	[tilespmem:s11], [sflag:$0x3] =	stream.linear.gather [hbm4b:s0+s3], $0x240, $0x38;
	[tilespmem:$0x12480] =	vst v63  }
0x16d: {  	_ =	swait.ge [sflag:s21], $0x240  }
0x16e: {  	[sflag:s21] =	ssyncset.done $0x0  }
0x16f: {  	[sflag:s21] =	ssyncadd.s32 $0xFFFFFDC0  }
0x170: {  	_ =	swait.ge [sflag:s4], $0x1800  }
0x171: {  	[sflag:s4] =	ssyncset.done $0x0  }
0x172: {  	[sflag:s4] =	ssyncadd.s32 $0xFFFFE800  }
0x173: {  	_ =	swait.ge [sflag:s4], $0x1800  }
0x174: {  	[sflag:s4] =	ssyncset.done $0x0  }
0x175: {  	[sflag:s4] =	ssyncadd.s32 $0xFFFFE800  }
0x176: {  	_ =	swait.ge [sflag:s4], $0x1800  }
0x177: {  	[sflag:s4] =	ssyncset.done $0x0  }
0x178: {  	[sflag:s4] =	ssyncadd.s32 $0xFFFFE800  }
0x179: {  	_ =	swait.ge [sflag:s4], $0x1800  }
0x17a: {  	[sflag:s4] =	ssyncset.done $0x0  }
0x17b: {  	[sflag:s4] =	ssyncadd.s32 $0xFFFFE800  }
0x17c: {  	_ =	swait.ge [sflag:s4], $0x1800  }
0x17d: {  	[sflag:s4] =	ssyncset.done $0x0  }
0x17e: {  	[sflag:s4] =	ssyncadd.s32 $0xFFFFE800  }
0x17f: {  	_ =	swait.ge [sflag:s4], $0x1800  }
0x180: {  	[sflag:s4] =	ssyncset.done $0x0  }
0x181: {  	s0 =	rddreg [dreg:$0x9];
	[sflag:s4] =	ssyncadd.s32 $0xFFFFE800  }
0x182: {  	[hbm4b:s0+s5] =	stream.strided.scatter [tilespmem:s10], [sflag:$0x2], $0x9000, s6, s5, $0x38;
	[tilespmem:$0x12480] =	vst v63  }
0x183: {  	_ =	swait.ge [sflag:s9], $0x9000  }
0x184: {  	[sflag:s9] =	ssyncset.done $0x0  }
0x185: {  	[sflag:s9] =	ssyncadd.s32 $0xFFFF7000  }
0x186: {  	[tilespmem:s7], [sflag:$0x1] =	stream.indirect.gather [hbm4b:s2+s8], $0x40, s11, s8, $0xb8;
	[tilespmem:$0x12480] =	vst v63  }
0x187: {  	_ = 	snop  }
0x188: {  	[tilespmem:s13], [sflag:$0x1] =	stream.indirect.gather [hbm4b:s2+s8], $0x40, s12, s8, $0xb8;
	[tilespmem:$0x12480] =	vst v63  }
0x189: {  	_ = 	snop  }
0x18a: {  	[tilespmem:s14], [sflag:$0x1] =	stream.indirect.gather [hbm4b:s2+s8], $0x40, s6, s8, $0xb8;
	[tilespmem:$0x12480] =	vst v63  }
0x18b: {  	_ = 	snop  }
0x18c: {  	[tilespmem:s16], [sflag:$0x1] =	stream.indirect.gather [hbm4b:s2+s8], $0x40, s15, s8, $0xb8;
	[tilespmem:$0x12480] =	vst v63  }
0x18d: {  	_ = 	snop  }
0x18e: {  	[tilespmem:s18], [sflag:$0x1] =	stream.indirect.gather [hbm4b:s2+s8], $0x40, s17, s8, $0xb8;
	[tilespmem:$0x12480] =	vst v63  }
0x18f: {  	_ = 	snop  }
0x190: {  	[tilespmem:s20], [sflag:$0x1] =	stream.indirect.gather [hbm4b:s2+s8], $0x40, s19, s8, $0xb8;
	[tilespmem:$0x12480] =	vst v63  }
0x191: {  	s0 =	rddreg [dreg:$0xa]  }
0x192: {  	[tilespmem:s3], [sflag:$0x3] =	stream.linear.gather [hbm4b:s0+s3], $0x240, $0x38;
	[tilespmem:$0x12480] =	vst v63  }
0x193: {  	_ =	swait.ge [sflag:s21], $0x240  }
0x194: {  	[sflag:s21] =	ssyncset.done $0x0  }
0x195: {  	[sflag:s21] =	ssyncadd.s32 $0xFFFFFDC0  }
0x196: {  	_ =	swait.ge [sflag:s4], $0x1800  }
0x197: {  	[sflag:s4] =	ssyncset.done $0x0  }
0x198: {  	[sflag:s4] =	ssyncadd.s32 $0xFFFFE800  }
0x199: {  	_ =	swait.ge [sflag:s4], $0x1800  }
0x19a: {  	[sflag:s4] =	ssyncset.done $0x0  }
0x19b: {  	[sflag:s4] =	ssyncadd.s32 $0xFFFFE800  }
0x19c: {  	_ =	swait.ge [sflag:s4], $0x1800  }
0x19d: {  	[sflag:s4] =	ssyncset.done $0x0  }
0x19e: {  	[sflag:s4] =	ssyncadd.s32 $0xFFFFE800  }
0x19f: {  	_ =	swait.ge [sflag:s4], $0x1800  }
0x1a0: {  	[sflag:s4] =	ssyncset.done $0x0  }
0x1a1: {  	[sflag:s4] =	ssyncadd.s32 $0xFFFFE800  }
0x1a2: {  	_ =	swait.ge [sflag:s4], $0x1800  }
0x1a3: {  	[sflag:s4] =	ssyncset.done $0x0  }
0x1a4: {  	[sflag:s4] =	ssyncadd.s32 $0xFFFFE800  }
0x1a5: {  	_ =	swait.ge [sflag:s4], $0x1800  }
0x1a6: {  	[sflag:s4] =	ssyncset.done $0x0  }
0x1a7: {  	s0 =	rddreg [dreg:$0xb];
	[sflag:s4] =	ssyncadd.s32 $0xFFFFE800  }
0x1a8: {  	[hbm4b:s0+s5] =	stream.strided.scatter [tilespmem:s7], [sflag:$0x2], $0x9000, s6, s5, $0x38;
	[tilespmem:$0x12480] =	vst v63  }
0x1a9: {  	_ =	swait.ge [sflag:s9], $0x9000  }
0x1aa: {  	[sflag:s9] =	ssyncset.done $0x0  }
0x1ab: {  	[sflag:s9] =	ssyncadd.s32 $0xFFFF7000  }
0x1ac: {  	[tilespmem:s10], [sflag:$0x1] =	stream.indirect.gather [hbm4b:s2+s8], $0x40, s3, s8, $0xb8;
	[tilespmem:$0x12480] =	vst v63  }
0x1ad: {  	_ = 	snop  }
0x1ae: {  	[tilespmem:s22], [sflag:$0x1] =	stream.indirect.gather [hbm4b:s2+s8], $0x40, s8, s8, $0xb8;
	[tilespmem:$0x12480] =	vst v63  }
0x1af: {  	_ = 	snop  }
0x1b0: {  	[tilespmem:s24], [sflag:$0x1] =	stream.indirect.gather [hbm4b:s2+s8], $0x40, s23, s8, $0xb8;
	[tilespmem:$0x12480] =	vst v63  }
0x1b1: {  	_ = 	snop  }
0x1b2: {  	[tilespmem:s26], [sflag:$0x1] =	stream.indirect.gather [hbm4b:s2+s8], $0x40, s25, s8, $0xb8;
	[tilespmem:$0x12480] =	vst v63  }
0x1b3: {  	_ = 	snop  }
0x1b4: {  	[tilespmem:s30], [sflag:$0x1] =	stream.indirect.gather [hbm4b:s2+s8], $0x40, s28, s8, $0xb8;
	[tilespmem:$0x12480] =	vst v63  }
0x1b5: {  	_ = 	snop  }
0x1b6: {  	[tilespmem:s31], [sflag:$0x1] =	stream.indirect.gather [hbm4b:s2+s8], $0x40, s29, s8, $0xb8;
	[tilespmem:$0x12480] =	vst v63  }
0x1b7: {  	s0 =	rddreg [dreg:$0xc]  }
0x1b8: {  	[tilespmem:s11], [sflag:$0x3] =	stream.linear.gather [hbm4b:s0+s3], $0x240, $0x38;
	[tilespmem:$0x12480] =	vst v63  }
0x1b9: {  	_ =	swait.ge [sflag:s21], $0x240  }
0x1ba: {  	[sflag:s21] =	ssyncset.done $0x0  }
0x1bb: {  	[sflag:s21] =	ssyncadd.s32 $0xFFFFFDC0  }
0x1bc: {  	_ =	swait.ge [sflag:s4], $0x1800  }
0x1bd: {  	[sflag:s4] =	ssyncset.done $0x0  }
0x1be: {  	[sflag:s4] =	ssyncadd.s32 $0xFFFFE800  }
0x1bf: {  	_ =	swait.ge [sflag:s4], $0x1800  }
0x1c0: {  	[sflag:s4] =	ssyncset.done $0x0  }
0x1c1: {  	[sflag:s4] =	ssyncadd.s32 $0xFFFFE800  }
0x1c2: {  	_ =	swait.ge [sflag:s4], $0x1800  }
0x1c3: {  	[sflag:s4] =	ssyncset.done $0x0  }
0x1c4: {  	[sflag:s4] =	ssyncadd.s32 $0xFFFFE800  }
0x1c5: {  	_ =	swait.ge [sflag:s4], $0x1800  }
0x1c6: {  	[sflag:s4] =	ssyncset.done $0x0  }
0x1c7: {  	[sflag:s4] =	ssyncadd.s32 $0xFFFFE800  }
0x1c8: {  	_ =	swait.ge [sflag:s4], $0x1800  }
0x1c9: {  	[sflag:s4] =	ssyncset.done $0x0  }
0x1ca: {  	[sflag:s4] =	ssyncadd.s32 $0xFFFFE800  }
0x1cb: {  	_ =	swait.ge [sflag:s4], $0x1800  }
0x1cc: {  	[sflag:s4] =	ssyncset.done $0x0  }
0x1cd: {  	s0 =	rddreg [dreg:$0xd];
	[sflag:s4] =	ssyncadd.s32 $0xFFFFE800  }
0x1ce: {  	[hbm4b:s0+s5] =	stream.strided.scatter [tilespmem:s10], [sflag:$0x2], $0x9000, s6, s5, $0x38;
	[tilespmem:$0x12480] =	vst v63  }
0x1cf: {  	_ =	swait.ge [sflag:s9], $0x9000  }
0x1d0: {  	[sflag:s9] =	ssyncset.done $0x0  }
0x1d1: {  	[sflag:s9] =	ssyncadd.s32 $0xFFFF7000  }
0x1d2: {  	[tilespmem:s7], [sflag:$0x1] =	stream.indirect.gather [hbm4b:s2+s8], $0x40, s11, s8, $0xb8;
	[tilespmem:$0x12480] =	vst v63  }
0x1d3: {  	_ = 	snop  }
0x1d4: {  	[tilespmem:s13], [sflag:$0x1] =	stream.indirect.gather [hbm4b:s2+s8], $0x40, s12, s8, $0xb8;
	[tilespmem:$0x12480] =	vst v63  }
0x1d5: {  	_ = 	snop  }
0x1d6: {  	[tilespmem:s14], [sflag:$0x1] =	stream.indirect.gather [hbm4b:s2+s8], $0x40, s6, s8, $0xb8;
	[tilespmem:$0x12480] =	vst v63  }
0x1d7: {  	_ = 	snop  }
0x1d8: {  	[tilespmem:s16], [sflag:$0x1] =	stream.indirect.gather [hbm4b:s2+s8], $0x40, s15, s8, $0xb8;
	[tilespmem:$0x12480] =	vst v63  }
0x1d9: {  	_ = 	snop  }
0x1da: {  	[tilespmem:s18], [sflag:$0x1] =	stream.indirect.gather [hbm4b:s2+s8], $0x40, s17, s8, $0xb8;
	[tilespmem:$0x12480] =	vst v63  }
0x1db: {  	_ = 	snop  }
0x1dc: {  	[tilespmem:s20], [sflag:$0x1] =	stream.indirect.gather [hbm4b:s2+s8], $0x40, s19, s8, $0xb8;
	[tilespmem:$0x12480] =	vst v63  }
0x1dd: {  	_ =	swait.ge [sflag:s4], $0x1800  }
0x1de: {  	[sflag:s4] =	ssyncset.done $0x0  }
0x1df: {  	[sflag:s4] =	ssyncadd.s32 $0xFFFFE800  }
0x1e0: {  	_ =	swait.ge [sflag:s4], $0x1800  }
0x1e1: {  	[sflag:s4] =	ssyncset.done $0x0  }
0x1e2: {  	[sflag:s4] =	ssyncadd.s32 $0xFFFFE800  }
0x1e3: {  	_ =	swait.ge [sflag:s4], $0x1800  }
0x1e4: {  	[sflag:s4] =	ssyncset.done $0x0  }
0x1e5: {  	[sflag:s4] =	ssyncadd.s32 $0xFFFFE800  }
0x1e6: {  	_ =	swait.ge [sflag:s4], $0x1800  }
0x1e7: {  	[sflag:s4] =	ssyncset.done $0x0  }
0x1e8: {  	[sflag:s4] =	ssyncadd.s32 $0xFFFFE800  }
0x1e9: {  	_ =	swait.ge [sflag:s4], $0x1800  }
0x1ea: {  	[sflag:s4] =	ssyncset.done $0x0  }
0x1eb: {  	[sflag:s4] =	ssyncadd.s32 $0xFFFFE800  }
0x1ec: {  	_ =	swait.ge [sflag:s4], $0x1800  }
0x1ed: {  	[sflag:s4] =	ssyncset.done $0x0  }
0x1ee: {  	p1 =	sne.s32 s1, $0x1;
	s0 =	rddreg [dreg:$0xe];
	[sflag:s4] =	ssyncadd.s32 $0xFFFFE800  }
0x1ef: {  	[hbm4b:s0+s5] =	stream.strided.scatter [tilespmem:s7], [sflag:$0x2], $0x9000, s6, s5, $0x38;
	[tilespmem:$0x12480] =	vst v63  }
.Ltmp2:
0x1f0: {  	_ =	swait.ge [sflag:s9], $0x9000;
	(pc) =	sbr.rel @p1 .LBB2_2-.Ltmp2, $4  }
0x1f1: {  	[sflag:s9] =	ssyncset.done $0x0  }
0x1f2: {  	[sflag:s9] =	ssyncadd.s32 $0xFFFF7000  }
0x1f3: {  	_ =	swait.ge [sflag:s9], $0x9000  }
0x1f4: {  	s1 =	sadd.s32 $0xFFFFFFFF, s1;
	s0 =	rddreg [dreg:$0x3];
	[sflag:s9] =	ssyncset.done $0x0  }
.LBB2_3:
0x1f5: {  	[sflag:s9] =	ssyncadd.s32 @p0 $0xFFFF7000  }
0x1f6: {  	[tilespmem:s3], [sflag:$0x3] =	stream.linear.gather [hbm4b:s0+s3], $0x240, $0x38;
	[tilespmem:$0x12480] =	vst v63  }
0x1f7: {  	_ =	swait.ge [sflag:s21], $0x240  }
0x1f8: {  	[sflag:s21] =	ssyncset.done $0x0  }
0x1f9: {  	[sflag:s21] =	ssyncadd.s32 $0xFFFFFDC0  }
0x1fa: {  	[tilespmem:s10], [sflag:$0x1] =	stream.indirect.gather [hbm4b:s2+s8], $0x40, s3, s8, $0xb8;
	[tilespmem:$0x12480] =	vst v63  }
0x1fb: {  	_ = 	snop  }
0x1fc: {  	[tilespmem:s22], [sflag:$0x1] =	stream.indirect.gather [hbm4b:s2+s8], $0x40, s8, s8, $0xb8;
	[tilespmem:$0x12480] =	vst v63  }
0x1fd: {  	_ = 	snop  }
0x1fe: {  	[tilespmem:s24], [sflag:$0x1] =	stream.indirect.gather [hbm4b:s2+s8], $0x40, s23, s8, $0xb8;
	[tilespmem:$0x12480] =	vst v63  }
0x1ff: {  	_ = 	snop  }
0x200: {  	[tilespmem:s26], [sflag:$0x1] =	stream.indirect.gather [hbm4b:s2+s8], $0x40, s25, s8, $0xb8;
	[tilespmem:$0x12480] =	vst v63  }
0x201: {  	_ = 	snop  }
0x202: {  	[tilespmem:s30], [sflag:$0x1] =	stream.indirect.gather [hbm4b:s2+s8], $0x40, s28, s8, $0xb8;
	[tilespmem:$0x12480] =	vst v63  }
0x203: {  	_ = 	snop  }
0x204: {  	[tilespmem:s31], [sflag:$0x1] =	stream.indirect.gather [hbm4b:s2+s8], $0x40, s29, s8, $0xb8;
	[tilespmem:$0x12480] =	vst v63  }
0x205: {  	s1 =	rddreg [dreg:$0x4]  }
0x206: {  	[tilespmem:s11], [sflag:$0x3] =	stream.linear.gather [hbm4b:s1+s3], $0x240, $0x38;
	[tilespmem:$0x12480] =	vst v63  }
0x207: {  	_ =	swait.ge [sflag:s21], $0x240  }
0x208: {  	[sflag:s21] =	ssyncset.done $0x0  }
0x209: {  	[sflag:s21] =	ssyncadd.s32 $0xFFFFFDC0  }
0x20a: {  	_ =	swait.ge [sflag:s4], $0x1800  }
0x20b: {  	[sflag:s4] =	ssyncset.done $0x0  }
0x20c: {  	[sflag:s4] =	ssyncadd.s32 $0xFFFFE800  }
0x20d: {  	_ =	swait.ge [sflag:s4], $0x1800  }
0x20e: {  	[sflag:s4] =	ssyncset.done $0x0  }
0x20f: {  	[sflag:s4] =	ssyncadd.s32 $0xFFFFE800  }
0x210: {  	_ =	swait.ge [sflag:s4], $0x1800  }
0x211: {  	[sflag:s4] =	ssyncset.done $0x0  }
0x212: {  	[sflag:s4] =	ssyncadd.s32 $0xFFFFE800  }
0x213: {  	_ =	swait.ge [sflag:s4], $0x1800  }
0x214: {  	[sflag:s4] =	ssyncset.done $0x0  }
0x215: {  	[sflag:s4] =	ssyncadd.s32 $0xFFFFE800  }
0x216: {  	_ =	swait.ge [sflag:s4], $0x1800  }
0x217: {  	[sflag:s4] =	ssyncset.done $0x0  }
0x218: {  	[sflag:s4] =	ssyncadd.s32 $0xFFFFE800  }
0x219: {  	_ =	swait.ge [sflag:s4], $0x1800  }
0x21a: {  	[sflag:s4] =	ssyncset.done $0x0  }
0x21b: {  	s1 =	rddreg [dreg:$0x5];
	[sflag:s4] =	ssyncadd.s32 $0xFFFFE800  }
0x21c: {  	[hbm4b:s1+s5] =	stream.strided.scatter [tilespmem:s10], [sflag:$0x2], $0x9000, s6, s5, $0x38;
	[tilespmem:$0x12480] =	vst v63  }
0x21d: {  	_ = 	snop  }
0x21e: {  	[tilespmem:s7], [sflag:$0x1] =	stream.indirect.gather [hbm4b:s2+s8], $0x40, s11, s8, $0xb8;
	[tilespmem:$0x12480] =	vst v63  }
0x21f: {  	_ = 	snop  }
0x220: {  	[tilespmem:s13], [sflag:$0x1] =	stream.indirect.gather [hbm4b:s2+s8], $0x40, s12, s8, $0xb8;
	[tilespmem:$0x12480] =	vst v63  }
0x221: {  	_ = 	snop  }
0x222: {  	[tilespmem:s14], [sflag:$0x1] =	stream.indirect.gather [hbm4b:s2+s8], $0x40, s6, s8, $0xb8;
	[tilespmem:$0x12480] =	vst v63  }
0x223: {  	_ = 	snop  }
0x224: {  	[tilespmem:s16], [sflag:$0x1] =	stream.indirect.gather [hbm4b:s2+s8], $0x40, s15, s8, $0xb8;
	[tilespmem:$0x12480] =	vst v63  }
0x225: {  	_ = 	snop  }
0x226: {  	[tilespmem:s18], [sflag:$0x1] =	stream.indirect.gather [hbm4b:s2+s8], $0x40, s17, s8, $0xb8;
	[tilespmem:$0x12480] =	vst v63  }
0x227: {  	_ = 	snop  }
0x228: {  	[tilespmem:s20], [sflag:$0x1] =	stream.indirect.gather [hbm4b:s2+s8], $0x40, s19, s8, $0xb8;
	[tilespmem:$0x12480] =	vst v63  }
0x229: {  	s1 =	rddreg [dreg:$0x6]  }
0x22a: {  	[tilespmem:s3], [sflag:$0x3] =	stream.linear.gather [hbm4b:s1+s3], $0x240, $0x38;
	[tilespmem:$0x12480] =	vst v63  }
0x22b: {  	_ =	swait.ge [sflag:s21], $0x240  }
0x22c: {  	[sflag:s21] =	ssyncset.done $0x0  }
0x22d: {  	[sflag:s21] =	ssyncadd.s32 $0xFFFFFDC0  }
0x22e: {  	_ =	swait.ge [sflag:s4], $0x1800  }
0x22f: {  	[sflag:s4] =	ssyncset.done $0x0  }
0x230: {  	[sflag:s4] =	ssyncadd.s32 $0xFFFFE800  }
0x231: {  	_ =	swait.ge [sflag:s4], $0x1800  }
0x232: {  	[sflag:s4] =	ssyncset.done $0x0  }
0x233: {  	[sflag:s4] =	ssyncadd.s32 $0xFFFFE800  }
0x234: {  	_ =	swait.ge [sflag:s4], $0x1800  }
0x235: {  	[sflag:s4] =	ssyncset.done $0x0  }
0x236: {  	[sflag:s4] =	ssyncadd.s32 $0xFFFFE800  }
0x237: {  	_ =	swait.ge [sflag:s4], $0x1800  }
0x238: {  	[sflag:s4] =	ssyncset.done $0x0  }
0x239: {  	[sflag:s4] =	ssyncadd.s32 $0xFFFFE800  }
0x23a: {  	_ =	swait.ge [sflag:s4], $0x1800  }
0x23b: {  	[sflag:s4] =	ssyncset.done $0x0  }
0x23c: {  	[sflag:s4] =	ssyncadd.s32 $0xFFFFE800  }
0x23d: {  	_ =	swait.ge [sflag:s4], $0x1800  }
0x23e: {  	[sflag:s4] =	ssyncset.done $0x0  }
0x23f: {  	s1 =	rddreg [dreg:$0x7];
	[sflag:s4] =	ssyncadd.s32 $0xFFFFE800  }
0x240: {  	[hbm4b:s1+s5] =	stream.strided.scatter [tilespmem:s7], [sflag:$0x2], $0x9000, s6, s5, $0x38;
	[tilespmem:$0x12480] =	vst v63  }
0x241: {  	_ =	swait.ge [sflag:s9], $0x9000  }
0x242: {  	[sflag:s9] =	ssyncset.done $0x0  }
0x243: {  	[sflag:s9] =	ssyncadd.s32 $0xFFFF7000  }
0x244: {  	[tilespmem:s10], [sflag:$0x1] =	stream.indirect.gather [hbm4b:s2+s8], $0x40, s3, s8, $0xb8;
	[tilespmem:$0x12480] =	vst v63  }
0x245: {  	_ = 	snop  }
0x246: {  	[tilespmem:s22], [sflag:$0x1] =	stream.indirect.gather [hbm4b:s2+s8], $0x40, s8, s8, $0xb8;
	[tilespmem:$0x12480] =	vst v63  }
0x247: {  	_ = 	snop  }
0x248: {  	[tilespmem:s24], [sflag:$0x1] =	stream.indirect.gather [hbm4b:s2+s8], $0x40, s23, s8, $0xb8;
	[tilespmem:$0x12480] =	vst v63  }
0x249: {  	_ = 	snop  }
0x24a: {  	[tilespmem:s26], [sflag:$0x1] =	stream.indirect.gather [hbm4b:s2+s8], $0x40, s25, s8, $0xb8;
	[tilespmem:$0x12480] =	vst v63  }
0x24b: {  	_ = 	snop  }
0x24c: {  	[tilespmem:s30], [sflag:$0x1] =	stream.indirect.gather [hbm4b:s2+s8], $0x40, s28, s8, $0xb8;
	[tilespmem:$0x12480] =	vst v63  }
0x24d: {  	_ = 	snop  }
0x24e: {  	[tilespmem:s31], [sflag:$0x1] =	stream.indirect.gather [hbm4b:s2+s8], $0x40, s29, s8, $0xb8;
	[tilespmem:$0x12480] =	vst v63  }
0x24f: {  	s1 =	rddreg [dreg:$0x8]  }
0x250: {  	[tilespmem:s11], [sflag:$0x3] =	stream.linear.gather [hbm4b:s1+s3], $0x240, $0x38;
	[tilespmem:$0x12480] =	vst v63  }
0x251: {  	_ =	swait.ge [sflag:s21], $0x240  }
0x252: {  	[sflag:s21] =	ssyncset.done $0x0  }
0x253: {  	[sflag:s21] =	ssyncadd.s32 $0xFFFFFDC0  }
0x254: {  	_ =	swait.ge [sflag:s4], $0x1800  }
0x255: {  	[sflag:s4] =	ssyncset.done $0x0  }
0x256: {  	[sflag:s4] =	ssyncadd.s32 $0xFFFFE800  }
0x257: {  	_ =	swait.ge [sflag:s4], $0x1800  }
0x258: {  	[sflag:s4] =	ssyncset.done $0x0  }
0x259: {  	[sflag:s4] =	ssyncadd.s32 $0xFFFFE800  }
0x25a: {  	_ =	swait.ge [sflag:s4], $0x1800  }
0x25b: {  	[sflag:s4] =	ssyncset.done $0x0  }
0x25c: {  	[sflag:s4] =	ssyncadd.s32 $0xFFFFE800  }
0x25d: {  	_ =	swait.ge [sflag:s4], $0x1800  }
0x25e: {  	[sflag:s4] =	ssyncset.done $0x0  }
0x25f: {  	[sflag:s4] =	ssyncadd.s32 $0xFFFFE800  }
0x260: {  	_ =	swait.ge [sflag:s4], $0x1800  }
0x261: {  	[sflag:s4] =	ssyncset.done $0x0  }
0x262: {  	[sflag:s4] =	ssyncadd.s32 $0xFFFFE800  }
0x263: {  	_ =	swait.ge [sflag:s4], $0x1800  }
0x264: {  	[sflag:s4] =	ssyncset.done $0x0  }
0x265: {  	s1 =	rddreg [dreg:$0x9];
	[sflag:s4] =	ssyncadd.s32 $0xFFFFE800  }
0x266: {  	[hbm4b:s1+s5] =	stream.strided.scatter [tilespmem:s10], [sflag:$0x2], $0x9000, s6, s5, $0x38;
	[tilespmem:$0x12480] =	vst v63  }
0x267: {  	_ =	swait.ge [sflag:s9], $0x9000  }
0x268: {  	[sflag:s9] =	ssyncset.done $0x0  }
0x269: {  	[sflag:s9] =	ssyncadd.s32 $0xFFFF7000  }
0x26a: {  	[tilespmem:s7], [sflag:$0x1] =	stream.indirect.gather [hbm4b:s2+s8], $0x40, s11, s8, $0xb8;
	[tilespmem:$0x12480] =	vst v63  }
0x26b: {  	_ = 	snop  }
0x26c: {  	[tilespmem:s13], [sflag:$0x1] =	stream.indirect.gather [hbm4b:s2+s8], $0x40, s12, s8, $0xb8;
	[tilespmem:$0x12480] =	vst v63  }
0x26d: {  	_ = 	snop  }
0x26e: {  	[tilespmem:s14], [sflag:$0x1] =	stream.indirect.gather [hbm4b:s2+s8], $0x40, s6, s8, $0xb8;
	[tilespmem:$0x12480] =	vst v63  }
0x26f: {  	_ = 	snop  }
0x270: {  	[tilespmem:s16], [sflag:$0x1] =	stream.indirect.gather [hbm4b:s2+s8], $0x40, s15, s8, $0xb8;
	[tilespmem:$0x12480] =	vst v63  }
0x271: {  	_ = 	snop  }
0x272: {  	[tilespmem:s18], [sflag:$0x1] =	stream.indirect.gather [hbm4b:s2+s8], $0x40, s17, s8, $0xb8;
	[tilespmem:$0x12480] =	vst v63  }
0x273: {  	_ = 	snop  }
0x274: {  	[tilespmem:s20], [sflag:$0x1] =	stream.indirect.gather [hbm4b:s2+s8], $0x40, s19, s8, $0xb8;
	[tilespmem:$0x12480] =	vst v63  }
0x275: {  	s1 =	rddreg [dreg:$0xa]  }
0x276: {  	[tilespmem:s3], [sflag:$0x3] =	stream.linear.gather [hbm4b:s1+s3], $0x240, $0x38;
	[tilespmem:$0x12480] =	vst v63  }
0x277: {  	_ =	swait.ge [sflag:s21], $0x240  }
0x278: {  	[sflag:s21] =	ssyncset.done $0x0  }
0x279: {  	[sflag:s21] =	ssyncadd.s32 $0xFFFFFDC0  }
0x27a: {  	_ =	swait.ge [sflag:s4], $0x1800  }
0x27b: {  	[sflag:s4] =	ssyncset.done $0x0  }
0x27c: {  	[sflag:s4] =	ssyncadd.s32 $0xFFFFE800  }
0x27d: {  	_ =	swait.ge [sflag:s4], $0x1800  }
0x27e: {  	[sflag:s4] =	ssyncset.done $0x0  }
0x27f: {  	[sflag:s4] =	ssyncadd.s32 $0xFFFFE800  }
0x280: {  	_ =	swait.ge [sflag:s4], $0x1800  }
0x281: {  	[sflag:s4] =	ssyncset.done $0x0  }
0x282: {  	[sflag:s4] =	ssyncadd.s32 $0xFFFFE800  }
0x283: {  	_ =	swait.ge [sflag:s4], $0x1800  }
0x284: {  	[sflag:s4] =	ssyncset.done $0x0  }
0x285: {  	[sflag:s4] =	ssyncadd.s32 $0xFFFFE800  }
0x286: {  	_ =	swait.ge [sflag:s4], $0x1800  }
0x287: {  	[sflag:s4] =	ssyncset.done $0x0  }
0x288: {  	[sflag:s4] =	ssyncadd.s32 $0xFFFFE800  }
0x289: {  	_ =	swait.ge [sflag:s4], $0x1800  }
0x28a: {  	[sflag:s4] =	ssyncset.done $0x0  }
0x28b: {  	s1 =	rddreg [dreg:$0xb];
	[sflag:s4] =	ssyncadd.s32 $0xFFFFE800  }
0x28c: {  	[hbm4b:s1+s5] =	stream.strided.scatter [tilespmem:s7], [sflag:$0x2], $0x9000, s6, s5, $0x38;
	[tilespmem:$0x12480] =	vst v63  }
0x28d: {  	_ =	swait.ge [sflag:s9], $0x9000  }
0x28e: {  	[sflag:s9] =	ssyncset.done $0x0  }
0x28f: {  	[sflag:s9] =	ssyncadd.s32 $0xFFFF7000  }
0x290: {  	[tilespmem:s10], [sflag:$0x1] =	stream.indirect.gather [hbm4b:s2+s8], $0x40, s3, s8, $0xb8;
	[tilespmem:$0x12480] =	vst v63  }
0x291: {  	_ = 	snop  }
0x292: {  	[tilespmem:s22], [sflag:$0x1] =	stream.indirect.gather [hbm4b:s2+s8], $0x40, s8, s8, $0xb8;
	[tilespmem:$0x12480] =	vst v63  }
0x293: {  	_ = 	snop  }
0x294: {  	[tilespmem:s24], [sflag:$0x1] =	stream.indirect.gather [hbm4b:s2+s8], $0x40, s23, s8, $0xb8;
	[tilespmem:$0x12480] =	vst v63  }
0x295: {  	_ = 	snop  }
0x296: {  	[tilespmem:s26], [sflag:$0x1] =	stream.indirect.gather [hbm4b:s2+s8], $0x40, s25, s8, $0xb8;
	[tilespmem:$0x12480] =	vst v63  }
0x297: {  	_ = 	snop  }
0x298: {  	[tilespmem:s30], [sflag:$0x1] =	stream.indirect.gather [hbm4b:s2+s8], $0x40, s28, s8, $0xb8;
	[tilespmem:$0x12480] =	vst v63  }
0x299: {  	_ = 	snop  }
0x29a: {  	[tilespmem:s31], [sflag:$0x1] =	stream.indirect.gather [hbm4b:s2+s8], $0x40, s29, s8, $0xb8;
	[tilespmem:$0x12480] =	vst v63  }
0x29b: {  	s28 =	rddreg [dreg:$0xc]  }
0x29c: {  	[tilespmem:s11], [sflag:$0x3] =	stream.linear.gather [hbm4b:s28+s3], $0x240, $0x38;
	[tilespmem:$0x12480] =	vst v63  }
0x29d: {  	_ =	swait.ge [sflag:s21], $0x240  }
0x29e: {  	[sflag:s21] =	ssyncset.done $0x0  }
0x29f: {  	[sflag:s21] =	ssyncadd.s32 $0xFFFFFDC0  }
0x2a0: {  	_ =	swait.ge [sflag:s4], $0x1800  }
0x2a1: {  	[sflag:s4] =	ssyncset.done $0x0  }
0x2a2: {  	[sflag:s4] =	ssyncadd.s32 $0xFFFFE800  }
0x2a3: {  	_ =	swait.ge [sflag:s4], $0x1800  }
0x2a4: {  	[sflag:s4] =	ssyncset.done $0x0  }
0x2a5: {  	[sflag:s4] =	ssyncadd.s32 $0xFFFFE800  }
0x2a6: {  	_ =	swait.ge [sflag:s4], $0x1800  }
0x2a7: {  	[sflag:s4] =	ssyncset.done $0x0  }
0x2a8: {  	[sflag:s4] =	ssyncadd.s32 $0xFFFFE800  }
0x2a9: {  	_ =	swait.ge [sflag:s4], $0x1800  }
0x2aa: {  	[sflag:s4] =	ssyncset.done $0x0  }
0x2ab: {  	[sflag:s4] =	ssyncadd.s32 $0xFFFFE800  }
0x2ac: {  	_ =	swait.ge [sflag:s4], $0x1800  }
0x2ad: {  	[sflag:s4] =	ssyncset.done $0x0  }
0x2ae: {  	[sflag:s4] =	ssyncadd.s32 $0xFFFFE800  }
0x2af: {  	_ =	swait.ge [sflag:s4], $0x1800  }
0x2b0: {  	[sflag:s4] =	ssyncset.done $0x0  }
0x2b1: {  	s29 =	rddreg [dreg:$0xd];
	[sflag:s4] =	ssyncadd.s32 $0xFFFFE800  }
0x2b2: {  	[hbm4b:s29+s5] =	stream.strided.scatter [tilespmem:s10], [sflag:$0x2], $0x9000, s6, s5, $0x38;
	[tilespmem:$0x12480] =	vst v63  }
0x2b3: {  	_ =	swait.ge [sflag:s9], $0x9000  }
0x2b4: {  	[sflag:s9] =	ssyncset.done $0x0  }
0x2b5: {  	[sflag:s9] =	ssyncadd.s32 $0xFFFF7000  }
0x2b6: {  	[tilespmem:s7], [sflag:$0x1] =	stream.indirect.gather [hbm4b:s2+s8], $0x40, s11, s8, $0xb8;
	[tilespmem:$0x12480] =	vst v63  }
0x2b7: {  	_ = 	snop  }
0x2b8: {  	[tilespmem:s13], [sflag:$0x1] =	stream.indirect.gather [hbm4b:s2+s8], $0x40, s12, s8, $0xb8;
	[tilespmem:$0x12480] =	vst v63  }
0x2b9: {  	_ = 	snop  }
0x2ba: {  	[tilespmem:s14], [sflag:$0x1] =	stream.indirect.gather [hbm4b:s2+s8], $0x40, s6, s8, $0xb8;
	[tilespmem:$0x12480] =	vst v63  }
0x2bb: {  	_ = 	snop  }
0x2bc: {  	[tilespmem:s16], [sflag:$0x1] =	stream.indirect.gather [hbm4b:s2+s8], $0x40, s15, s8, $0xb8;
	[tilespmem:$0x12480] =	vst v63  }
0x2bd: {  	_ = 	snop  }
0x2be: {  	[tilespmem:s18], [sflag:$0x1] =	stream.indirect.gather [hbm4b:s2+s8], $0x40, s17, s8, $0xb8;
	[tilespmem:$0x12480] =	vst v63  }
0x2bf: {  	_ = 	snop  }
0x2c0: {  	[tilespmem:s20], [sflag:$0x1] =	stream.indirect.gather [hbm4b:s2+s8], $0x40, s19, s8, $0xb8;
	[tilespmem:$0x12480] =	vst v63  }
0x2c1: {  	_ =	swait.ge [sflag:s4], $0x1800  }
0x2c2: {  	[sflag:s4] =	ssyncset.done $0x0  }
0x2c3: {  	[sflag:s4] =	ssyncadd.s32 $0xFFFFE800  }
0x2c4: {  	_ =	swait.ge [sflag:s4], $0x1800  }
0x2c5: {  	[sflag:s4] =	ssyncset.done $0x0  }
0x2c6: {  	[sflag:s4] =	ssyncadd.s32 $0xFFFFE800  }
0x2c7: {  	_ =	swait.ge [sflag:s4], $0x1800  }
0x2c8: {  	[sflag:s4] =	ssyncset.done $0x0  }
0x2c9: {  	[sflag:s4] =	ssyncadd.s32 $0xFFFFE800  }
0x2ca: {  	_ =	swait.ge [sflag:s4], $0x1800  }
0x2cb: {  	[sflag:s4] =	ssyncset.done $0x0  }
0x2cc: {  	[sflag:s4] =	ssyncadd.s32 $0xFFFFE800  }
0x2cd: {  	_ =	swait.ge [sflag:s4], $0x1800  }
0x2ce: {  	[sflag:s4] =	ssyncset.done $0x0  }
0x2cf: {  	[sflag:s4] =	ssyncadd.s32 $0xFFFFE800  }
0x2d0: {  	_ =	swait.ge [sflag:s4], $0x1800  }
0x2d1: {  	[sflag:s4] =	ssyncset.done $0x0  }
0x2d2: {  	s30 =	rddreg [dreg:$0xe];
	[sflag:s4] =	ssyncadd.s32 $0xFFFFE800  }
0x2d3: {  	[hbm4b:s30+s5] =	stream.strided.scatter [tilespmem:s7], [sflag:$0x2], $0x9000, s6, s5, $0x38;
	[tilespmem:$0x12480] =	vst v63  }
0x2d4: {  	_ =	swait.ge [sflag:s9], $0x9000  }
0x2d5: {  	[sflag:s9] =	ssyncset.done $0x0  }
0x2d6: {  	[sflag:s9] =	ssyncadd.s32 $0xFFFF7000  }
0x2d7: {  	_ =	swait.ge [sflag:s9], $0x9000  }
0x2d8: {  	[sflag:s9] =	ssyncset.done $0x0  }
0x2d9: {  	[sflag:s9] =	ssyncadd.s32 $0xFFFF7000  }
0x2da: {  	_ =	sfence.sel $0x180000  }
0x2db: {  	[bflag:$0x0] =	sbarrier.arrive $0xFFFF  }
0x2dc: {  	_ =	strace $0x90000047  }
0x2dd: {  	s31 =	stileid.u32;
	[bflag:$0x2] =	sbarrier.arrive $0xFFFF  }
0x2de: {  	p0 =	sne.s32 s31, $0x0;
	s0 =	rddreg [dreg:$0x2]  }
0x2df: {  	s0 =	sadd.s32 @!p0 $0x100000, s0  }
0x2e0: {  	[sflag:s0] =	ssyncadd.tile.s32 @!p0 $0x1;
	_ =	shalt  }
.Lfunc_end2:
_tile_overlayer_lowered:
.L_overlay_start_2:
0x2e1: {  	(tag) =	ssettag $0x2  }
0x2e2: {  	s0 =	rddreg [dreg:$0x0];
	s2 =	stileid.u32  }
0x2e3: {  	s1 =	rddreg [dreg:$0x1];
	p0 =	sne.s32 s2, $0x0  }
0x2e4: {  	s3 =	rddreg [dreg:$0x2];
	[bflag:$0x3] =	sbarrier.arrive $0xFFFF;
	s2 =	simm.s32 @!p0 $0x1C03  }
0x2e5: {  	[timem:s3], [sflag:s2] =	dma.local @!p0 [hbm:s0], s1  }
0x2e6: {  	s0 =	simm.s32 @!p0 $0x3  }
0x2e7: {  	_ =	swait.ge @!p0 [sflag:s0], s1  }
0x2e8: {  	s1 =	ssub.s32 @!p0 $0x0, s1;
	[sflag:s0] =	ssyncset.done @!p0 $0x0  }
0x2e9: {  	[sflag:s0] =	ssyncadd.s32 @!p0 s1  }
0x2ea: {  	[bflag:$0x3] =	sbarrier.arrive $0xFFFF  }
0x2eb: {  	_ =	shalt  }

</sc_bundles>
